<compile_context>
chip_gen: v7x
topology: tpu7x:2x2x1
jax: 0.10.2.dev20260603
libtpu: 0.0.44.dev20260713+nightly
codegen_flags: <defaults>
</compile_context>

<pallas_src>
import functools

import jax
import jax.numpy as jnp
from jax import lax
from jax.experimental import pallas as pl
from jax.experimental.pallas import tpu as pltpu
from jax.experimental.pallas import tpu_sc as plsc

_N = 4096
_DIN = 384
_DH = 512
_K = 6
_KP = 8
_NCLS = 2
_SCALE = _DH ** (-0.5)
_BR = 256
_NSPLIT = 2



def _fc1_body(xs_ref, w_ref, b_ref, x0_ref, cs_ref):
    y = jnp.dot(xs_ref[...], w_ref[...], preferred_element_type=jnp.float32)
    y = y + b_ref[...]
    y = jnp.where(y >= 0, y, 0.01 * y)
    x0_ref[...] = y
    s = jnp.sum(y, axis=0, keepdims=True)

    @pl.when(pl.program_id(0) == 0)
    def _():
        cs_ref[...] = s

    @pl.when(pl.program_id(0) != 0)
    def _():
        cs_ref[...] = cs_ref[...] + s


def _fc1_stage(x_s, fc1_W, fc1_b2):
    return pl.pallas_call(
        _fc1_body,
        grid=(_N // _BR,),
        in_specs=[
            pl.BlockSpec((_BR, _DIN), lambda i: (i, 0)),
            pl.BlockSpec((_DIN, _DH), lambda i: (0, 0)),
            pl.BlockSpec((1, _DH), lambda i: (0, 0)),
        ],
        out_specs=[
            pl.BlockSpec((_BR, _DH), lambda i: (i, 0)),
            pl.BlockSpec((1, _DH), lambda i: (0, 0)),
        ],
        out_shape=[
            jax.ShapeDtypeStruct((_N, _DH), jnp.float32),
            jax.ShapeDtypeStruct((1, _DH), jnp.float32),
        ],
    )(x_s, fc1_W, fc1_b2)




def _proj_body(x0_ref, cs_ref, wh_ref, bh_ref, wt_ref, bt_ref, eh_ref, et_ref):
    x = (x0_ref[...] + cs_ref[...] * (1.0 / _N)) * 0.5
    eh_ref[...] = jnp.dot(x, wh_ref[...], preferred_element_type=jnp.float32) + bh_ref[...]
    et_ref[...] = jnp.dot(x, wt_ref[...], preferred_element_type=jnp.float32) + bt_ref[...]


def _proj_stage(x0, csum, Wh_W, bh2, Wt_W, bt2):
    return pl.pallas_call(
        _proj_body,
        grid=(_N // _BR,),
        in_specs=[
            pl.BlockSpec((_BR, _DH), lambda i: (i, 0)),
            pl.BlockSpec((1, _DH), lambda i: (0, 0)),
            pl.BlockSpec((_DH, _DH), lambda i: (0, 0)),
            pl.BlockSpec((1, _DH), lambda i: (0, 0)),
            pl.BlockSpec((_DH, _DH), lambda i: (0, 0)),
            pl.BlockSpec((1, _DH), lambda i: (0, 0)),
        ],
        out_specs=[
            pl.BlockSpec((_BR, _DH), lambda i: (i, 0)),
            pl.BlockSpec((_BR, _DH), lambda i: (i, 0)),
        ],
        out_shape=[
            jax.ShapeDtypeStruct((_N, _DH), jnp.float32),
            jax.ShapeDtypeStruct((_N, _DH), jnp.float32),
        ],
    )(x0, csum, Wh_W, bh2, Wt_W, bt2)




def _topk_body(eh_ref, et_ref, p_ref, idx_ref):
    eh = eh_ref[...] * _SCALE
    logits = lax.dot_general(
        eh, et_ref[...], (((1,), (1,)), ((), ())),
        preferred_element_type=jnp.float32)
    imin = jnp.int32(-2147483648)
    ib = lax.bitcast_convert_type(logits, jnp.int32)
    ks = jnp.where(ib >= 0, ib, jnp.bitwise_xor(jnp.bitwise_not(ib), imin))
    colrev = (jnp.int32(_N - 1)
              - lax.broadcasted_iota(jnp.int32, (_BR, _N), 1))
    packed = jnp.bitwise_or(jnp.bitwise_and(ks, jnp.int32(-4096)), colrev)
    ws = []
    mu = jnp.max(packed, axis=1)
    for k in range(_K):
        if k > 0:
            muc = mu + imin
            mu = muc + jnp.max(packed - muc[:, None], axis=1)
        ik = jnp.int32(_N - 1) - jnp.bitwise_and(mu, jnp.int32(_N - 1))
        idx_ref[k:k + 1, :] = ik[None, :]
        kh = jnp.bitwise_and(mu, jnp.int32(-4096))
        ib2 = jnp.where(kh >= 0, kh,
                        jnp.bitwise_not(jnp.bitwise_xor(kh, imin)))
        ws.append(lax.bitcast_convert_type(ib2, jnp.float32))
    mm = ws[0]
    es = [jnp.exp(w - mm) for w in ws]
    tot = es[0]
    for e in es[1:]:
        tot = tot + e
    for k in range(_K):
        p_ref[:, k:k + 1] = (es[k] / tot)[:, None]


def _topk_stage(e_h_c, e_t):
    rows = e_h_c.shape[0]
    return pl.pallas_call(
        _topk_body,
        grid=(rows // _BR,),
        in_specs=[
            pl.BlockSpec((_BR, _DH), lambda i: (i, 0)),
            pl.BlockSpec((_N, _DH), lambda i: (0, 0)),
        ],
        out_specs=[
            pl.BlockSpec((_BR, _KP), lambda i: (i, 0)),
            pl.BlockSpec((_KP, _BR), lambda i: (0, i)),
        ],
        out_shape=[
            jax.ShapeDtypeStruct((rows, _KP), jnp.float32),
            jax.ShapeDtypeStruct((_KP, rows), jnp.int32),
        ],
    )(e_h_c, e_t)



_NW = 32
_CH = 64
_NBUF = 3


def _sc_gather_body(nch, table_hbm, idx_hbm, out_hbm, idx_v, buf0, buf1, buf2,
                    g0, g1, g2, s0, s1, s2):
    bpw = nch * _CH
    wid = lax.axis_index("s") * 2 + lax.axis_index("c")
    base = wid * bpw
    pltpu.sync_copy(idx_hbm.at[pl.ds(base, bpw)], idx_v)
    bufs = (buf0, buf1, buf2)
    gsems = (g0, g1, g2)
    ssems = (s0, s1, s2)
    gd = [None] * _NBUF
    sd = [None] * _NBUF

    def start_gather(c):
        b = c % _NBUF
        if sd[b] is not None:
            sd[b].wait()
            sd[b] = None
        d = pltpu.make_async_copy(
            table_hbm.at[idx_v.at[pl.ds(c * _CH, _CH)]], bufs[b], gsems[b])
        d.start()
        gd[b] = d

    start_gather(0)
    if nch > 1:
        start_gather(1)
    for c in range(nch):
        b = c % _NBUF
        gd[b].wait()
        d = pltpu.make_async_copy(
            bufs[b], out_hbm.at[pl.ds(base + c * _CH, _CH)], ssems[b])
        d.start()
        sd[b] = d
        if c + 2 < nch:
            start_gather(c + 2)
    for b in range(_NBUF):
        if sd[b] is not None:
            sd[b].wait()


def _sc_gather(table, idx_flat):
    nrows = idx_flat.shape[0]
    bpw = nrows // _NW
    nch = bpw // _CH
    mesh = plsc.VectorSubcoreMesh(core_axis_name="c", subcore_axis_name="s")
    fn = functools.partial(
        pl.kernel,
        mesh=mesh,
        out_type=jax.ShapeDtypeStruct((nrows, _DH), jnp.float32),
        scratch_types=[
            pltpu.VMEM((bpw,), jnp.int32),
            pltpu.VMEM((_CH, _DH), jnp.float32),
            pltpu.VMEM((_CH, _DH), jnp.float32),
            pltpu.VMEM((_CH, _DH), jnp.float32),
            pltpu.SemaphoreType.DMA,
            pltpu.SemaphoreType.DMA,
            pltpu.SemaphoreType.DMA,
            pltpu.SemaphoreType.DMA,
            pltpu.SemaphoreType.DMA,
            pltpu.SemaphoreType.DMA,
        ],
    )(functools.partial(_sc_gather_body, nch))
    return fn(table, idx_flat)




def _agg_body(eh_ref, p_ref, nb_ref, l1w_ref, l1b_ref, l2w_ref, l2b_ref,
              a1w_ref, a1b_ref, a2w_ref, a2b_ref, h_ref, gs_ref):
    eh = eh_ref[...]
    kas = []
    for k in range(_K):
        nbk = nb_ref[k]
        pk = p_ref[:, k:k + 1]
        ehr = pk * nbk + (1.0 - pk) * eh
        gate = jnp.tanh(eh + ehr)
        ka = (jnp.sum(nbk, axis=1, keepdims=True)
              * jnp.sum(gate, axis=1, keepdims=True))
        kas.append(ka)
    mka = kas[0]
    for ka in kas[1:]:
        mka = jnp.maximum(mka, ka)
    eks = [jnp.exp(ka - mka) for ka in kas]
    tot = eks[0]
    for e in eks[1:]:
        tot = tot + e
    e_nh = (eks[0] / tot) * nb_ref[0]
    for k in range(1, _K):
        e_nh = e_nh + (eks[k] / tot) * nb_ref[k]
    sum_emb = jnp.dot(eh + e_nh, l1w_ref[...],
                      preferred_element_type=jnp.float32) + l1b_ref[...]
    sum_emb = jnp.where(sum_emb >= 0, sum_emb, 0.01 * sum_emb)
    bi_emb = jnp.dot(eh * e_nh, l2w_ref[...],
                     preferred_element_type=jnp.float32) + l2b_ref[...]
    bi_emb = jnp.where(bi_emb >= 0, bi_emb, 0.01 * bi_emb)
    h = sum_emb + bi_emb
    h_ref[...] = h
    g1 = jnp.dot(h, a1w_ref[...], preferred_element_type=jnp.float32) + a1b_ref[...]
    g1 = jnp.where(g1 >= 0, g1, 0.01 * g1)
    gs = jnp.sum(g1 * a2w_ref[...], axis=1, keepdims=True) + a2b_ref[...]
    gs_ref[:, 0:1] = gs


def _agg_stage(e_h_c, p, nb3, l1_W, l1b2, l2_W, l2b2, att1_W, a1b2, a2wr, a2b2):
    rows = e_h_c.shape[0]
    return pl.pallas_call(
        _agg_body,
        grid=(rows // _BR,),
        in_specs=[
            pl.BlockSpec((_BR, _DH), lambda i: (i, 0)),
            pl.BlockSpec((_BR, _KP), lambda i: (i, 0)),
            pl.BlockSpec((_K, _BR, _DH), lambda i: (0, i, 0)),
            pl.BlockSpec((_DH, _DH), lambda i: (0, 0)),
            pl.BlockSpec((1, _DH), lambda i: (0, 0)),
            pl.BlockSpec((_DH, _DH), lambda i: (0, 0)),
            pl.BlockSpec((1, _DH), lambda i: (0, 0)),
            pl.BlockSpec((_DH, _DH // 2), lambda i: (0, 0)),
            pl.BlockSpec((1, _DH // 2), lambda i: (0, 0)),
            pl.BlockSpec((1, _DH // 2), lambda i: (0, 0)),
            pl.BlockSpec((1, 1), lambda i: (0, 0)),
        ],
        out_specs=[
            pl.BlockSpec((_BR, _DH), lambda i: (i, 0)),
            pl.BlockSpec((_BR, _KP), lambda i: (i, 0)),
        ],
        out_shape=[
            jax.ShapeDtypeStruct((rows, _DH), jnp.float32),
            jax.ShapeDtypeStruct((rows, _KP), jnp.float32),
        ],
    )(e_h_c, p, nb3, l1_W, l1b2, l2_W, l2b2, att1_W, a1b2, a2wr, a2b2)




def _readout_body(g_ref, b_ref, fcwt_ref, fcb_ref, *rest):
    h_refs = rest[:_NSPLIT]
    gs_refs = rest[_NSPLIT:2 * _NSPLIT]
    lg_ref, yp_ref = rest[2 * _NSPLIT], rest[2 * _NSPLIT + 1]
    gss = [r[...][:, 0:1] for r in gs_refs]
    m = jnp.max(gss[0], axis=0, keepdims=True)
    for g in gss[1:]:
        m = jnp.maximum(m, jnp.max(g, axis=0, keepdims=True))
    es = [jnp.exp(g - m) for g in gss]
    tot = jnp.sum(es[0], axis=0, keepdims=True)
    for e in es[1:]:
        tot = tot + jnp.sum(e, axis=0, keepdims=True)
    hp = jnp.sum(es[0] * h_refs[0][...], axis=0, keepdims=True)
    for e, hr in zip(es[1:], h_refs[1:]):
        hp = hp + jnp.sum(e * hr[...], axis=0, keepdims=True)
    hp = hp / tot
    mu = jnp.mean(hp, axis=1, keepdims=True)
    var = jnp.mean((hp - mu) ** 2, axis=1, keepdims=True)
    hn = (hp - mu) / jnp.sqrt(var + 1e-5) * g_ref[...] + b_ref[...]
    lgs = []
    for c in range(_NCLS):
        v = jnp.sum(hn * fcwt_ref[c:c + 1, :], axis=1, keepdims=True)
        lgs.append(v + fcb_ref[:, c:c + 1])
    m2 = jnp.maximum(lgs[0], lgs[1])
    e2 = [jnp.exp(v - m2) for v in lgs]
    s2 = e2[0] + e2[1]
    for c in range(_NCLS):
        lg_ref[:, c:c + 1] = lgs[c]
        yp_ref[:, c:c + 1] = e2[c] / s2


def _readout_stage(hs, gss, ln_g2, ln_b2, fc_WT, fc_b2):
    return pl.pallas_call(
        _readout_body,
        out_shape=[
            jax.ShapeDtypeStruct((1, _NCLS), jnp.float32),
            jax.ShapeDtypeStruct((1, _NCLS), jnp.float32),
        ],
    )(ln_g2, ln_b2, fc_WT, fc_b2, *hs, *gss)




def kernel(x_s, fc1_W, fc1_b, Wh_W, Wh_b, Wt_W, Wt_b, l1_W, l1_b, l2_W, l2_b,
           att1_W, att1_b, att2_W, att2_b, ln_g, ln_b, fc_W, fc_b):
    fc1_b2 = fc1_b.reshape(1, _DH)
    bh2 = Wh_b.reshape(1, _DH)
    bt2 = Wt_b.reshape(1, _DH)
    l1b2 = l1_b.reshape(1, _DH)
    l2b2 = l2_b.reshape(1, _DH)
    a1b2 = att1_b.reshape(1, _DH // 2)
    a2wr = att2_W.reshape(1, _DH // 2)
    a2b2 = att2_b.reshape(1, 1)
    ln_g2 = ln_g.reshape(1, _DH)
    ln_b2 = ln_b.reshape(1, _DH)
    fc_WT = fc_W.T
    fc_b2 = fc_b.reshape(1, _NCLS)

    x0, csum = _fc1_stage(x_s, fc1_W, fc1_b2)
    e_h, e_t = _proj_stage(x0, csum, Wh_W, bh2, Wt_W, bt2)

    rows = _N // _NSPLIT
    ehcs, pcs, nbcs = [], [], []
    for c in range(_NSPLIT):
        ehc = lax.slice(e_h, (c * rows, 0), ((c + 1) * rows, _DH))
        p_c, idx_c = _topk_stage(ehc, e_t)
        idx_flat = idx_c[:_K].reshape(_K * rows)
        nb_c = _sc_gather(e_t, idx_flat)
        ehcs.append(ehc)
        pcs.append(p_c)
        nbcs.append(nb_c.reshape(_K, rows, _DH))
    hs, gss = [], []
    for c in range(_NSPLIT):
        h_c, gs_c = _agg_stage(ehcs[c], pcs[c], nbcs[c], l1_W, l1b2, l2_W,
                               l2b2, att1_W, a1b2, a2wr, a2b2)
        hs.append(h_c)
        gss.append(gs_c)
    logits, y_prob = _readout_stage(hs, gss, ln_g2, ln_b2, fc_WT, fc_b2)
    return logits, y_prob

# --- scband reference (transcript-rebuilt; emitter-appended) ---
"""Pipeline reference for scband-wi-kg-49538152792237 (READ-ONLY COPY).

The authoritative reference and input builder live on the scoring server;
editing this copy changes nothing except your own understanding.
"""

import jax, jax.numpy as jnp
import numpy as np

N = 4096
DIN = 384
DH = 512
K = 6
NC = 2
SCALE = DH ** (-0.5)


def setup_inputs(seed: int = 0) -> dict:
    key = jax.random.key(seed)
    ks = jax.random.split(key, 12)
    s = lambda i, shape: jax.random.normal(ks[i], shape, dtype=jnp.float32) * 0.02
    return {
        'x_s': jax.random.normal(ks[0], (N, DIN), dtype=jnp.float32),
        'fc1_W': s(1, (DIN, DH)), 'fc1_b': jnp.zeros((DH,), jnp.float32),
        'Wh_W': s(2, (DH, DH)), 'Wh_b': jnp.zeros((DH,), jnp.float32),
        'Wt_W': s(3, (DH, DH)), 'Wt_b': jnp.zeros((DH,), jnp.float32),
        'l1_W': s(4, (DH, DH)), 'l1_b': jnp.zeros((DH,), jnp.float32),
        'l2_W': s(5, (DH, DH)), 'l2_b': jnp.zeros((DH,), jnp.float32),
        'att1_W': s(6, (DH, DH // 2)), 'att1_b': jnp.zeros((DH // 2,), jnp.float32),
        'att2_W': s(7, (DH // 2, 1)), 'att2_b': jnp.zeros((1,), jnp.float32),
        'ln_g': jnp.ones((DH,), jnp.float32), 'ln_b': jnp.zeros((DH,), jnp.float32),
        'fc_W': s(8, (DH, NC)), 'fc_b': jnp.zeros((NC,), jnp.float32),
    }


def _forward(x_s, fc1_W, fc1_b, Wh_W, Wh_b, Wt_W, Wt_b, l1_W, l1_b, l2_W, l2_b,
             att1_W, att1_b, att2_W, att2_b, ln_g, ln_b, fc_W, fc_b):
    x = x_s[None]  # [1, N, DIN]
    x = jax.nn.leaky_relu(x @ fc1_W + fc1_b, 0.01)
    x = (x + x.mean(axis=1, keepdims=True)) * 0.5
    e_h = x @ Wh_W + Wh_b  # [1, N, DH]
    e_t = x @ Wt_W + Wt_b  # [1, N, DH]
    attn_logit = (e_h * SCALE) @ jnp.swapaxes(e_t, -2, -1)  # [1, N, N]
    topk_weight, topk_index = jax.lax.top_k(attn_logit, K)  # [1, N, K]
    Nb_h = e_t[0][topk_index[0]][None]  # gather neighbors: [1, N, K, DH]
    topk_prob = jax.nn.softmax(topk_weight, axis=2)  # [1, N, K]
    eh_r = topk_prob[..., None] * Nb_h + (1.0 - topk_prob)[..., None] * e_h[:, :, None, :]
    gate = jnp.tanh(e_h[:, :, None, :] + eh_r)  # [1, N, K, DH]
    # faithful to torch.einsum('ijkl,ijkm->ijk', Nb_h, gate): sums over l and m
    ka_weight = jnp.einsum('ijkl,ijkm->ijk', Nb_h, gate)  # [1, N, K]
    ka_prob = jax.nn.softmax(ka_weight, axis=2)[:, :, None, :]  # [1, N, 1, K]
    e_Nh = jnp.squeeze(ka_prob @ Nb_h, axis=2)  # [1, N, DH]
    sum_emb = jax.nn.leaky_relu((e_h + e_Nh) @ l1_W + l1_b, 0.01)
    bi_emb = jax.nn.leaky_relu((e_h * e_Nh) @ l2_W + l2_b, 0.01)
    h = (sum_emb + bi_emb)[0]  # dropout is identity in eval; [N, DH]
    # GlobalAttention readout (batch=None -> single graph)
    gate_s = jax.nn.leaky_relu(h @ att1_W + att1_b, 0.01) @ att2_W + att2_b  # [N, 1]
    alpha = jax.nn.softmax(gate_s, axis=0)
    hp = jnp.sum(alpha * h, axis=0, keepdims=True)  # [1, DH]
    mu = hp.mean(axis=-1, keepdims=True)
    var = hp.var(axis=-1, keepdims=True)
    hn = (hp - mu) / jnp.sqrt(var + 1e-5) * ln_g + ln_b
    logits = hn @ fc_W + fc_b  # [1, NC]
    Y_prob = jax.nn.softmax(logits, axis=1)
    return logits, Y_prob


def reference(x_s, fc1_W, fc1_b, Wh_W, Wh_b, Wt_W, Wt_b, l1_W, l1_b, l2_W, l2_b,
              att1_W, att1_b, att2_W, att2_b, ln_g, ln_b, fc_W, fc_b):
    return _forward(x_s, fc1_W, fc1_b, Wh_W, Wh_b, Wt_W, Wt_b, l1_W, l1_b,
                    l2_W, l2_b, att1_W, att1_b, att2_W, att2_b, ln_g, ln_b,
                    fc_W, fc_b)

if __name__ == "__main__":
    import jax
    _d = setup_inputs()
    print(jax.jit(kernel)(*tuple(_d.values())))

</pallas_src>

<mosaic_0001>
#map = affine_map<(d0, d1) -> (0, 0)>
#map1 = affine_map<(d0, d1) -> (0)>
module attributes {stable_mosaic.version = 14 : i64} {
  func.func @_sc_gather_body(%arg0: i32, %arg1: i32, %arg2: memref<4096x512xf32, #tpu.memory_space<hbm>>, %arg3: memref<12288xi32, #tpu.memory_space<hbm>>, %arg4: memref<12288x512xf32, #tpu.memory_space<hbm>>, %arg5: memref<384xi32, #tpu.memory_space<vmem>>, %arg6: memref<64x512xf32, #tpu.memory_space<vmem>>, %arg7: memref<64x512xf32, #tpu.memory_space<vmem>>, %arg8: memref<64x512xf32, #tpu.memory_space<vmem>>, %arg9: memref<!tpu.dma_semaphore, #tpu.memory_space<semaphore_mem>>, %arg10: memref<!tpu.dma_semaphore, #tpu.memory_space<semaphore_mem>>, %arg11: memref<!tpu.dma_semaphore, #tpu.memory_space<semaphore_mem>>, %arg12: memref<!tpu.dma_semaphore, #tpu.memory_space<semaphore_mem>>, %arg13: memref<!tpu.dma_semaphore, #tpu.memory_space<semaphore_mem>>, %arg14: memref<!tpu.dma_semaphore, #tpu.memory_space<semaphore_mem>>) attributes {dimension_semantics = [#tpu.dimension_semantics<core_parallel>, #tpu.dimension_semantics<subcore_parallel>], iteration_bounds = array<i64: 2, 16>, scalar_prefetch = 0 : i64, scratch_operands = 10 : i64, tpu.core_type = #tpu.core_type<sc_vector_subcore>, window_params = [{transform_indices = #map}, {transform_indices = #map1}, {transform_indices = #map}]} {
    %mul3A = arith.constant 2 : i32
    %mul3A_0 = arith.muli %arg1, %mul3A : i32
    %add3A = arith.addi %mul3A_0, %arg0 : i32
    %mul3A_1 = arith.constant 384 : i32
    %mul3A_2 = arith.muli %add3A, %mul3A_1 : i32
    "tpu.region"() ({
      %run_scoped3A = tpu.sem_alloc : memref<!tpu.dma_semaphore, #tpu.memory_space<semaphore_mem>>
      %dma_start3A_121 = tpu.memref_slice %arg3[%mul3A_2] : memref<12288xi32, #tpu.memory_space<hbm>> -> memref<384xi32, #tpu.memory_space<hbm>>
      %dma_start3A_122 = tpu.memref_slice %arg3[%mul3A_2] : memref<12288xi32, #tpu.memory_space<hbm>> -> memref<384xi32, #tpu.memory_space<hbm>>
      tpu.enqueue_dma source(%dma_start3A_122 : memref<384xi32, #tpu.memory_space<hbm>>) target(%arg5 : memref<384xi32, #tpu.memory_space<vmem>>) target_semaphore(%run_scoped3A : memref<!tpu.dma_semaphore, #tpu.memory_space<semaphore_mem>>)
      %dma_wait3A_123 = tpu.memref_slice %arg3[%mul3A_2] : memref<12288xi32, #tpu.memory_space<hbm>> -> memref<384xi32, #tpu.memory_space<hbm>>
      %dma_wait3A_124 = tpu.memref_slice %arg3[%mul3A_2] : memref<12288xi32, #tpu.memory_space<hbm>> -> memref<384xi32, #tpu.memory_space<hbm>>
      tpu.wait_dma2 semaphore(%run_scoped3A : memref<!tpu.dma_semaphore, #tpu.memory_space<semaphore_mem>>) src(%dma_wait3A_124 : memref<384xi32, #tpu.memory_space<hbm>>) dst(%arg5 : memref<384xi32, #tpu.memory_space<vmem>>)
      tpu.yield
    }) : () -> ()
    %dma_start3A = arith.constant 0 : i32
    %dma_start3A_3 = tpu.memref_slice %arg5[%dma_start3A] : memref<384xi32, #tpu.memory_space<vmem>> -> memref<64xi32, #tpu.memory_space<vmem>>
    %dma_start3A_4 = arith.constant 0 : i32
    %dma_start3A_5 = arith.constant 0 : i32
    %dma_start3A_6 = tpu.memref_slice %arg2[%dma_start3A_4, %dma_start3A_5] : memref<4096x512xf32, #tpu.memory_space<hbm>> -> memref<4096x512xf32, #tpu.memory_space<hbm>>
    tpu.enqueue_indirect_dma source(%dma_start3A_6 : memref<4096x512xf32, #tpu.memory_space<hbm>>) target(%arg6 : memref<64x512xf32, #tpu.memory_space<vmem>>) offsets(%dma_start3A_3 : memref<64xi32, #tpu.memory_space<vmem>>) semaphore(%arg9 : memref<!tpu.dma_semaphore, #tpu.memory_space<semaphore_mem>>)
    %dma_start3A_7 = arith.constant 64 : i32
    %dma_start3A_8 = tpu.memref_slice %arg5[%dma_start3A_7] : memref<384xi32, #tpu.memory_space<vmem>> -> memref<64xi32, #tpu.memory_space<vmem>>
    %dma_start3A_9 = arith.constant 0 : i32
    %dma_start3A_10 = arith.constant 0 : i32
    %dma_start3A_11 = tpu.memref_slice %arg2[%dma_start3A_9, %dma_start3A_10] : memref<4096x512xf32, #tpu.memory_space<hbm>> -> memref<4096x512xf32, #tpu.memory_space<hbm>>
    tpu.enqueue_indirect_dma source(%dma_start3A_11 : memref<4096x512xf32, #tpu.memory_space<hbm>>) target(%arg7 : memref<64x512xf32, #tpu.memory_space<vmem>>) offsets(%dma_start3A_8 : memref<64xi32, #tpu.memory_space<vmem>>) semaphore(%arg10 : memref<!tpu.dma_semaphore, #tpu.memory_space<semaphore_mem>>)
    %dma_wait3A = arith.constant 0 : i32
    %dma_wait3A_12 = tpu.memref_slice %arg5[%dma_wait3A] : memref<384xi32, #tpu.memory_space<vmem>> -> memref<64xi32, #tpu.memory_space<vmem>>
    %dma_wait3A_13 = arith.constant 0 : i32
    %dma_wait3A_14 = arith.constant 0 : i32
    %dma_wait3A_15 = tpu.memref_slice %arg2[%dma_wait3A_13, %dma_wait3A_14] : memref<4096x512xf32, #tpu.memory_space<hbm>> -> memref<4096x512xf32, #tpu.memory_space<hbm>>
    tpu.wait_indirect_dma semaphore(%arg9 : memref<!tpu.dma_semaphore, #tpu.memory_space<semaphore_mem>>) src(%dma_wait3A_15 : memref<4096x512xf32, #tpu.memory_space<hbm>>) dst(%arg6 : memref<64x512xf32, #tpu.memory_space<vmem>>)
    %add3A_16 = arith.constant 0 : i32
    %add3A_17 = arith.addi %mul3A_2, %add3A_16 : i32
    %dma_start3A_18 = arith.constant 0 : i32
    %dma_start3A_19 = tpu.memref_slice %arg4[%add3A_17, %dma_start3A_18] : memref<12288x512xf32, #tpu.memory_space<hbm>> -> memref<64x512xf32, #tpu.memory_space<hbm>>
    %dma_start3A_20 = arith.constant 0 : i32
    %dma_start3A_21 = tpu.memref_slice %arg4[%add3A_17, %dma_start3A_20] : memref<12288x512xf32, #tpu.memory_space<hbm>> -> memref<64x512xf32, #tpu.memory_space<hbm>>
    tpu.enqueue_dma source(%arg6 : memref<64x512xf32, #tpu.memory_space<vmem>>) target(%dma_start3A_21 : memref<64x512xf32, #tpu.memory_space<hbm>>) target_semaphore(%arg12 : memref<!tpu.dma_semaphore, #tpu.memory_space<semaphore_mem>>)
    %dma_start3A_22 = arith.constant 128 : i32
    %dma_start3A_23 = tpu.memref_slice %arg5[%dma_start3A_22] : memref<384xi32, #tpu.memory_space<vmem>> -> memref<64xi32, #tpu.memory_space<vmem>>
    %dma_start3A_24 = arith.constant 0 : i32
    %dma_start3A_25 = arith.constant 0 : i32
    %dma_start3A_26 = tpu.memref_slice %arg2[%dma_start3A_24, %dma_start3A_25] : memref<4096x512xf32, #tpu.memory_space<hbm>> -> memref<4096x512xf32, #tpu.memory_space<hbm>>
    tpu.enqueue_indirect_dma source(%dma_start3A_26 : memref<4096x512xf32, #tpu.memory_space<hbm>>) target(%arg8 : memref<64x512xf32, #tpu.memory_space<vmem>>) offsets(%dma_start3A_23 : memref<64xi32, #tpu.memory_space<vmem>>) semaphore(%arg11 : memref<!tpu.dma_semaphore, #tpu.memory_space<semaphore_mem>>)
    %dma_wait3A_27 = arith.constant 64 : i32
    %dma_wait3A_28 = tpu.memref_slice %arg5[%dma_wait3A_27] : memref<384xi32, #tpu.memory_space<vmem>> -> memref<64xi32, #tpu.memory_space<vmem>>
    %dma_wait3A_29 = arith.constant 0 : i32
    %dma_wait3A_30 = arith.constant 0 : i32
    %dma_wait3A_31 = tpu.memref_slice %arg2[%dma_wait3A_29, %dma_wait3A_30] : memref<4096x512xf32, #tpu.memory_space<hbm>> -> memref<4096x512xf32, #tpu.memory_space<hbm>>
    tpu.wait_indirect_dma semaphore(%arg10 : memref<!tpu.dma_semaphore, #tpu.memory_space<semaphore_mem>>) src(%dma_wait3A_31 : memref<4096x512xf32, #tpu.memory_space<hbm>>) dst(%arg7 : memref<64x512xf32, #tpu.memory_space<vmem>>)
    %add3A_32 = arith.constant 64 : i32
    %add3A_33 = arith.addi %mul3A_2, %add3A_32 : i32
    %dma_start3A_34 = arith.constant 0 : i32
    %dma_start3A_35 = tpu.memref_slice %arg4[%add3A_33, %dma_start3A_34] : memref<12288x512xf32, #tpu.memory_space<hbm>> -> memref<64x512xf32, #tpu.memory_space<hbm>>
    %dma_start3A_36 = arith.constant 0 : i32
    %dma_start3A_37 = tpu.memref_slice %arg4[%add3A_33, %dma_start3A_36] : memref<12288x512xf32, #tpu.memory_space<hbm>> -> memref<64x512xf32, #tpu.memory_space<hbm>>
    tpu.enqueue_dma source(%arg7 : memref<64x512xf32, #tpu.memory_space<vmem>>) target(%dma_start3A_37 : memref<64x512xf32, #tpu.memory_space<hbm>>) target_semaphore(%arg13 : memref<!tpu.dma_semaphore, #tpu.memory_space<semaphore_mem>>)
    %dma_wait3A_38 = arith.constant 0 : i32
    %dma_wait3A_39 = tpu.memref_slice %arg4[%add3A_17, %dma_wait3A_38] : memref<12288x512xf32, #tpu.memory_space<hbm>> -> memref<64x512xf32, #tpu.memory_space<hbm>>
    %dma_wait3A_40 = arith.constant 0 : i32
    %dma_wait3A_41 = tpu.memref_slice %arg4[%add3A_17, %dma_wait3A_40] : memref<12288x512xf32, #tpu.memory_space<hbm>> -> memref<64x512xf32, #tpu.memory_space<hbm>>
    tpu.wait_dma2 semaphore(%arg12 : memref<!tpu.dma_semaphore, #tpu.memory_space<semaphore_mem>>) src(%arg6 : memref<64x512xf32, #tpu.memory_space<vmem>>) dst(%dma_wait3A_41 : memref<64x512xf32, #tpu.memory_space<hbm>>)
    %dma_start3A_42 = arith.constant 192 : i32
    %dma_start3A_43 = tpu.memref_slice %arg5[%dma_start3A_42] : memref<384xi32, #tpu.memory_space<vmem>> -> memref<64xi32, #tpu.memory_space<vmem>>
    %dma_start3A_44 = arith.constant 0 : i32
    %dma_start3A_45 = arith.constant 0 : i32
    %dma_start3A_46 = tpu.memref_slice %arg2[%dma_start3A_44, %dma_start3A_45] : memref<4096x512xf32, #tpu.memory_space<hbm>> -> memref<4096x512xf32, #tpu.memory_space<hbm>>
    tpu.enqueue_indirect_dma source(%dma_start3A_46 : memref<4096x512xf32, #tpu.memory_space<hbm>>) target(%arg6 : memref<64x512xf32, #tpu.memory_space<vmem>>) offsets(%dma_start3A_43 : memref<64xi32, #tpu.memory_space<vmem>>) semaphore(%arg9 : memref<!tpu.dma_semaphore, #tpu.memory_space<semaphore_mem>>)
    %dma_wait3A_47 = arith.constant 128 : i32
    %dma_wait3A_48 = tpu.memref_slice %arg5[%dma_wait3A_47] : memref<384xi32, #tpu.memory_space<vmem>> -> memref<64xi32, #tpu.memory_space<vmem>>
    %dma_wait3A_49 = arith.constant 0 : i32
    %dma_wait3A_50 = arith.constant 0 : i32
    %dma_wait3A_51 = tpu.memref_slice %arg2[%dma_wait3A_49, %dma_wait3A_50] : memref<4096x512xf32, #tpu.memory_space<hbm>> -> memref<4096x512xf32, #tpu.memory_space<hbm>>
    tpu.wait_indirect_dma semaphore(%arg11 : memref<!tpu.dma_semaphore, #tpu.memory_space<semaphore_mem>>) src(%dma_wait3A_51 : memref<4096x512xf32, #tpu.memory_space<hbm>>) dst(%arg8 : memref<64x512xf32, #tpu.memory_space<vmem>>)
    %add3A_52 = arith.constant 128 : i32
    %add3A_53 = arith.addi %mul3A_2, %add3A_52 : i32
    %dma_start3A_54 = arith.constant 0 : i32
    %dma_start3A_55 = tpu.memref_slice %arg4[%add3A_53, %dma_start3A_54] : memref<12288x512xf32, #tpu.memory_space<hbm>> -> memref<64x512xf32, #tpu.memory_space<hbm>>
    %dma_start3A_56 = arith.constant 0 : i32
    %dma_start3A_57 = tpu.memref_slice %arg4[%add3A_53, %dma_start3A_56] : memref<12288x512xf32, #tpu.memory_space<hbm>> -> memref<64x512xf32, #tpu.memory_space<hbm>>
    tpu.enqueue_dma source(%arg8 : memref<64x512xf32, #tpu.memory_space<vmem>>) target(%dma_start3A_57 : memref<64x512xf32, #tpu.memory_space<hbm>>) target_semaphore(%arg14 : memref<!tpu.dma_semaphore, #tpu.memory_space<semaphore_mem>>)
    %dma_wait3A_58 = arith.constant 0 : i32
    %dma_wait3A_59 = tpu.memref_slice %arg4[%add3A_33, %dma_wait3A_58] : memref<12288x512xf32, #tpu.memory_space<hbm>> -> memref<64x512xf32, #tpu.memory_space<hbm>>
    %dma_wait3A_60 = arith.constant 0 : i32
    %dma_wait3A_61 = tpu.memref_slice %arg4[%add3A_33, %dma_wait3A_60] : memref<12288x512xf32, #tpu.memory_space<hbm>> -> memref<64x512xf32, #tpu.memory_space<hbm>>
    tpu.wait_dma2 semaphore(%arg13 : memref<!tpu.dma_semaphore, #tpu.memory_space<semaphore_mem>>) src(%arg7 : memref<64x512xf32, #tpu.memory_space<vmem>>) dst(%dma_wait3A_61 : memref<64x512xf32, #tpu.memory_space<hbm>>)
    %dma_start3A_62 = arith.constant 256 : i32
    %dma_start3A_63 = tpu.memref_slice %arg5[%dma_start3A_62] : memref<384xi32, #tpu.memory_space<vmem>> -> memref<64xi32, #tpu.memory_space<vmem>>
    %dma_start3A_64 = arith.constant 0 : i32
    %dma_start3A_65 = arith.constant 0 : i32
    %dma_start3A_66 = tpu.memref_slice %arg2[%dma_start3A_64, %dma_start3A_65] : memref<4096x512xf32, #tpu.memory_space<hbm>> -> memref<4096x512xf32, #tpu.memory_space<hbm>>
    tpu.enqueue_indirect_dma source(%dma_start3A_66 : memref<4096x512xf32, #tpu.memory_space<hbm>>) target(%arg7 : memref<64x512xf32, #tpu.memory_space<vmem>>) offsets(%dma_start3A_63 : memref<64xi32, #tpu.memory_space<vmem>>) semaphore(%arg10 : memref<!tpu.dma_semaphore, #tpu.memory_space<semaphore_mem>>)
    %dma_wait3A_67 = arith.constant 192 : i32
    %dma_wait3A_68 = tpu.memref_slice %arg5[%dma_wait3A_67] : memref<384xi32, #tpu.memory_space<vmem>> -> memref<64xi32, #tpu.memory_space<vmem>>
    %dma_wait3A_69 = arith.constant 0 : i32
    %dma_wait3A_70 = arith.constant 0 : i32
    %dma_wait3A_71 = tpu.memref_slice %arg2[%dma_wait3A_69, %dma_wait3A_70] : memref<4096x512xf32, #tpu.memory_space<hbm>> -> memref<4096x512xf32, #tpu.memory_space<hbm>>
    tpu.wait_indirect_dma semaphore(%arg9 : memref<!tpu.dma_semaphore, #tpu.memory_space<semaphore_mem>>) src(%dma_wait3A_71 : memref<4096x512xf32, #tpu.memory_space<hbm>>) dst(%arg6 : memref<64x512xf32, #tpu.memory_space<vmem>>)
    %add3A_72 = arith.constant 192 : i32
    %add3A_73 = arith.addi %mul3A_2, %add3A_72 : i32
    %dma_start3A_74 = arith.constant 0 : i32
    %dma_start3A_75 = tpu.memref_slice %arg4[%add3A_73, %dma_start3A_74] : memref<12288x512xf32, #tpu.memory_space<hbm>> -> memref<64x512xf32, #tpu.memory_space<hbm>>
    %dma_start3A_76 = arith.constant 0 : i32
    %dma_start3A_77 = tpu.memref_slice %arg4[%add3A_73, %dma_start3A_76] : memref<12288x512xf32, #tpu.memory_space<hbm>> -> memref<64x512xf32, #tpu.memory_space<hbm>>
    tpu.enqueue_dma source(%arg6 : memref<64x512xf32, #tpu.memory_space<vmem>>) target(%dma_start3A_77 : memref<64x512xf32, #tpu.memory_space<hbm>>) target_semaphore(%arg12 : memref<!tpu.dma_semaphore, #tpu.memory_space<semaphore_mem>>)
    %dma_wait3A_78 = arith.constant 0 : i32
    %dma_wait3A_79 = tpu.memref_slice %arg4[%add3A_53, %dma_wait3A_78] : memref<12288x512xf32, #tpu.memory_space<hbm>> -> memref<64x512xf32, #tpu.memory_space<hbm>>
    %dma_wait3A_80 = arith.constant 0 : i32
    %dma_wait3A_81 = tpu.memref_slice %arg4[%add3A_53, %dma_wait3A_80] : memref<12288x512xf32, #tpu.memory_space<hbm>> -> memref<64x512xf32, #tpu.memory_space<hbm>>
    tpu.wait_dma2 semaphore(%arg14 : memref<!tpu.dma_semaphore, #tpu.memory_space<semaphore_mem>>) src(%arg8 : memref<64x512xf32, #tpu.memory_space<vmem>>) dst(%dma_wait3A_81 : memref<64x512xf32, #tpu.memory_space<hbm>>)
    %dma_start3A_82 = arith.constant 320 : i32
    %dma_start3A_83 = tpu.memref_slice %arg5[%dma_start3A_82] : memref<384xi32, #tpu.memory_space<vmem>> -> memref<64xi32, #tpu.memory_space<vmem>>
    %dma_start3A_84 = arith.constant 0 : i32
    %dma_start3A_85 = arith.constant 0 : i32
    %dma_start3A_86 = tpu.memref_slice %arg2[%dma_start3A_84, %dma_start3A_85] : memref<4096x512xf32, #tpu.memory_space<hbm>> -> memref<4096x512xf32, #tpu.memory_space<hbm>>
    tpu.enqueue_indirect_dma source(%dma_start3A_86 : memref<4096x512xf32, #tpu.memory_space<hbm>>) target(%arg8 : memref<64x512xf32, #tpu.memory_space<vmem>>) offsets(%dma_start3A_83 : memref<64xi32, #tpu.memory_space<vmem>>) semaphore(%arg11 : memref<!tpu.dma_semaphore, #tpu.memory_space<semaphore_mem>>)
    %dma_wait3A_87 = arith.constant 256 : i32
    %dma_wait3A_88 = tpu.memref_slice %arg5[%dma_wait3A_87] : memref<384xi32, #tpu.memory_space<vmem>> -> memref<64xi32, #tpu.memory_space<vmem>>
    %dma_wait3A_89 = arith.constant 0 : i32
    %dma_wait3A_90 = arith.constant 0 : i32
    %dma_wait3A_91 = tpu.memref_slice %arg2[%dma_wait3A_89, %dma_wait3A_90] : memref<4096x512xf32, #tpu.memory_space<hbm>> -> memref<4096x512xf32, #tpu.memory_space<hbm>>
    tpu.wait_indirect_dma semaphore(%arg10 : memref<!tpu.dma_semaphore, #tpu.memory_space<semaphore_mem>>) src(%dma_wait3A_91 : memref<4096x512xf32, #tpu.memory_space<hbm>>) dst(%arg7 : memref<64x512xf32, #tpu.memory_space<vmem>>)
    %add3A_92 = arith.constant 256 : i32
    %add3A_93 = arith.addi %mul3A_2, %add3A_92 : i32
    %dma_start3A_94 = arith.constant 0 : i32
    %dma_start3A_95 = tpu.memref_slice %arg4[%add3A_93, %dma_start3A_94] : memref<12288x512xf32, #tpu.memory_space<hbm>> -> memref<64x512xf32, #tpu.memory_space<hbm>>
    %dma_start3A_96 = arith.constant 0 : i32
    %dma_start3A_97 = tpu.memref_slice %arg4[%add3A_93, %dma_start3A_96] : memref<12288x512xf32, #tpu.memory_space<hbm>> -> memref<64x512xf32, #tpu.memory_space<hbm>>
    tpu.enqueue_dma source(%arg7 : memref<64x512xf32, #tpu.memory_space<vmem>>) target(%dma_start3A_97 : memref<64x512xf32, #tpu.memory_space<hbm>>) target_semaphore(%arg13 : memref<!tpu.dma_semaphore, #tpu.memory_space<semaphore_mem>>)
    %dma_wait3A_98 = arith.constant 320 : i32
    %dma_wait3A_99 = tpu.memref_slice %arg5[%dma_wait3A_98] : memref<384xi32, #tpu.memory_space<vmem>> -> memref<64xi32, #tpu.memory_space<vmem>>
    %dma_wait3A_100 = arith.constant 0 : i32
    %dma_wait3A_101 = arith.constant 0 : i32
    %dma_wait3A_102 = tpu.memref_slice %arg2[%dma_wait3A_100, %dma_wait3A_101] : memref<4096x512xf32, #tpu.memory_space<hbm>> -> memref<4096x512xf32, #tpu.memory_space<hbm>>
    tpu.wait_indirect_dma semaphore(%arg11 : memref<!tpu.dma_semaphore, #tpu.memory_space<semaphore_mem>>) src(%dma_wait3A_102 : memref<4096x512xf32, #tpu.memory_space<hbm>>) dst(%arg8 : memref<64x512xf32, #tpu.memory_space<vmem>>)
    %add3A_103 = arith.constant 320 : i32
    %add3A_104 = arith.addi %mul3A_2, %add3A_103 : i32
    %dma_start3A_105 = arith.constant 0 : i32
    %dma_start3A_106 = tpu.memref_slice %arg4[%add3A_104, %dma_start3A_105] : memref<12288x512xf32, #tpu.memory_space<hbm>> -> memref<64x512xf32, #tpu.memory_space<hbm>>
    %dma_start3A_107 = arith.constant 0 : i32
    %dma_start3A_108 = tpu.memref_slice %arg4[%add3A_104, %dma_start3A_107] : memref<12288x512xf32, #tpu.memory_space<hbm>> -> memref<64x512xf32, #tpu.memory_space<hbm>>
    tpu.enqueue_dma source(%arg8 : memref<64x512xf32, #tpu.memory_space<vmem>>) target(%dma_start3A_108 : memref<64x512xf32, #tpu.memory_space<hbm>>) target_semaphore(%arg14 : memref<!tpu.dma_semaphore, #tpu.memory_space<semaphore_mem>>)
    %dma_wait3A_109 = arith.constant 0 : i32
    %dma_wait3A_110 = tpu.memref_slice %arg4[%add3A_73, %dma_wait3A_109] : memref<12288x512xf32, #tpu.memory_space<hbm>> -> memref<64x512xf32, #tpu.memory_space<hbm>>
    %dma_wait3A_111 = arith.constant 0 : i32
    %dma_wait3A_112 = tpu.memref_slice %arg4[%add3A_73, %dma_wait3A_111] : memref<12288x512xf32, #tpu.memory_space<hbm>> -> memref<64x512xf32, #tpu.memory_space<hbm>>
    tpu.wait_dma2 semaphore(%arg12 : memref<!tpu.dma_semaphore, #tpu.memory_space<semaphore_mem>>) src(%arg6 : memref<64x512xf32, #tpu.memory_space<vmem>>) dst(%dma_wait3A_112 : memref<64x512xf32, #tpu.memory_space<hbm>>)
    %dma_wait3A_113 = arith.constant 0 : i32
    %dma_wait3A_114 = tpu.memref_slice %arg4[%add3A_93, %dma_wait3A_113] : memref<12288x512xf32, #tpu.memory_space<hbm>> -> memref<64x512xf32, #tpu.memory_space<hbm>>
    %dma_wait3A_115 = arith.constant 0 : i32
    %dma_wait3A_116 = tpu.memref_slice %arg4[%add3A_93, %dma_wait3A_115] : memref<12288x512xf32, #tpu.memory_space<hbm>> -> memref<64x512xf32, #tpu.memory_space<hbm>>
    tpu.wait_dma2 semaphore(%arg13 : memref<!tpu.dma_semaphore, #tpu.memory_space<semaphore_mem>>) src(%arg7 : memref<64x512xf32, #tpu.memory_space<vmem>>) dst(%dma_wait3A_116 : memref<64x512xf32, #tpu.memory_space<hbm>>)
    %dma_wait3A_117 = arith.constant 0 : i32
    %dma_wait3A_118 = tpu.memref_slice %arg4[%add3A_104, %dma_wait3A_117] : memref<12288x512xf32, #tpu.memory_space<hbm>> -> memref<64x512xf32, #tpu.memory_space<hbm>>
    %dma_wait3A_119 = arith.constant 0 : i32
    %dma_wait3A_120 = tpu.memref_slice %arg4[%add3A_104, %dma_wait3A_119] : memref<12288x512xf32, #tpu.memory_space<hbm>> -> memref<64x512xf32, #tpu.memory_space<hbm>>
    tpu.wait_dma2 semaphore(%arg14 : memref<!tpu.dma_semaphore, #tpu.memory_space<semaphore_mem>>) src(%arg8 : memref<64x512xf32, #tpu.memory_space<vmem>>) dst(%dma_wait3A_120 : memref<64x512xf32, #tpu.memory_space<hbm>>)
    return
  }
}

#map = affine_map<(d0, d1) -> (0, 0)>
#map1 = affine_map<(d0, d1) -> (0)>
module attributes {stable_mosaic.version = 14 : i64} {
  func.func @_sc_gather_body(%arg0: i32, %arg1: i32, %arg2: memref<4096x512xf32, #tpu.memory_space<hbm>>, %arg3: memref<12288xi32, #tpu.memory_space<hbm>>, %arg4: memref<12288x512xf32, #tpu.memory_space<hbm>>, %arg5: memref<384xi32, #tpu.memory_space<vmem>>, %arg6: memref<64x512xf32, #tpu.memory_space<vmem>>, %arg7: memref<64x512xf32, #tpu.memory_space<vmem>>, %arg8: memref<64x512xf32, #tpu.memory_space<vmem>>, %arg9: memref<!tpu.dma_semaphore, #tpu.memory_space<semaphore_mem>>, %arg10: memref<!tpu.dma_semaphore, #tpu.memory_space<semaphore_mem>>, %arg11: memref<!tpu.dma_semaphore, #tpu.memory_space<semaphore_mem>>, %arg12: memref<!tpu.dma_semaphore, #tpu.memory_space<semaphore_mem>>, %arg13: memref<!tpu.dma_semaphore, #tpu.memory_space<semaphore_mem>>, %arg14: memref<!tpu.dma_semaphore, #tpu.memory_space<semaphore_mem>>) attributes {dimension_semantics = [#tpu.dimension_semantics<core_parallel>, #tpu.dimension_semantics<subcore_parallel>], iteration_bounds = array<i64: 2, 16>, scalar_prefetch = 0 : i64, scratch_operands = 10 : i64, tpu.core_type = #tpu.core_type<sc_vector_subcore>, window_params = [{transform_indices = #map}, {transform_indices = #map1}, {transform_indices = #map}]} {
    %mul3A = arith.constant 2 : i32
    %mul3A_0 = arith.muli %arg1, %mul3A : i32
    %add3A = arith.addi %mul3A_0, %arg0 : i32
    %mul3A_1 = arith.constant 384 : i32
    %mul3A_2 = arith.muli %add3A, %mul3A_1 : i32
    "tpu.region"() ({
      %run_scoped3A = tpu.sem_alloc : memref<!tpu.dma_semaphore, #tpu.memory_space<semaphore_mem>>
      %dma_start3A_121 = tpu.memref_slice %arg3[%mul3A_2] : memref<12288xi32, #tpu.memory_space<hbm>> -> memref<384xi32, #tpu.memory_space<hbm>>
      %dma_start3A_122 = tpu.memref_slice %arg3[%mul3A_2] : memref<12288xi32, #tpu.memory_space<hbm>> -> memref<384xi32, #tpu.memory_space<hbm>>
      tpu.enqueue_dma source(%dma_start3A_122 : memref<384xi32, #tpu.memory_space<hbm>>) target(%arg5 : memref<384xi32, #tpu.memory_space<vmem>>) target_semaphore(%run_scoped3A : memref<!tpu.dma_semaphore, #tpu.memory_space<semaphore_mem>>)
      %dma_wait3A_123 = tpu.memref_slice %arg3[%mul3A_2] : memref<12288xi32, #tpu.memory_space<hbm>> -> memref<384xi32, #tpu.memory_space<hbm>>
      %dma_wait3A_124 = tpu.memref_slice %arg3[%mul3A_2] : memref<12288xi32, #tpu.memory_space<hbm>> -> memref<384xi32, #tpu.memory_space<hbm>>
      tpu.wait_dma2 semaphore(%run_scoped3A : memref<!tpu.dma_semaphore, #tpu.memory_space<semaphore_mem>>) src(%dma_wait3A_124 : memref<384xi32, #tpu.memory_space<hbm>>) dst(%arg5 : memref<384xi32, #tpu.memory_space<vmem>>)
      tpu.yield
    }) : () -> ()
    %dma_start3A = arith.constant 0 : i32
    %dma_start3A_3 = tpu.memref_slice %arg5[%dma_start3A] : memref<384xi32, #tpu.memory_space<vmem>> -> memref<64xi32, #tpu.memory_space<vmem>>
    %dma_start3A_4 = arith.constant 0 : i32
    %dma_start3A_5 = arith.constant 0 : i32
    %dma_start3A_6 = tpu.memref_slice %arg2[%dma_start3A_4, %dma_start3A_5] : memref<4096x512xf32, #tpu.memory_space<hbm>> -> memref<4096x512xf32, #tpu.memory_space<hbm>>
    tpu.enqueue_indirect_dma source(%dma_start3A_6 : memref<4096x512xf32, #tpu.memory_space<hbm>>) target(%arg6 : memref<64x512xf32, #tpu.memory_space<vmem>>) offsets(%dma_start3A_3 : memref<64xi32, #tpu.memory_space<vmem>>) semaphore(%arg9 : memref<!tpu.dma_semaphore, #tpu.memory_space<semaphore_mem>>)
    %dma_start3A_7 = arith.constant 64 : i32
    %dma_start3A_8 = tpu.memref_slice %arg5[%dma_start3A_7] : memref<384xi32, #tpu.memory_space<vmem>> -> memref<64xi32, #tpu.memory_space<vmem>>
    %dma_start3A_9 = arith.constant 0 : i32
    %dma_start3A_10 = arith.constant 0 : i32
    %dma_start3A_11 = tpu.memref_slice %arg2[%dma_start3A_9, %dma_start3A_10] : memref<4096x512xf32, #tpu.memory_space<hbm>> -> memref<4096x512xf32, #tpu.memory_space<hbm>>
    tpu.enqueue_indirect_dma source(%dma_start3A_11 : memref<4096x512xf32, #tpu.memory_space<hbm>>) target(%arg7 : memref<64x512xf32, #tpu.memory_space<vmem>>) offsets(%dma_start3A_8 : memref<64xi32, #tpu.memory_space<vmem>>) semaphore(%arg10 : memref<!tpu.dma_semaphore, #tpu.memory_space<semaphore_mem>>)
    %dma_wait3A = arith.constant 0 : i32
    %dma_wait3A_12 = tpu.memref_slice %arg5[%dma_wait3A] : memref<384xi32, #tpu.memory_space<vmem>> -> memref<64xi32, #tpu.memory_space<vmem>>
    %dma_wait3A_13 = arith.constant 0 : i32
    %dma_wait3A_14 = arith.constant 0 : i32
    %dma_wait3A_15 = tpu.memref_slice %arg2[%dma_wait3A_13, %dma_wait3A_14] : memref<4096x512xf32, #tpu.memory_space<hbm>> -> memref<4096x512xf32, #tpu.memory_space<hbm>>
    tpu.wait_indirect_dma semaphore(%arg9 : memref<!tpu.dma_semaphore, #tpu.memory_space<semaphore_mem>>) src(%dma_wait3A_15 : memref<4096x512xf32, #tpu.memory_space<hbm>>) dst(%arg6 : memref<64x512xf32, #tpu.memory_space<vmem>>)
    %add3A_16 = arith.constant 0 : i32
    %add3A_17 = arith.addi %mul3A_2, %add3A_16 : i32
    %dma_start3A_18 = arith.constant 0 : i32
    %dma_start3A_19 = tpu.memref_slice %arg4[%add3A_17, %dma_start3A_18] : memref<12288x512xf32, #tpu.memory_space<hbm>> -> memref<64x512xf32, #tpu.memory_space<hbm>>
    %dma_start3A_20 = arith.constant 0 : i32
    %dma_start3A_21 = tpu.memref_slice %arg4[%add3A_17, %dma_start3A_20] : memref<12288x512xf32, #tpu.memory_space<hbm>> -> memref<64x512xf32, #tpu.memory_space<hbm>>
    tpu.enqueue_dma source(%arg6 : memref<64x512xf32, #tpu.memory_space<vmem>>) target(%dma_start3A_21 : memref<64x512xf32, #tpu.memory_space<hbm>>) target_semaphore(%arg12 : memref<!tpu.dma_semaphore, #tpu.memory_space<semaphore_mem>>)
    %dma_start3A_22 = arith.constant 128 : i32
    %dma_start3A_23 = tpu.memref_slice %arg5[%dma_start3A_22] : memref<384xi32, #tpu.memory_space<vmem>> -> memref<64xi32, #tpu.memory_space<vmem>>
    %dma_start3A_24 = arith.constant 0 : i32
    %dma_start3A_25 = arith.constant 0 : i32
    %dma_start3A_26 = tpu.memref_slice %arg2[%dma_start3A_24, %dma_start3A_25] : memref<4096x512xf32, #tpu.memory_space<hbm>> -> memref<4096x512xf32, #tpu.memory_space<hbm>>
    tpu.enqueue_indirect_dma source(%dma_start3A_26 : memref<4096x512xf32, #tpu.memory_space<hbm>>) target(%arg8 : memref<64x512xf32, #tpu.memory_space<vmem>>) offsets(%dma_start3A_23 : memref<64xi32, #tpu.memory_space<vmem>>) semaphore(%arg11 : memref<!tpu.dma_semaphore, #tpu.memory_space<semaphore_mem>>)
    %dma_wait3A_27 = arith.constant 64 : i32
    %dma_wait3A_28 = tpu.memref_slice %arg5[%dma_wait3A_27] : memref<384xi32, #tpu.memory_space<vmem>> -> memref<64xi32, #tpu.memory_space<vmem>>
    %dma_wait3A_29 = arith.constant 0 : i32
    %dma_wait3A_30 = arith.constant 0 : i32
    %dma_wait3A_31 = tpu.memref_slice %arg2[%dma_wait3A_29, %dma_wait3A_30] : memref<4096x512xf32, #tpu.memory_space<hbm>> -> memref<4096x512xf32, #tpu.memory_space<hbm>>
    tpu.wait_indirect_dma semaphore(%arg10 : memref<!tpu.dma_semaphore, #tpu.memory_space<semaphore_mem>>) src(%dma_wait3A_31 : memref<4096x512xf32, #tpu.memory_space<hbm>>) dst(%arg7 : memref<64x512xf32, #tpu.memory_space<vmem>>)
    %add3A_32 = arith.constant 64 : i32
    %add3A_33 = arith.addi %mul3A_2, %add3A_32 : i32
    %dma_start3A_34 = arith.constant 0 : i32
    %dma_start3A_35 = tpu.memref_slice %arg4[%add3A_33, %dma_start3A_34] : memref<12288x512xf32, #tpu.memory_space<hbm>> -> memref<64x512xf32, #tpu.memory_space<hbm>>
    %dma_start3A_36 = arith.constant 0 : i32
    %dma_start3A_37 = tpu.memref_slice %arg4[%add3A_33, %dma_start3A_36] : memref<12288x512xf32, #tpu.memory_space<hbm>> -> memref<64x512xf32, #tpu.memory_space<hbm>>
    tpu.enqueue_dma source(%arg7 : memref<64x512xf32, #tpu.memory_space<vmem>>) target(%dma_start3A_37 : memref<64x512xf32, #tpu.memory_space<hbm>>) target_semaphore(%arg13 : memref<!tpu.dma_semaphore, #tpu.memory_space<semaphore_mem>>)
    %dma_wait3A_38 = arith.constant 0 : i32
    %dma_wait3A_39 = tpu.memref_slice %arg4[%add3A_17, %dma_wait3A_38] : memref<12288x512xf32, #tpu.memory_space<hbm>> -> memref<64x512xf32, #tpu.memory_space<hbm>>
    %dma_wait3A_40 = arith.constant 0 : i32
    %dma_wait3A_41 = tpu.memref_slice %arg4[%add3A_17, %dma_wait3A_40] : memref<12288x512xf32, #tpu.memory_space<hbm>> -> memref<64x512xf32, #tpu.memory_space<hbm>>
    tpu.wait_dma2 semaphore(%arg12 : memref<!tpu.dma_semaphore, #tpu.memory_space<semaphore_mem>>) src(%arg6 : memref<64x512xf32, #tpu.memory_space<vmem>>) dst(%dma_wait3A_41 : memref<64x512xf32, #tpu.memory_space<hbm>>)
    %dma_start3A_42 = arith.constant 192 : i32
    %dma_start3A_43 = tpu.memref_slice %arg5[%dma_start3A_42] : memref<384xi32, #tpu.memory_space<vmem>> -> memref<64xi32, #tpu.memory_space<vmem>>
    %dma_start3A_44 = arith.constant 0 : i32
    %dma_start3A_45 = arith.constant 0 : i32
    %dma_start3A_46 = tpu.memref_slice %arg2[%dma_start3A_44, %dma_start3A_45] : memref<4096x512xf32, #tpu.memory_space<hbm>> -> memref<4096x512xf32, #tpu.memory_space<hbm>>
    tpu.enqueue_indirect_dma source(%dma_start3A_46 : memref<4096x512xf32, #tpu.memory_space<hbm>>) target(%arg6 : memref<64x512xf32, #tpu.memory_space<vmem>>) offsets(%dma_start3A_43 : memref<64xi32, #tpu.memory_space<vmem>>) semaphore(%arg9 : memref<!tpu.dma_semaphore, #tpu.memory_space<semaphore_mem>>)
    %dma_wait3A_47 = arith.constant 128 : i32
    %dma_wait3A_48 = tpu.memref_slice %arg5[%dma_wait3A_47] : memref<384xi32, #tpu.memory_space<vmem>> -> memref<64xi32, #tpu.memory_space<vmem>>
    %dma_wait3A_49 = arith.constant 0 : i32
    %dma_wait3A_50 = arith.constant 0 : i32
    %dma_wait3A_51 = tpu.memref_slice %arg2[%dma_wait3A_49, %dma_wait3A_50] : memref<4096x512xf32, #tpu.memory_space<hbm>> -> memref<4096x512xf32, #tpu.memory_space<hbm>>
    tpu.wait_indirect_dma semaphore(%arg11 : memref<!tpu.dma_semaphore, #tpu.memory_space<semaphore_mem>>) src(%dma_wait3A_51 : memref<4096x512xf32, #tpu.memory_space<hbm>>) dst(%arg8 : memref<64x512xf32, #tpu.memory_space<vmem>>)
    %add3A_52 = arith.constant 128 : i32
    %add3A_53 = arith.addi %mul3A_2, %add3A_52 : i32
    %dma_start3A_54 = arith.constant 0 : i32
    %dma_start3A_55 = tpu.memref_slice %arg4[%add3A_53, %dma_start3A_54] : memref<12288x512xf32, #tpu.memory_space<hbm>> -> memref<64x512xf32, #tpu.memory_space<hbm>>
    %dma_start3A_56 = arith.constant 0 : i32
    %dma_start3A_57 = tpu.memref_slice %arg4[%add3A_53, %dma_start3A_56] : memref<12288x512xf32, #tpu.memory_space<hbm>> -> memref<64x512xf32, #tpu.memory_space<hbm>>
    tpu.enqueue_dma source(%arg8 : memref<64x512xf32, #tpu.memory_space<vmem>>) target(%dma_start3A_57 : memref<64x512xf32, #tpu.memory_space<hbm>>) target_semaphore(%arg14 : memref<!tpu.dma_semaphore, #tpu.memory_space<semaphore_mem>>)
    %dma_wait3A_58 = arith.constant 0 : i32
    %dma_wait3A_59 = tpu.memref_slice %arg4[%add3A_33, %dma_wait3A_58] : memref<12288x512xf32, #tpu.memory_space<hbm>> -> memref<64x512xf32, #tpu.memory_space<hbm>>
    %dma_wait3A_60 = arith.constant 0 : i32
    %dma_wait3A_61 = tpu.memref_slice %arg4[%add3A_33, %dma_wait3A_60] : memref<12288x512xf32, #tpu.memory_space<hbm>> -> memref<64x512xf32, #tpu.memory_space<hbm>>
    tpu.wait_dma2 semaphore(%arg13 : memref<!tpu.dma_semaphore, #tpu.memory_space<semaphore_mem>>) src(%arg7 : memref<64x512xf32, #tpu.memory_space<vmem>>) dst(%dma_wait3A_61 : memref<64x512xf32, #tpu.memory_space<hbm>>)
    %dma_start3A_62 = arith.constant 256 : i32
    %dma_start3A_63 = tpu.memref_slice %arg5[%dma_start3A_62] : memref<384xi32, #tpu.memory_space<vmem>> -> memref<64xi32, #tpu.memory_space<vmem>>
    %dma_start3A_64 = arith.constant 0 : i32
    %dma_start3A_65 = arith.constant 0 : i32
    %dma_start3A_66 = tpu.memref_slice %arg2[%dma_start3A_64, %dma_start3A_65] : memref<4096x512xf32, #tpu.memory_space<hbm>> -> memref<4096x512xf32, #tpu.memory_space<hbm>>
    tpu.enqueue_indirect_dma source(%dma_start3A_66 : memref<4096x512xf32, #tpu.memory_space<hbm>>) target(%arg7 : memref<64x512xf32, #tpu.memory_space<vmem>>) offsets(%dma_start3A_63 : memref<64xi32, #tpu.memory_space<vmem>>) semaphore(%arg10 : memref<!tpu.dma_semaphore, #tpu.memory_space<semaphore_mem>>)
    %dma_wait3A_67 = arith.constant 192 : i32
    %dma_wait3A_68 = tpu.memref_slice %arg5[%dma_wait3A_67] : memref<384xi32, #tpu.memory_space<vmem>> -> memref<64xi32, #tpu.memory_space<vmem>>
    %dma_wait3A_69 = arith.constant 0 : i32
    %dma_wait3A_70 = arith.constant 0 : i32
    %dma_wait3A_71 = tpu.memref_slice %arg2[%dma_wait3A_69, %dma_wait3A_70] : memref<4096x512xf32, #tpu.memory_space<hbm>> -> memref<4096x512xf32, #tpu.memory_space<hbm>>
    tpu.wait_indirect_dma semaphore(%arg9 : memref<!tpu.dma_semaphore, #tpu.memory_space<semaphore_mem>>) src(%dma_wait3A_71 : memref<4096x512xf32, #tpu.memory_space<hbm>>) dst(%arg6 : memref<64x512xf32, #tpu.memory_space<vmem>>)
    %add3A_72 = arith.constant 192 : i32
    %add3A_73 = arith.addi %mul3A_2, %add3A_72 : i32
    %dma_start3A_74 = arith.constant 0 : i32
    %dma_start3A_75 = tpu.memref_slice %arg4[%add3A_73, %dma_start3A_74] : memref<12288x512xf32, #tpu.memory_space<hbm>> -> memref<64x512xf32, #tpu.memory_space<hbm>>
    %dma_start3A_76 = arith.constant 0 : i32
    %dma_start3A_77 = tpu.memref_slice %arg4[%add3A_73, %dma_start3A_76] : memref<12288x512xf32, #tpu.memory_space<hbm>> -> memref<64x512xf32, #tpu.memory_space<hbm>>
    tpu.enqueue_dma source(%arg6 : memref<64x512xf32, #tpu.memory_space<vmem>>) target(%dma_start3A_77 : memref<64x512xf32, #tpu.memory_space<hbm>>) target_semaphore(%arg12 : memref<!tpu.dma_semaphore, #tpu.memory_space<semaphore_mem>>)
    %dma_wait3A_78 = arith.constant 0 : i32
    %dma_wait3A_79 = tpu.memref_slice %arg4[%add3A_53, %dma_wait3A_78] : memref<12288x512xf32, #tpu.memory_space<hbm>> -> memref<64x512xf32, #tpu.memory_space<hbm>>
    %dma_wait3A_80 = arith.constant 0 : i32
    %dma_wait3A_81 = tpu.memref_slice %arg4[%add3A_53, %dma_wait3A_80] : memref<12288x512xf32, #tpu.memory_space<hbm>> -> memref<64x512xf32, #tpu.memory_space<hbm>>
    tpu.wait_dma2 semaphore(%arg14 : memref<!tpu.dma_semaphore, #tpu.memory_space<semaphore_mem>>) src(%arg8 : memref<64x512xf32, #tpu.memory_space<vmem>>) dst(%dma_wait3A_81 : memref<64x512xf32, #tpu.memory_space<hbm>>)
    %dma_start3A_82 = arith.constant 320 : i32
    %dma_start3A_83 = tpu.memref_slice %arg5[%dma_start3A_82] : memref<384xi32, #tpu.memory_space<vmem>> -> memref<64xi32, #tpu.memory_space<vmem>>
    %dma_start3A_84 = arith.constant 0 : i32
    %dma_start3A_85 = arith.constant 0 : i32
    %dma_start3A_86 = tpu.memref_slice %arg2[%dma_start3A_84, %dma_start3A_85] : memref<4096x512xf32, #tpu.memory_space<hbm>> -> memref<4096x512xf32, #tpu.memory_space<hbm>>
    tpu.enqueue_indirect_dma source(%dma_start3A_86 : memref<4096x512xf32, #tpu.memory_space<hbm>>) target(%arg8 : memref<64x512xf32, #tpu.memory_space<vmem>>) offsets(%dma_start3A_83 : memref<64xi32, #tpu.memory_space<vmem>>) semaphore(%arg11 : memref<!tpu.dma_semaphore, #tpu.memory_space<semaphore_mem>>)
    %dma_wait3A_87 = arith.constant 256 : i32
    %dma_wait3A_88 = tpu.memref_slice %arg5[%dma_wait3A_87] : memref<384xi32, #tpu.memory_space<vmem>> -> memref<64xi32, #tpu.memory_space<vmem>>
    %dma_wait3A_89 = arith.constant 0 : i32
    %dma_wait3A_90 = arith.constant 0 : i32
    %dma_wait3A_91 = tpu.memref_slice %arg2[%dma_wait3A_89, %dma_wait3A_90] : memref<4096x512xf32, #tpu.memory_space<hbm>> -> memref<4096x512xf32, #tpu.memory_space<hbm>>
    tpu.wait_indirect_dma semaphore(%arg10 : memref<!tpu.dma_semaphore, #tpu.memory_space<semaphore_mem>>) src(%dma_wait3A_91 : memref<4096x512xf32, #tpu.memory_space<hbm>>) dst(%arg7 : memref<64x512xf32, #tpu.memory_space<vmem>>)
    %add3A_92 = arith.constant 256 : i32
    %add3A_93 = arith.addi %mul3A_2, %add3A_92 : i32
    %dma_start3A_94 = arith.constant 0 : i32
    %dma_start3A_95 = tpu.memref_slice %arg4[%add3A_93, %dma_start3A_94] : memref<12288x512xf32, #tpu.memory_space<hbm>> -> memref<64x512xf32, #tpu.memory_space<hbm>>
    %dma_start3A_96 = arith.constant 0 : i32
    %dma_start3A_97 = tpu.memref_slice %arg4[%add3A_93, %dma_start3A_96] : memref<12288x512xf32, #tpu.memory_space<hbm>> -> memref<64x512xf32, #tpu.memory_space<hbm>>
    tpu.enqueue_dma source(%arg7 : memref<64x512xf32, #tpu.memory_space<vmem>>) target(%dma_start3A_97 : memref<64x512xf32, #tpu.memory_space<hbm>>) target_semaphore(%arg13 : memref<!tpu.dma_semaphore, #tpu.memory_space<semaphore_mem>>)
    %dma_wait3A_98 = arith.constant 320 : i32
    %dma_wait3A_99 = tpu.memref_slice %arg5[%dma_wait3A_98] : memref<384xi32, #tpu.memory_space<vmem>> -> memref<64xi32, #tpu.memory_space<vmem>>
    %dma_wait3A_100 = arith.constant 0 : i32
    %dma_wait3A_101 = arith.constant 0 : i32
    %dma_wait3A_102 = tpu.memref_slice %arg2[%dma_wait3A_100, %dma_wait3A_101] : memref<4096x512xf32, #tpu.memory_space<hbm>> -> memref<4096x512xf32, #tpu.memory_space<hbm>>
    tpu.wait_indirect_dma semaphore(%arg11 : memref<!tpu.dma_semaphore, #tpu.memory_space<semaphore_mem>>) src(%dma_wait3A_102 : memref<4096x512xf32, #tpu.memory_space<hbm>>) dst(%arg8 : memref<64x512xf32, #tpu.memory_space<vmem>>)
    %add3A_103 = arith.constant 320 : i32
    %add3A_104 = arith.addi %mul3A_2, %add3A_103 : i32
    %dma_start3A_105 = arith.constant 0 : i32
    %dma_start3A_106 = tpu.memref_slice %arg4[%add3A_104, %dma_start3A_105] : memref<12288x512xf32, #tpu.memory_space<hbm>> -> memref<64x512xf32, #tpu.memory_space<hbm>>
    %dma_start3A_107 = arith.constant 0 : i32
    %dma_start3A_108 = tpu.memref_slice %arg4[%add3A_104, %dma_start3A_107] : memref<12288x512xf32, #tpu.memory_space<hbm>> -> memref<64x512xf32, #tpu.memory_space<hbm>>
    tpu.enqueue_dma source(%arg8 : memref<64x512xf32, #tpu.memory_space<vmem>>) target(%dma_start3A_108 : memref<64x512xf32, #tpu.memory_space<hbm>>) target_semaphore(%arg14 : memref<!tpu.dma_semaphore, #tpu.memory_space<semaphore_mem>>)
    %dma_wait3A_109 = arith.constant 0 : i32
    %dma_wait3A_110 = tpu.memref_slice %arg4[%add3A_73, %dma_wait3A_109] : memref<12288x512xf32, #tpu.memory_space<hbm>> -> memref<64x512xf32, #tpu.memory_space<hbm>>
    %dma_wait3A_111 = arith.constant 0 : i32
    %dma_wait3A_112 = tpu.memref_slice %arg4[%add3A_73, %dma_wait3A_111] : memref<12288x512xf32, #tpu.memory_space<hbm>> -> memref<64x512xf32, #tpu.memory_space<hbm>>
    tpu.wait_dma2 semaphore(%arg12 : memref<!tpu.dma_semaphore, #tpu.memory_space<semaphore_mem>>) src(%arg6 : memref<64x512xf32, #tpu.memory_space<vmem>>) dst(%dma_wait3A_112 : memref<64x512xf32, #tpu.memory_space<hbm>>)
    %dma_wait3A_113 = arith.constant 0 : i32
    %dma_wait3A_114 = tpu.memref_slice %arg4[%add3A_93, %dma_wait3A_113] : memref<12288x512xf32, #tpu.memory_space<hbm>> -> memref<64x512xf32, #tpu.memory_space<hbm>>
    %dma_wait3A_115 = arith.constant 0 : i32
    %dma_wait3A_116 = tpu.memref_slice %arg4[%add3A_93, %dma_wait3A_115] : memref<12288x512xf32, #tpu.memory_space<hbm>> -> memref<64x512xf32, #tpu.memory_space<hbm>>
    tpu.wait_dma2 semaphore(%arg13 : memref<!tpu.dma_semaphore, #tpu.memory_space<semaphore_mem>>) src(%arg7 : memref<64x512xf32, #tpu.memory_space<vmem>>) dst(%dma_wait3A_116 : memref<64x512xf32, #tpu.memory_space<hbm>>)
    %dma_wait3A_117 = arith.constant 0 : i32
    %dma_wait3A_118 = tpu.memref_slice %arg4[%add3A_104, %dma_wait3A_117] : memref<12288x512xf32, #tpu.memory_space<hbm>> -> memref<64x512xf32, #tpu.memory_space<hbm>>
    %dma_wait3A_119 = arith.constant 0 : i32
    %dma_wait3A_120 = tpu.memref_slice %arg4[%add3A_104, %dma_wait3A_119] : memref<12288x512xf32, #tpu.memory_space<hbm>> -> memref<64x512xf32, #tpu.memory_space<hbm>>
    tpu.wait_dma2 semaphore(%arg14 : memref<!tpu.dma_semaphore, #tpu.memory_space<semaphore_mem>>) src(%arg8 : memref<64x512xf32, #tpu.memory_space<vmem>>) dst(%dma_wait3A_120 : memref<64x512xf32, #tpu.memory_space<hbm>>)
    return
  }
}

module attributes {stable_mosaic.version = 14 : i64} {
  func.func @_topk_body(%arg0: i32, %arg1: memref<256x512xf32, #tpu.memory_space<vmem>>, %arg2: memref<4096x512xf32, #tpu.memory_space<vmem>>, %arg3: memref<256x8xf32, #tpu.memory_space<vmem>>, %arg4: memref<8x256xi32, #tpu.memory_space<vmem>>) attributes {dimension_semantics = [#tpu.dimension_semantics<arbitrary>], iteration_bounds = array<i64: 8>, scalar_prefetch = 0 : i64, scratch_operands = 0 : i64, tpu.core_type = #tpu.core_type<tc>, window_params = [{transform_indices = @transform_0, window_bounds = array<i64: 256, 512>}, {pipeline_mode = #tpu.pipeline_mode<synchronous>, transform_indices = @transform_1, window_bounds = array<i64: 4096, 512>}, {transform_indices = @transform_2, window_bounds = array<i64: 256, 8>}, {transform_indices = @transform_3, window_bounds = array<i64: 8, 256>}]} {
    %get3A = arith.constant 0 : index
    %get3A_0 = arith.constant 0 : index
    %get3A_1 = vector.load %arg1[%get3A, %get3A_0] : memref<256x512xf32, #tpu.memory_space<vmem>>, vector<256x512xf32>
    %mul3A = arith.constant 0.0441941731 : f32
    %mul3A_2 = vector.broadcast %mul3A : f32 to vector<256x512xf32>
    %mul3A_3 = arith.mulf %get3A_1, %mul3A_2 : vector<256x512xf32>
    %get3A_4 = arith.constant 0 : index
    %get3A_5 = arith.constant 0 : index
    %get3A_6 = vector.load %arg2[%get3A_4, %get3A_5] : memref<4096x512xf32, #tpu.memory_space<vmem>>, vector<4096x512xf32>
    %dot_general3A = arith.constant dense<0.000000e+00> : vector<256x4096xf32>
    %dot_general3A_7 = tpu.matmul %mul3A_3, %get3A_6, %dot_general3A {dimension_numbers = #tpu.dot_dimension_numbers<[1], [1], [0], [0], [0, 0, 1, 0], [], []>, transpose_lhs_hint = false} : vector<256x512xf32>, vector<4096x512xf32>, vector<256x4096xf32> -> vector<256x4096xf32>
    %bitcast_convert_type3A = tpu.bitcast %dot_general3A_7 : vector<256x4096xf32> -> vector<256x4096xi32>
    %ge3A = arith.constant 0 : i32
    %ge3A_8 = vector.broadcast %ge3A : i32 to vector<256x4096xi32>
    %ge3A_9 = arith.cmpi sge, %bitcast_convert_type3A, %ge3A_8 : vector<256x4096xi32>
    %not3A = arith.constant dense<-1> : vector<256x4096xi32>
    %not3A_10 = arith.xori %bitcast_convert_type3A, %not3A : vector<256x4096xi32>
    %xor3A = arith.constant -2147483648 : i32
    %xor3A_11 = vector.broadcast %xor3A : i32 to vector<256x4096xi32>
    %xor3A_12 = arith.xori %not3A_10, %xor3A_11 : vector<256x4096xi32>
    %select_n3A = arith.select %ge3A_9, %bitcast_convert_type3A, %xor3A_12 : vector<256x4096xi1>, vector<256x4096xi32>
    %iota3A = tpu.iota {dimensions = array<i32: 1>} : vector<256x4096xi32>
    %sub3A = arith.constant 4095 : i32
    %sub3A_13 = vector.broadcast %sub3A : i32 to vector<256x4096xi32>
    %sub3A_14 = arith.subi %sub3A_13, %iota3A : vector<256x4096xi32>
    %and3A = arith.constant -4096 : i32
    %and3A_15 = vector.broadcast %and3A : i32 to vector<256x4096xi32>
    %and3A_16 = arith.andi %select_n3A, %and3A_15 : vector<256x4096xi32>
    %or3A = arith.ori %and3A_16, %sub3A_14 : vector<256x4096xi32>
    %reduce_max3A = arith.constant dense<-2147483648> : vector<256xi32>
    %reduce_max3A_17 = vector.multi_reduction <maxsi>, %or3A, %reduce_max3A [1] : vector<256x4096xi32> to vector<256xi32>
    %and3A_18 = arith.constant 4095 : i32
    %and3A_19 = vector.broadcast %and3A_18 : i32 to vector<256xi32>
    %and3A_20 = arith.andi %reduce_max3A_17, %and3A_19 : vector<256xi32>
    %sub3A_21 = arith.constant 4095 : i32
    %sub3A_22 = vector.broadcast %sub3A_21 : i32 to vector<256xi32>
    %sub3A_23 = arith.subi %sub3A_22, %and3A_20 : vector<256xi32>
    %broadcast_in_dim3A = vector.shape_cast %sub3A_23 : vector<256xi32> to vector<1x256xi32>
    %swap3A = arith.constant 0 : index
    %swap3A_24 = arith.constant 0 : index
    %swap3A_25 = vector.load %arg4[%swap3A, %swap3A_24] : memref<8x256xi32, #tpu.memory_space<vmem>>, vector<1x256xi32>
    tpu.vector_store %arg4[%swap3A, %swap3A_24], %broadcast_in_dim3A {strides = array<i32>} : memref<8x256xi32, #tpu.memory_space<vmem>>, vector<1x256xi32>,
    %and3A_26 = arith.constant -4096 : i32
    %and3A_27 = vector.broadcast %and3A_26 : i32 to vector<256xi32>
    %and3A_28 = arith.andi %reduce_max3A_17, %and3A_27 : vector<256xi32>
    %ge3A_29 = arith.constant 0 : i32
    %ge3A_30 = vector.broadcast %ge3A_29 : i32 to vector<256xi32>
    %ge3A_31 = arith.cmpi sge, %and3A_28, %ge3A_30 : vector<256xi32>
    %xor3A_32 = arith.constant -2147483648 : i32
    %xor3A_33 = vector.broadcast %xor3A_32 : i32 to vector<256xi32>
    %xor3A_34 = arith.xori %and3A_28, %xor3A_33 : vector<256xi32>
    %not3A_35 = arith.constant dense<-1> : vector<256xi32>
    %not3A_36 = arith.xori %xor3A_34, %not3A_35 : vector<256xi32>
    %select_n3A_37 = arith.select %ge3A_31, %and3A_28, %not3A_36 : vector<256xi1>, vector<256xi32>
    %bitcast_convert_type3A_38 = tpu.bitcast %select_n3A_37 : vector<256xi32> -> vector<256xf32>
    %add3A = arith.constant -2147483648 : i32
    %add3A_39 = vector.broadcast %add3A : i32 to vector<256xi32>
    %add3A_40 = arith.addi %reduce_max3A_17, %add3A_39 : vector<256xi32>
    %broadcast_in_dim3A_41 = vector.shape_cast %add3A_40 : vector<256xi32> to vector<256x1xi32>
    %sub3A_42 = vector.broadcast %broadcast_in_dim3A_41 : vector<256x1xi32> to vector<256x4096xi32>
    %sub3A_43 = arith.subi %or3A, %sub3A_42 : vector<256x4096xi32>
    %reduce_max3A_44 = arith.constant dense<-2147483648> : vector<256xi32>
    %reduce_max3A_45 = vector.multi_reduction <maxsi>, %sub3A_43, %reduce_max3A_44 [1] : vector<256x4096xi32> to vector<256xi32>
    %add3A_46 = arith.addi %add3A_40, %reduce_max3A_45 : vector<256xi32>
    %and3A_47 = arith.constant 4095 : i32
    %and3A_48 = vector.broadcast %and3A_47 : i32 to vector<256xi32>
    %and3A_49 = arith.andi %add3A_46, %and3A_48 : vector<256xi32>
    %sub3A_50 = arith.constant 4095 : i32
    %sub3A_51 = vector.broadcast %sub3A_50 : i32 to vector<256xi32>
    %sub3A_52 = arith.subi %sub3A_51, %and3A_49 : vector<256xi32>
    %broadcast_in_dim3A_53 = vector.shape_cast %sub3A_52 : vector<256xi32> to vector<1x256xi32>
    %swap3A_54 = arith.constant 1 : index
    %swap3A_55 = arith.constant 0 : index
    %swap3A_56 = vector.load %arg4[%swap3A_54, %swap3A_55] : memref<8x256xi32, #tpu.memory_space<vmem>>, vector<1x256xi32>
    tpu.vector_store %arg4[%swap3A_54, %swap3A_55], %broadcast_in_dim3A_53 {strides = array<i32>} : memref<8x256xi32, #tpu.memory_space<vmem>>, vector<1x256xi32>,
    %and3A_57 = arith.constant -4096 : i32
    %and3A_58 = vector.broadcast %and3A_57 : i32 to vector<256xi32>
    %and3A_59 = arith.andi %add3A_46, %and3A_58 : vector<256xi32>
    %ge3A_60 = arith.constant 0 : i32
    %ge3A_61 = vector.broadcast %ge3A_60 : i32 to vector<256xi32>
    %ge3A_62 = arith.cmpi sge, %and3A_59, %ge3A_61 : vector<256xi32>
    %xor3A_63 = arith.constant -2147483648 : i32
    %xor3A_64 = vector.broadcast %xor3A_63 : i32 to vector<256xi32>
    %xor3A_65 = arith.xori %and3A_59, %xor3A_64 : vector<256xi32>
    %not3A_66 = arith.constant dense<-1> : vector<256xi32>
    %not3A_67 = arith.xori %xor3A_65, %not3A_66 : vector<256xi32>
    %select_n3A_68 = arith.select %ge3A_62, %and3A_59, %not3A_67 : vector<256xi1>, vector<256xi32>
    %bitcast_convert_type3A_69 = tpu.bitcast %select_n3A_68 : vector<256xi32> -> vector<256xf32>
    %add3A_70 = arith.constant -2147483648 : i32
    %add3A_71 = vector.broadcast %add3A_70 : i32 to vector<256xi32>
    %add3A_72 = arith.addi %add3A_46, %add3A_71 : vector<256xi32>
    %broadcast_in_dim3A_73 = vector.shape_cast %add3A_72 : vector<256xi32> to vector<256x1xi32>
    %sub3A_74 = vector.broadcast %broadcast_in_dim3A_73 : vector<256x1xi32> to vector<256x4096xi32>
    %sub3A_75 = arith.subi %or3A, %sub3A_74 : vector<256x4096xi32>
    %reduce_max3A_76 = arith.constant dense<-2147483648> : vector<256xi32>
    %reduce_max3A_77 = vector.multi_reduction <maxsi>, %sub3A_75, %reduce_max3A_76 [1] : vector<256x4096xi32> to vector<256xi32>
    %add3A_78 = arith.addi %add3A_72, %reduce_max3A_77 : vector<256xi32>
    %and3A_79 = arith.constant 4095 : i32
    %and3A_80 = vector.broadcast %and3A_79 : i32 to vector<256xi32>
    %and3A_81 = arith.andi %add3A_78, %and3A_80 : vector<256xi32>
    %sub3A_82 = arith.constant 4095 : i32
    %sub3A_83 = vector.broadcast %sub3A_82 : i32 to vector<256xi32>
    %sub3A_84 = arith.subi %sub3A_83, %and3A_81 : vector<256xi32>
    %broadcast_in_dim3A_85 = vector.shape_cast %sub3A_84 : vector<256xi32> to vector<1x256xi32>
    %swap3A_86 = arith.constant 2 : index
    %swap3A_87 = arith.constant 0 : index
    %swap3A_88 = vector.load %arg4[%swap3A_86, %swap3A_87] : memref<8x256xi32, #tpu.memory_space<vmem>>, vector<1x256xi32>
    tpu.vector_store %arg4[%swap3A_86, %swap3A_87], %broadcast_in_dim3A_85 {strides = array<i32>} : memref<8x256xi32, #tpu.memory_space<vmem>>, vector<1x256xi32>,
    %and3A_89 = arith.constant -4096 : i32
    %and3A_90 = vector.broadcast %and3A_89 : i32 to vector<256xi32>
    %and3A_91 = arith.andi %add3A_78, %and3A_90 : vector<256xi32>
    %ge3A_92 = arith.constant 0 : i32
    %ge3A_93 = vector.broadcast %ge3A_92 : i32 to vector<256xi32>
    %ge3A_94 = arith.cmpi sge, %and3A_91, %ge3A_93 : vector<256xi32>
    %xor3A_95 = arith.constant -2147483648 : i32
    %xor3A_96 = vector.broadcast %xor3A_95 : i32 to vector<256xi32>
    %xor3A_97 = arith.xori %and3A_91, %xor3A_96 : vector<256xi32>
    %not3A_98 = arith.constant dense<-1> : vector<256xi32>
    %not3A_99 = arith.xori %xor3A_97, %not3A_98 : vector<256xi32>
    %select_n3A_100 = arith.select %ge3A_94, %and3A_91, %not3A_99 : vector<256xi1>, vector<256xi32>
    %bitcast_convert_type3A_101 = tpu.bitcast %select_n3A_100 : vector<256xi32> -> vector<256xf32>
    %add3A_102 = arith.constant -2147483648 : i32
    %add3A_103 = vector.broadcast %add3A_102 : i32 to vector<256xi32>
    %add3A_104 = arith.addi %add3A_78, %add3A_103 : vector<256xi32>
    %broadcast_in_dim3A_105 = vector.shape_cast %add3A_104 : vector<256xi32> to vector<256x1xi32>
    %sub3A_106 = vector.broadcast %broadcast_in_dim3A_105 : vector<256x1xi32> to vector<256x4096xi32>
    %sub3A_107 = arith.subi %or3A, %sub3A_106 : vector<256x4096xi32>
    %reduce_max3A_108 = arith.constant dense<-2147483648> : vector<256xi32>
    %reduce_max3A_109 = vector.multi_reduction <maxsi>, %sub3A_107, %reduce_max3A_108 [1] : vector<256x4096xi32> to vector<256xi32>
    %add3A_110 = arith.addi %add3A_104, %reduce_max3A_109 : vector<256xi32>
    %and3A_111 = arith.constant 4095 : i32
    %and3A_112 = vector.broadcast %and3A_111 : i32 to vector<256xi32>
    %and3A_113 = arith.andi %add3A_110, %and3A_112 : vector<256xi32>
    %sub3A_114 = arith.constant 4095 : i32
    %sub3A_115 = vector.broadcast %sub3A_114 : i32 to vector<256xi32>
    %sub3A_116 = arith.subi %sub3A_115, %and3A_113 : vector<256xi32>
    %broadcast_in_dim3A_117 = vector.shape_cast %sub3A_116 : vector<256xi32> to vector<1x256xi32>
    %swap3A_118 = arith.constant 3 : index
    %swap3A_119 = arith.constant 0 : index
    %swap3A_120 = vector.load %arg4[%swap3A_118, %swap3A_119] : memref<8x256xi32, #tpu.memory_space<vmem>>, vector<1x256xi32>
    tpu.vector_store %arg4[%swap3A_118, %swap3A_119], %broadcast_in_dim3A_117 {strides = array<i32>} : memref<8x256xi32, #tpu.memory_space<vmem>>, vector<1x256xi32>,
    %and3A_121 = arith.constant -4096 : i32
    %and3A_122 = vector.broadcast %and3A_121 : i32 to vector<256xi32>
    %and3A_123 = arith.andi %add3A_110, %and3A_122 : vector<256xi32>
    %ge3A_124 = arith.constant 0 : i32
    %ge3A_125 = vector.broadcast %ge3A_124 : i32 to vector<256xi32>
    %ge3A_126 = arith.cmpi sge, %and3A_123, %ge3A_125 : vector<256xi32>
    %xor3A_127 = arith.constant -2147483648 : i32
    %xor3A_128 = vector.broadcast %xor3A_127 : i32 to vector<256xi32>
    %xor3A_129 = arith.xori %and3A_123, %xor3A_128 : vector<256xi32>
    %not3A_130 = arith.constant dense<-1> : vector<256xi32>
    %not3A_131 = arith.xori %xor3A_129, %not3A_130 : vector<256xi32>
    %select_n3A_132 = arith.select %ge3A_126, %and3A_123, %not3A_131 : vector<256xi1>, vector<256xi32>
    %bitcast_convert_type3A_133 = tpu.bitcast %select_n3A_132 : vector<256xi32> -> vector<256xf32>
    %add3A_134 = arith.constant -2147483648 : i32
    %add3A_135 = vector.broadcast %add3A_134 : i32 to vector<256xi32>
    %add3A_136 = arith.addi %add3A_110, %add3A_135 : vector<256xi32>
    %broadcast_in_dim3A_137 = vector.shape_cast %add3A_136 : vector<256xi32> to vector<256x1xi32>
    %sub3A_138 = vector.broadcast %broadcast_in_dim3A_137 : vector<256x1xi32> to vector<256x4096xi32>
    %sub3A_139 = arith.subi %or3A, %sub3A_138 : vector<256x4096xi32>
    %reduce_max3A_140 = arith.constant dense<-2147483648> : vector<256xi32>
    %reduce_max3A_141 = vector.multi_reduction <maxsi>, %sub3A_139, %reduce_max3A_140 [1] : vector<256x4096xi32> to vector<256xi32>
    %add3A_142 = arith.addi %add3A_136, %reduce_max3A_141 : vector<256xi32>
    %and3A_143 = arith.constant 4095 : i32
    %and3A_144 = vector.broadcast %and3A_143 : i32 to vector<256xi32>
    %and3A_145 = arith.andi %add3A_142, %and3A_144 : vector<256xi32>
    %sub3A_146 = arith.constant 4095 : i32
    %sub3A_147 = vector.broadcast %sub3A_146 : i32 to vector<256xi32>
    %sub3A_148 = arith.subi %sub3A_147, %and3A_145 : vector<256xi32>
    %broadcast_in_dim3A_149 = vector.shape_cast %sub3A_148 : vector<256xi32> to vector<1x256xi32>
    %swap3A_150 = arith.constant 4 : index
    %swap3A_151 = arith.constant 0 : index
    %swap3A_152 = vector.load %arg4[%swap3A_150, %swap3A_151] : memref<8x256xi32, #tpu.memory_space<vmem>>, vector<1x256xi32>
    tpu.vector_store %arg4[%swap3A_150, %swap3A_151], %broadcast_in_dim3A_149 {strides = array<i32>} : memref<8x256xi32, #tpu.memory_space<vmem>>, vector<1x256xi32>,
    %and3A_153 = arith.constant -4096 : i32
    %and3A_154 = vector.broadcast %and3A_153 : i32 to vector<256xi32>
    %and3A_155 = arith.andi %add3A_142, %and3A_154 : vector<256xi32>
    %ge3A_156 = arith.constant 0 : i32
    %ge3A_157 = vector.broadcast %ge3A_156 : i32 to vector<256xi32>
    %ge3A_158 = arith.cmpi sge, %and3A_155, %ge3A_157 : vector<256xi32>
    %xor3A_159 = arith.constant -2147483648 : i32
    %xor3A_160 = vector.broadcast %xor3A_159 : i32 to vector<256xi32>
    %xor3A_161 = arith.xori %and3A_155, %xor3A_160 : vector<256xi32>
    %not3A_162 = arith.constant dense<-1> : vector<256xi32>
    %not3A_163 = arith.xori %xor3A_161, %not3A_162 : vector<256xi32>
    %select_n3A_164 = arith.select %ge3A_158, %and3A_155, %not3A_163 : vector<256xi1>, vector<256xi32>
    %bitcast_convert_type3A_165 = tpu.bitcast %select_n3A_164 : vector<256xi32> -> vector<256xf32>
    %add3A_166 = arith.constant -2147483648 : i32
    %add3A_167 = vector.broadcast %add3A_166 : i32 to vector<256xi32>
    %add3A_168 = arith.addi %add3A_142, %add3A_167 : vector<256xi32>
    %broadcast_in_dim3A_169 = vector.shape_cast %add3A_168 : vector<256xi32> to vector<256x1xi32>
    %sub3A_170 = vector.broadcast %broadcast_in_dim3A_169 : vector<256x1xi32> to vector<256x4096xi32>
    %sub3A_171 = arith.subi %or3A, %sub3A_170 : vector<256x4096xi32>
    %reduce_max3A_172 = arith.constant dense<-2147483648> : vector<256xi32>
    %reduce_max3A_173 = vector.multi_reduction <maxsi>, %sub3A_171, %reduce_max3A_172 [1] : vector<256x4096xi32> to vector<256xi32>
    %add3A_174 = arith.addi %add3A_168, %reduce_max3A_173 : vector<256xi32>
    %and3A_175 = arith.constant 4095 : i32
    %and3A_176 = vector.broadcast %and3A_175 : i32 to vector<256xi32>
    %and3A_177 = arith.andi %add3A_174, %and3A_176 : vector<256xi32>
    %sub3A_178 = arith.constant 4095 : i32
    %sub3A_179 = vector.broadcast %sub3A_178 : i32 to vector<256xi32>
    %sub3A_180 = arith.subi %sub3A_179, %and3A_177 : vector<256xi32>
    %broadcast_in_dim3A_181 = vector.shape_cast %sub3A_180 : vector<256xi32> to vector<1x256xi32>
    %swap3A_182 = arith.constant 5 : index
    %swap3A_183 = arith.constant 0 : index
    %swap3A_184 = vector.load %arg4[%swap3A_182, %swap3A_183] : memref<8x256xi32, #tpu.memory_space<vmem>>, vector<1x256xi32>
    tpu.vector_store %arg4[%swap3A_182, %swap3A_183], %broadcast_in_dim3A_181 {strides = array<i32>} : memref<8x256xi32, #tpu.memory_space<vmem>>, vector<1x256xi32>,
    %and3A_185 = arith.constant -4096 : i32
    %and3A_186 = vector.broadcast %and3A_185 : i32 to vector<256xi32>
    %and3A_187 = arith.andi %add3A_174, %and3A_186 : vector<256xi32>
    %ge3A_188 = arith.constant 0 : i32
    %ge3A_189 = vector.broadcast %ge3A_188 : i32 to vector<256xi32>
    %ge3A_190 = arith.cmpi sge, %and3A_187, %ge3A_189 : vector<256xi32>
    %xor3A_191 = arith.constant -2147483648 : i32
    %xor3A_192 = vector.broadcast %xor3A_191 : i32 to vector<256xi32>
    %xor3A_193 = arith.xori %and3A_187, %xor3A_192 : vector<256xi32>
    %not3A_194 = arith.constant dense<-1> : vector<256xi32>
    %not3A_195 = arith.xori %xor3A_193, %not3A_194 : vector<256xi32>
    %select_n3A_196 = arith.select %ge3A_190, %and3A_187, %not3A_195 : vector<256xi1>, vector<256xi32>
    %bitcast_convert_type3A_197 = tpu.bitcast %select_n3A_196 : vector<256xi32> -> vector<256xf32>
    %sub3A_198 = arith.subf %bitcast_convert_type3A_38, %bitcast_convert_type3A_38 : vector<256xf32>
    %exp3A = math.exp %sub3A_198 : vector<256xf32>
    %sub3A_199 = arith.subf %bitcast_convert_type3A_69, %bitcast_convert_type3A_38 : vector<256xf32>
    %exp3A_200 = math.exp %sub3A_199 : vector<256xf32>
    %sub3A_201 = arith.subf %bitcast_convert_type3A_101, %bitcast_convert_type3A_38 : vector<256xf32>
    %exp3A_202 = math.exp %sub3A_201 : vector<256xf32>
    %sub3A_203 = arith.subf %bitcast_convert_type3A_133, %bitcast_convert_type3A_38 : vector<256xf32>
    %exp3A_204 = math.exp %sub3A_203 : vector<256xf32>
    %sub3A_205 = arith.subf %bitcast_convert_type3A_165, %bitcast_convert_type3A_38 : vector<256xf32>
    %exp3A_206 = math.exp %sub3A_205 : vector<256xf32>
    %sub3A_207 = arith.subf %bitcast_convert_type3A_197, %bitcast_convert_type3A_38 : vector<256xf32>
    %exp3A_208 = math.exp %sub3A_207 : vector<256xf32>
    %add3A_209 = arith.addf %exp3A, %exp3A_200 : vector<256xf32>
    %add3A_210 = arith.addf %add3A_209, %exp3A_202 : vector<256xf32>
    %add3A_211 = arith.addf %add3A_210, %exp3A_204 : vector<256xf32>
    %add3A_212 = arith.addf %add3A_211, %exp3A_206 : vector<256xf32>
    %add3A_213 = arith.addf %add3A_212, %exp3A_208 : vector<256xf32>
    %div3A = arith.divf %exp3A, %add3A_213 : vector<256xf32>
    %broadcast_in_dim3A_214 = vector.shape_cast %div3A : vector<256xf32> to vector<256x1xf32>
    %swap3A_215 = arith.constant 0 : index
    %swap3A_216 = arith.constant 0 : index
    %swap3A_217 = vector.load %arg3[%swap3A_215, %swap3A_216] : memref<256x8xf32, #tpu.memory_space<vmem>>, vector<256x1xf32>
    tpu.vector_store %arg3[%swap3A_215, %swap3A_216], %broadcast_in_dim3A_214 {strides = array<i32>} : memref<256x8xf32, #tpu.memory_space<vmem>>, vector<256x1xf32>,
    %div3A_218 = arith.divf %exp3A_200, %add3A_213 : vector<256xf32>
    %broadcast_in_dim3A_219 = vector.shape_cast %div3A_218 : vector<256xf32> to vector<256x1xf32>
    %swap3A_220 = arith.constant 0 : index
    %swap3A_221 = arith.constant 1 : index
    %swap3A_222 = vector.load %arg3[%swap3A_220, %swap3A_221] : memref<256x8xf32, #tpu.memory_space<vmem>>, vector<256x1xf32>
    tpu.vector_store %arg3[%swap3A_220, %swap3A_221], %broadcast_in_dim3A_219 {strides = array<i32>} : memref<256x8xf32, #tpu.memory_space<vmem>>, vector<256x1xf32>,
    %div3A_223 = arith.divf %exp3A_202, %add3A_213 : vector<256xf32>
    %broadcast_in_dim3A_224 = vector.shape_cast %div3A_223 : vector<256xf32> to vector<256x1xf32>
    %swap3A_225 = arith.constant 0 : index
    %swap3A_226 = arith.constant 2 : index
    %swap3A_227 = vector.load %arg3[%swap3A_225, %swap3A_226] : memref<256x8xf32, #tpu.memory_space<vmem>>, vector<256x1xf32>
    tpu.vector_store %arg3[%swap3A_225, %swap3A_226], %broadcast_in_dim3A_224 {strides = array<i32>} : memref<256x8xf32, #tpu.memory_space<vmem>>, vector<256x1xf32>,
    %div3A_228 = arith.divf %exp3A_204, %add3A_213 : vector<256xf32>
    %broadcast_in_dim3A_229 = vector.shape_cast %div3A_228 : vector<256xf32> to vector<256x1xf32>
    %swap3A_230 = arith.constant 0 : index
    %swap3A_231 = arith.constant 3 : index
    %swap3A_232 = vector.load %arg3[%swap3A_230, %swap3A_231] : memref<256x8xf32, #tpu.memory_space<vmem>>, vector<256x1xf32>
    tpu.vector_store %arg3[%swap3A_230, %swap3A_231], %broadcast_in_dim3A_229 {strides = array<i32>} : memref<256x8xf32, #tpu.memory_space<vmem>>, vector<256x1xf32>,
    %div3A_233 = arith.divf %exp3A_206, %add3A_213 : vector<256xf32>
    %broadcast_in_dim3A_234 = vector.shape_cast %div3A_233 : vector<256xf32> to vector<256x1xf32>
    %swap3A_235 = arith.constant 0 : index
    %swap3A_236 = arith.constant 4 : index
    %swap3A_237 = vector.load %arg3[%swap3A_235, %swap3A_236] : memref<256x8xf32, #tpu.memory_space<vmem>>, vector<256x1xf32>
    tpu.vector_store %arg3[%swap3A_235, %swap3A_236], %broadcast_in_dim3A_234 {strides = array<i32>} : memref<256x8xf32, #tpu.memory_space<vmem>>, vector<256x1xf32>,
    %div3A_238 = arith.divf %exp3A_208, %add3A_213 : vector<256xf32>
    %broadcast_in_dim3A_239 = vector.shape_cast %div3A_238 : vector<256xf32> to vector<256x1xf32>
    %swap3A_240 = arith.constant 0 : index
    %swap3A_241 = arith.constant 5 : index
    %swap3A_242 = vector.load %arg3[%swap3A_240, %swap3A_241] : memref<256x8xf32, #tpu.memory_space<vmem>>, vector<256x1xf32>
    tpu.vector_store %arg3[%swap3A_240, %swap3A_241], %broadcast_in_dim3A_239 {strides = array<i32>} : memref<256x8xf32, #tpu.memory_space<vmem>>, vector<256x1xf32>,
    return
  }
  func.func @transform_0(%arg0: i32) -> (i32, i32) {
    %c0_i32 = arith.constant 0 : i32
    %c0_i32_0 = arith.constant 0 : i32
    return %arg0, %c0_i32 : i32, i32
  }
  func.func @transform_1(%arg0: i32) -> (i32, i32) {
    %c0_i32 = arith.constant 0 : i32
    %c0_i32_0 = arith.constant 0 : i32
    %c0_i32_1 = arith.constant 0 : i32
    return %c0_i32, %c0_i32_0 : i32, i32
  }
  func.func @transform_2(%arg0: i32) -> (i32, i32) {
    %c0_i32 = arith.constant 0 : i32
    %c0_i32_0 = arith.constant 0 : i32
    return %arg0, %c0_i32 : i32, i32
  }
  func.func @transform_3(%arg0: i32) -> (i32, i32) {
    %c0_i32 = arith.constant 0 : i32
    %c0_i32_0 = arith.constant 0 : i32
    return %c0_i32, %arg0 : i32, i32
  }
}

module attributes {stable_mosaic.version = 14 : i64} {
  func.func @_proj_body(%arg0: i32, %arg1: memref<256x512xf32, #tpu.memory_space<vmem>>, %arg2: memref<1x512xf32, #tpu.memory_space<vmem>>, %arg3: memref<512x512xf32, #tpu.memory_space<vmem>>, %arg4: memref<1x512xf32, #tpu.memory_space<vmem>>, %arg5: memref<512x512xf32, #tpu.memory_space<vmem>>, %arg6: memref<1x512xf32, #tpu.memory_space<vmem>>, %arg7: memref<256x512xf32, #tpu.memory_space<vmem>>, %arg8: memref<256x512xf32, #tpu.memory_space<vmem>>) attributes {dimension_semantics = [#tpu.dimension_semantics<arbitrary>], iteration_bounds = array<i64: 16>, scalar_prefetch = 0 : i64, scratch_operands = 0 : i64, tpu.core_type = #tpu.core_type<tc>, window_params = [{transform_indices = @transform_0, window_bounds = array<i64: 256, 512>}, {pipeline_mode = #tpu.pipeline_mode<synchronous>, transform_indices = @transform_1, window_bounds = array<i64: 1, 512>}, {pipeline_mode = #tpu.pipeline_mode<synchronous>, transform_indices = @transform_2, window_bounds = array<i64: 512, 512>}, {pipeline_mode = #tpu.pipeline_mode<synchronous>, transform_indices = @transform_3, window_bounds = array<i64: 1, 512>}, {pipeline_mode = #tpu.pipeline_mode<synchronous>, transform_indices = @transform_4, window_bounds = array<i64: 512, 512>}, {pipeline_mode = #tpu.pipeline_mode<synchronous>, transform_indices = @transform_5, window_bounds = array<i64: 1, 512>}, {transform_indices = @transform_6, window_bounds = array<i64: 256, 512>}, {transform_indices = @transform_7, window_bounds = array<i64: 256, 512>}]} {
    %get3A = arith.constant 0 : index
    %get3A_0 = arith.constant 0 : index
    %get3A_1 = vector.load %arg1[%get3A, %get3A_0] : memref<256x512xf32, #tpu.memory_space<vmem>>, vector<256x512xf32>
    %get3A_2 = arith.constant 0 : index
    %get3A_3 = arith.constant 0 : index
    %get3A_4 = vector.load %arg2[%get3A_2, %get3A_3] : memref<1x512xf32, #tpu.memory_space<vmem>>, vector<1x512xf32>
    %mul3A = arith.constant 2.44140625E-4 : f32
    %mul3A_5 = vector.broadcast %mul3A : f32 to vector<1x512xf32>
    %mul3A_6 = arith.mulf %get3A_4, %mul3A_5 : vector<1x512xf32>
    %add3A = vector.broadcast %mul3A_6 : vector<1x512xf32> to vector<256x512xf32>
    %add3A_7 = arith.addf %get3A_1, %add3A : vector<256x512xf32>
    %mul3A_8 = arith.constant 5.000000e-01 : f32
    %mul3A_9 = vector.broadcast %mul3A_8 : f32 to vector<256x512xf32>
    %mul3A_10 = arith.mulf %add3A_7, %mul3A_9 : vector<256x512xf32>
    %get3A_11 = arith.constant 0 : index
    %get3A_12 = arith.constant 0 : index
    %get3A_13 = vector.load %arg3[%get3A_11, %get3A_12] : memref<512x512xf32, #tpu.memory_space<vmem>>, vector<512x512xf32>
    %dot_general3A = arith.constant dense<0.000000e+00> : vector<256x512xf32>
    %dot_general3A_14 = tpu.matmul %mul3A_10, %get3A_13, %dot_general3A {dimension_numbers = #tpu.dot_dimension_numbers<[1], [0], [0], [1], [0, 0, 1, 1], [], []>, transpose_lhs_hint = false} : vector<256x512xf32>, vector<512x512xf32>, vector<256x512xf32> -> vector<256x512xf32>
    %get3A_15 = arith.constant 0 : index
    %get3A_16 = arith.constant 0 : index
    %get3A_17 = vector.load %arg4[%get3A_15, %get3A_16] : memref<1x512xf32, #tpu.memory_space<vmem>>, vector<1x512xf32>
    %add3A_18 = vector.broadcast %get3A_17 : vector<1x512xf32> to vector<256x512xf32>
    %add3A_19 = arith.addf %dot_general3A_14, %add3A_18 : vector<256x512xf32>
    %swap3A = arith.constant 0 : index
    %swap3A_20 = arith.constant 0 : index
    %swap3A_21 = vector.load %arg7[%swap3A, %swap3A_20] : memref<256x512xf32, #tpu.memory_space<vmem>>, vector<256x512xf32>
    tpu.vector_store %arg7[%swap3A, %swap3A_20], %add3A_19 {strides = array<i32>} : memref<256x512xf32, #tpu.memory_space<vmem>>, vector<256x512xf32>,
    %get3A_22 = arith.constant 0 : index
    %get3A_23 = arith.constant 0 : index
    %get3A_24 = vector.load %arg5[%get3A_22, %get3A_23] : memref<512x512xf32, #tpu.memory_space<vmem>>, vector<512x512xf32>
    %dot_general3A_25 = arith.constant dense<0.000000e+00> : vector<256x512xf32>
    %dot_general3A_26 = tpu.matmul %mul3A_10, %get3A_24, %dot_general3A_25 {dimension_numbers = #tpu.dot_dimension_numbers<[1], [0], [0], [1], [0, 0, 1, 1], [], []>, transpose_lhs_hint = false} : vector<256x512xf32>, vector<512x512xf32>, vector<256x512xf32> -> vector<256x512xf32>
    %get3A_27 = arith.constant 0 : index
    %get3A_28 = arith.constant 0 : index
    %get3A_29 = vector.load %arg6[%get3A_27, %get3A_28] : memref<1x512xf32, #tpu.memory_space<vmem>>, vector<1x512xf32>
    %add3A_30 = vector.broadcast %get3A_29 : vector<1x512xf32> to vector<256x512xf32>
    %add3A_31 = arith.addf %dot_general3A_26, %add3A_30 : vector<256x512xf32>
    %swap3A_32 = arith.constant 0 : index
    %swap3A_33 = arith.constant 0 : index
    %swap3A_34 = vector.load %arg8[%swap3A_32, %swap3A_33] : memref<256x512xf32, #tpu.memory_space<vmem>>, vector<256x512xf32>
    tpu.vector_store %arg8[%swap3A_32, %swap3A_33], %add3A_31 {strides = array<i32>} : memref<256x512xf32, #tpu.memory_space<vmem>>, vector<256x512xf32>,
    return
  }
  func.func @transform_0(%arg0: i32) -> (i32, i32) {
    %c0_i32 = arith.constant 0 : i32
    %c0_i32_0 = arith.constant 0 : i32
    return %arg0, %c0_i32 : i32, i32
  }
  func.func @transform_1(%arg0: i32) -> (i32, i32) {
    %c0_i32 = arith.constant 0 : i32
    %c0_i32_0 = arith.constant 0 : i32
    %c0_i32_1 = arith.constant 0 : i32
    return %c0_i32, %c0_i32_0 : i32, i32
  }
  func.func @transform_2(%arg0: i32) -> (i32, i32) {
    %c0_i32 = arith.constant 0 : i32
    %c0_i32_0 = arith.constant 0 : i32
    %c0_i32_1 = arith.constant 0 : i32
    return %c0_i32, %c0_i32_0 : i32, i32
  }
  func.func @transform_3(%arg0: i32) -> (i32, i32) {
    %c0_i32 = arith.constant 0 : i32
    %c0_i32_0 = arith.constant 0 : i32
    %c0_i32_1 = arith.constant 0 : i32
    return %c0_i32, %c0_i32_0 : i32, i32
  }
  func.func @transform_4(%arg0: i32) -> (i32, i32) {
    %c0_i32 = arith.constant 0 : i32
    %c0_i32_0 = arith.constant 0 : i32
    %c0_i32_1 = arith.constant 0 : i32
    return %c0_i32, %c0_i32_0 : i32, i32
  }
  func.func @transform_5(%arg0: i32) -> (i32, i32) {
    %c0_i32 = arith.constant 0 : i32
    %c0_i32_0 = arith.constant 0 : i32
    %c0_i32_1 = arith.constant 0 : i32
    return %c0_i32, %c0_i32_0 : i32, i32
  }
  func.func @transform_6(%arg0: i32) -> (i32, i32) {
    %c0_i32 = arith.constant 0 : i32
    %c0_i32_0 = arith.constant 0 : i32
    return %arg0, %c0_i32 : i32, i32
  }
  func.func @transform_7(%arg0: i32) -> (i32, i32) {
    %c0_i32 = arith.constant 0 : i32
    %c0_i32_0 = arith.constant 0 : i32
    return %arg0, %c0_i32 : i32, i32
  }
}

module attributes {stable_mosaic.version = 14 : i64} {
  func.func @_fc1_body(%arg0: i32, %arg1: memref<256x384xf32, #tpu.memory_space<vmem>>, %arg2: memref<384x512xf32, #tpu.memory_space<vmem>>, %arg3: memref<1x512xf32, #tpu.memory_space<vmem>>, %arg4: memref<256x512xf32, #tpu.memory_space<vmem>>, %arg5: memref<1x512xf32, #tpu.memory_space<vmem>>) attributes {dimension_semantics = [#tpu.dimension_semantics<arbitrary>], iteration_bounds = array<i64: 16>, scalar_prefetch = 0 : i64, scratch_operands = 0 : i64, tpu.core_type = #tpu.core_type<tc>, window_params = [{transform_indices = @transform_0, window_bounds = array<i64: 256, 384>}, {pipeline_mode = #tpu.pipeline_mode<synchronous>, transform_indices = @transform_1, window_bounds = array<i64: 384, 512>}, {pipeline_mode = #tpu.pipeline_mode<synchronous>, transform_indices = @transform_2, window_bounds = array<i64: 1, 512>}, {transform_indices = @transform_3, window_bounds = array<i64: 256, 512>}, {pipeline_mode = #tpu.pipeline_mode<synchronous>, transform_indices = @transform_4, window_bounds = array<i64: 1, 512>}]} {
    %get3A = arith.constant 0 : index
    %get3A_0 = arith.constant 0 : index
    %get3A_1 = vector.load %arg1[%get3A, %get3A_0] : memref<256x384xf32, #tpu.memory_space<vmem>>, vector<256x384xf32>
    %get3A_2 = arith.constant 0 : index
    %get3A_3 = arith.constant 0 : index
    %get3A_4 = vector.load %arg2[%get3A_2, %get3A_3] : memref<384x512xf32, #tpu.memory_space<vmem>>, vector<384x512xf32>
    %dot_general3A = arith.constant dense<0.000000e+00> : vector<256x512xf32>
    %dot_general3A_5 = tpu.matmul %get3A_1, %get3A_4, %dot_general3A {dimension_numbers = #tpu.dot_dimension_numbers<[1], [0], [0], [1], [0, 0, 1, 1], [], []>, transpose_lhs_hint = false} : vector<256x384xf32>, vector<384x512xf32>, vector<256x512xf32> -> vector<256x512xf32>
    %get3A_6 = arith.constant 0 : index
    %get3A_7 = arith.constant 0 : index
    %get3A_8 = vector.load %arg3[%get3A_6, %get3A_7] : memref<1x512xf32, #tpu.memory_space<vmem>>, vector<1x512xf32>
    %add3A = vector.broadcast %get3A_8 : vector<1x512xf32> to vector<256x512xf32>
    %add3A_9 = arith.addf %dot_general3A_5, %add3A : vector<256x512xf32>
    %ge3A = arith.constant 0.000000e+00 : f32
    %ge3A_10 = vector.broadcast %ge3A : f32 to vector<256x512xf32>
    %ge3A_11 = arith.cmpf oge, %add3A_9, %ge3A_10 : vector<256x512xf32>
    %mul3A = arith.constant 0.00999999977 : f32
    %mul3A_12 = vector.broadcast %mul3A : f32 to vector<256x512xf32>
    %mul3A_13 = arith.mulf %mul3A_12, %add3A_9 : vector<256x512xf32>
    %select_n3A = arith.select %ge3A_11, %add3A_9, %mul3A_13 : vector<256x512xi1>, vector<256x512xf32>
    %swap3A = arith.constant 0 : index
    %swap3A_14 = arith.constant 0 : index
    %swap3A_15 = vector.load %arg4[%swap3A, %swap3A_14] : memref<256x512xf32, #tpu.memory_space<vmem>>, vector<256x512xf32>
    tpu.vector_store %arg4[%swap3A, %swap3A_14], %select_n3A {strides = array<i32>} : memref<256x512xf32, #tpu.memory_space<vmem>>, vector<256x512xf32>,
    %reduce_sum3A = arith.constant dense<0.000000e+00> : vector<512xf32>
    %reduce_sum3A_16 = vector.multi_reduction <add>, %select_n3A, %reduce_sum3A [0] : vector<256x512xf32> to vector<512xf32>
    %broadcast_in_dim3A = vector.shape_cast %reduce_sum3A_16 : vector<512xf32> to vector<1x512xf32>
    %eq3A = arith.constant 0 : i32
    %eq3A_17 = arith.cmpi eq, %arg0, %eq3A : i32
    %convert_element_type3A = arith.extui %eq3A_17 : i1 to i32
    %cond3A = arith.constant 0 : i32
    %cond3A_18 = arith.cmpi ne, %convert_element_type3A, %cond3A : i32
    scf.if %cond3A_18 {
      %swap3A_23 = arith.constant 0 : index
      %swap3A_24 = arith.constant 0 : index
      %swap3A_25 = vector.load %arg5[%swap3A_23, %swap3A_24] : memref<1x512xf32, #tpu.memory_space<vmem>>, vector<1x512xf32>
      tpu.vector_store %arg5[%swap3A_23, %swap3A_24], %broadcast_in_dim3A {strides = array<i32>} : memref<1x512xf32, #tpu.memory_space<vmem>>, vector<1x512xf32>,
    } else {
    }
    %ne3A = arith.constant 0 : i32
    %ne3A_19 = arith.cmpi ne, %arg0, %ne3A : i32
    %convert_element_type3A_20 = arith.extui %ne3A_19 : i1 to i32
    %cond3A_21 = arith.constant 0 : i32
    %cond3A_22 = arith.cmpi ne, %convert_element_type3A_20, %cond3A_21 : i32
    scf.if %cond3A_22 {
      %get3A_23 = arith.constant 0 : index
      %get3A_24 = arith.constant 0 : index
      %get3A_25 = vector.load %arg5[%get3A_23, %get3A_24] : memref<1x512xf32, #tpu.memory_space<vmem>>, vector<1x512xf32>
      %add3A_26 = arith.addf %get3A_25, %broadcast_in_dim3A : vector<1x512xf32>
      %swap3A_27 = arith.constant 0 : index
      %swap3A_28 = arith.constant 0 : index
      %swap3A_29 = vector.load %arg5[%swap3A_27, %swap3A_28] : memref<1x512xf32, #tpu.memory_space<vmem>>, vector<1x512xf32>
      tpu.vector_store %arg5[%swap3A_27, %swap3A_28], %add3A_26 {strides = array<i32>} : memref<1x512xf32, #tpu.memory_space<vmem>>, vector<1x512xf32>,
    } else {
    }
    return
  }
  func.func @transform_0(%arg0: i32) -> (i32, i32) {
    %c0_i32 = arith.constant 0 : i32
    %c0_i32_0 = arith.constant 0 : i32
    return %arg0, %c0_i32 : i32, i32
  }
  func.func @transform_1(%arg0: i32) -> (i32, i32) {
    %c0_i32 = arith.constant 0 : i32
    %c0_i32_0 = arith.constant 0 : i32
    %c0_i32_1 = arith.constant 0 : i32
    return %c0_i32, %c0_i32_0 : i32, i32
  }
  func.func @transform_2(%arg0: i32) -> (i32, i32) {
    %c0_i32 = arith.constant 0 : i32
    %c0_i32_0 = arith.constant 0 : i32
    %c0_i32_1 = arith.constant 0 : i32
    return %c0_i32, %c0_i32_0 : i32, i32
  }
  func.func @transform_3(%arg0: i32) -> (i32, i32) {
    %c0_i32 = arith.constant 0 : i32
    %c0_i32_0 = arith.constant 0 : i32
    return %arg0, %c0_i32 : i32, i32
  }
  func.func @transform_4(%arg0: i32) -> (i32, i32) {
    %c0_i32 = arith.constant 0 : i32
    %c0_i32_0 = arith.constant 0 : i32
    %c0_i32_1 = arith.constant 0 : i32
    return %c0_i32, %c0_i32_0 : i32, i32
  }
}

module attributes {stable_mosaic.version = 14 : i64} {
  func.func @_agg_body(%arg0: i32, %arg1: memref<256x512xf32, #tpu.memory_space<vmem>>, %arg2: memref<256x8xf32, #tpu.memory_space<vmem>>, %arg3: memref<6x256x512xf32, #tpu.memory_space<vmem>>, %arg4: memref<512x512xf32, #tpu.memory_space<vmem>>, %arg5: memref<1x512xf32, #tpu.memory_space<vmem>>, %arg6: memref<512x512xf32, #tpu.memory_space<vmem>>, %arg7: memref<1x512xf32, #tpu.memory_space<vmem>>, %arg8: memref<512x256xf32, #tpu.memory_space<vmem>>, %arg9: memref<1x256xf32, #tpu.memory_space<vmem>>, %arg10: memref<1x256xf32, #tpu.memory_space<vmem>>, %arg11: memref<1x1xf32, #tpu.memory_space<vmem>>, %arg12: memref<256x512xf32, #tpu.memory_space<vmem>>, %arg13: memref<256x8xf32, #tpu.memory_space<vmem>>) attributes {dimension_semantics = [#tpu.dimension_semantics<arbitrary>], iteration_bounds = array<i64: 8>, scalar_prefetch = 0 : i64, scratch_operands = 0 : i64, tpu.core_type = #tpu.core_type<tc>, window_params = [{transform_indices = @transform_0, window_bounds = array<i64: 256, 512>}, {transform_indices = @transform_1, window_bounds = array<i64: 256, 8>}, {transform_indices = @transform_2, window_bounds = array<i64: 6, 256, 512>}, {pipeline_mode = #tpu.pipeline_mode<synchronous>, transform_indices = @transform_3, window_bounds = array<i64: 512, 512>}, {pipeline_mode = #tpu.pipeline_mode<synchronous>, transform_indices = @transform_4, window_bounds = array<i64: 1, 512>}, {pipeline_mode = #tpu.pipeline_mode<synchronous>, transform_indices = @transform_5, window_bounds = array<i64: 512, 512>}, {pipeline_mode = #tpu.pipeline_mode<synchronous>, transform_indices = @transform_6, window_bounds = array<i64: 1, 512>}, {pipeline_mode = #tpu.pipeline_mode<synchronous>, transform_indices = @transform_7, window_bounds = array<i64: 512, 256>}, {pipeline_mode = #tpu.pipeline_mode<synchronous>, transform_indices = @transform_8, window_bounds = array<i64: 1, 256>}, {pipeline_mode = #tpu.pipeline_mode<synchronous>, transform_indices = @transform_9, window_bounds = array<i64: 1, 256>}, {pipeline_mode = #tpu.pipeline_mode<synchronous>, transform_indices = @transform_10, window_bounds = array<i64: 1, 1>}, {transform_indices = @transform_11, window_bounds = array<i64: 256, 512>}, {transform_indices = @transform_12, window_bounds = array<i64: 256, 8>}]} {
    %get3A = arith.constant 0 : index
    %get3A_0 = arith.constant 0 : index
    %get3A_1 = vector.load %arg1[%get3A, %get3A_0] : memref<256x512xf32, #tpu.memory_space<vmem>>, vector<256x512xf32>
    %get3A_2 = arith.constant 0 : index
    %get3A_3 = arith.constant 0 : index
    %get3A_4 = arith.constant 0 : index
    %get3A_5 = vector.load %arg3[%get3A_2, %get3A_3, %get3A_4] : memref<6x256x512xf32, #tpu.memory_space<vmem>>, vector<1x256x512xf32>
    %get3A_6 = vector.shape_cast %get3A_5 : vector<1x256x512xf32> to vector<256x512xf32>
    %get3A_7 = arith.constant 0 : index
    %get3A_8 = arith.constant 0 : index
    %get3A_9 = vector.load %arg2[%get3A_7, %get3A_8] : memref<256x8xf32, #tpu.memory_space<vmem>>, vector<256x1xf32>
    %mul3A = vector.broadcast %get3A_9 : vector<256x1xf32> to vector<256x512xf32>
    %mul3A_10 = arith.mulf %mul3A, %get3A_6 : vector<256x512xf32>
    %sub3A = arith.constant 1.000000e+00 : f32
    %sub3A_11 = vector.broadcast %sub3A : f32 to vector<256x1xf32>
    %sub3A_12 = arith.subf %sub3A_11, %get3A_9 : vector<256x1xf32>
    %mul3A_13 = vector.broadcast %sub3A_12 : vector<256x1xf32> to vector<256x512xf32>
    %mul3A_14 = arith.mulf %mul3A_13, %get3A_1 : vector<256x512xf32>
    %add3A = arith.addf %mul3A_10, %mul3A_14 : vector<256x512xf32>
    %add3A_15 = arith.addf %get3A_1, %add3A : vector<256x512xf32>
    %tanh3A = math.tanh %add3A_15 : vector<256x512xf32>
    %reduce_sum3A = arith.constant dense<0.000000e+00> : vector<256xf32>
    %reduce_sum3A_16 = vector.multi_reduction <add>, %get3A_6, %reduce_sum3A [1] : vector<256x512xf32> to vector<256xf32>
    %broadcast_in_dim3A = vector.shape_cast %reduce_sum3A_16 : vector<256xf32> to vector<256x1xf32>
    %reduce_sum3A_17 = arith.constant dense<0.000000e+00> : vector<256xf32>
    %reduce_sum3A_18 = vector.multi_reduction <add>, %tanh3A, %reduce_sum3A_17 [1] : vector<256x512xf32> to vector<256xf32>
    %broadcast_in_dim3A_19 = vector.shape_cast %reduce_sum3A_18 : vector<256xf32> to vector<256x1xf32>
    %mul3A_20 = arith.mulf %broadcast_in_dim3A, %broadcast_in_dim3A_19 : vector<256x1xf32>
    %get3A_21 = arith.constant 1 : index
    %get3A_22 = arith.constant 0 : index
    %get3A_23 = arith.constant 0 : index
    %get3A_24 = vector.load %arg3[%get3A_21, %get3A_22, %get3A_23] : memref<6x256x512xf32, #tpu.memory_space<vmem>>, vector<1x256x512xf32>
    %get3A_25 = vector.shape_cast %get3A_24 : vector<1x256x512xf32> to vector<256x512xf32>
    %get3A_26 = arith.constant 0 : index
    %get3A_27 = arith.constant 1 : index
    %get3A_28 = vector.load %arg2[%get3A_26, %get3A_27] : memref<256x8xf32, #tpu.memory_space<vmem>>, vector<256x1xf32>
    %mul3A_29 = vector.broadcast %get3A_28 : vector<256x1xf32> to vector<256x512xf32>
    %mul3A_30 = arith.mulf %mul3A_29, %get3A_25 : vector<256x512xf32>
    %sub3A_31 = arith.constant 1.000000e+00 : f32
    %sub3A_32 = vector.broadcast %sub3A_31 : f32 to vector<256x1xf32>
    %sub3A_33 = arith.subf %sub3A_32, %get3A_28 : vector<256x1xf32>
    %mul3A_34 = vector.broadcast %sub3A_33 : vector<256x1xf32> to vector<256x512xf32>
    %mul3A_35 = arith.mulf %mul3A_34, %get3A_1 : vector<256x512xf32>
    %add3A_36 = arith.addf %mul3A_30, %mul3A_35 : vector<256x512xf32>
    %add3A_37 = arith.addf %get3A_1, %add3A_36 : vector<256x512xf32>
    %tanh3A_38 = math.tanh %add3A_37 : vector<256x512xf32>
    %reduce_sum3A_39 = arith.constant dense<0.000000e+00> : vector<256xf32>
    %reduce_sum3A_40 = vector.multi_reduction <add>, %get3A_25, %reduce_sum3A_39 [1] : vector<256x512xf32> to vector<256xf32>
    %broadcast_in_dim3A_41 = vector.shape_cast %reduce_sum3A_40 : vector<256xf32> to vector<256x1xf32>
    %reduce_sum3A_42 = arith.constant dense<0.000000e+00> : vector<256xf32>
    %reduce_sum3A_43 = vector.multi_reduction <add>, %tanh3A_38, %reduce_sum3A_42 [1] : vector<256x512xf32> to vector<256xf32>
    %broadcast_in_dim3A_44 = vector.shape_cast %reduce_sum3A_43 : vector<256xf32> to vector<256x1xf32>
    %mul3A_45 = arith.mulf %broadcast_in_dim3A_41, %broadcast_in_dim3A_44 : vector<256x1xf32>
    %get3A_46 = arith.constant 2 : index
    %get3A_47 = arith.constant 0 : index
    %get3A_48 = arith.constant 0 : index
    %get3A_49 = vector.load %arg3[%get3A_46, %get3A_47, %get3A_48] : memref<6x256x512xf32, #tpu.memory_space<vmem>>, vector<1x256x512xf32>
    %get3A_50 = vector.shape_cast %get3A_49 : vector<1x256x512xf32> to vector<256x512xf32>
    %get3A_51 = arith.constant 0 : index
    %get3A_52 = arith.constant 2 : index
    %get3A_53 = vector.load %arg2[%get3A_51, %get3A_52] : memref<256x8xf32, #tpu.memory_space<vmem>>, vector<256x1xf32>
    %mul3A_54 = vector.broadcast %get3A_53 : vector<256x1xf32> to vector<256x512xf32>
    %mul3A_55 = arith.mulf %mul3A_54, %get3A_50 : vector<256x512xf32>
    %sub3A_56 = arith.constant 1.000000e+00 : f32
    %sub3A_57 = vector.broadcast %sub3A_56 : f32 to vector<256x1xf32>
    %sub3A_58 = arith.subf %sub3A_57, %get3A_53 : vector<256x1xf32>
    %mul3A_59 = vector.broadcast %sub3A_58 : vector<256x1xf32> to vector<256x512xf32>
    %mul3A_60 = arith.mulf %mul3A_59, %get3A_1 : vector<256x512xf32>
    %add3A_61 = arith.addf %mul3A_55, %mul3A_60 : vector<256x512xf32>
    %add3A_62 = arith.addf %get3A_1, %add3A_61 : vector<256x512xf32>
    %tanh3A_63 = math.tanh %add3A_62 : vector<256x512xf32>
    %reduce_sum3A_64 = arith.constant dense<0.000000e+00> : vector<256xf32>
    %reduce_sum3A_65 = vector.multi_reduction <add>, %get3A_50, %reduce_sum3A_64 [1] : vector<256x512xf32> to vector<256xf32>
    %broadcast_in_dim3A_66 = vector.shape_cast %reduce_sum3A_65 : vector<256xf32> to vector<256x1xf32>
    %reduce_sum3A_67 = arith.constant dense<0.000000e+00> : vector<256xf32>
    %reduce_sum3A_68 = vector.multi_reduction <add>, %tanh3A_63, %reduce_sum3A_67 [1] : vector<256x512xf32> to vector<256xf32>
    %broadcast_in_dim3A_69 = vector.shape_cast %reduce_sum3A_68 : vector<256xf32> to vector<256x1xf32>
    %mul3A_70 = arith.mulf %broadcast_in_dim3A_66, %broadcast_in_dim3A_69 : vector<256x1xf32>
    %get3A_71 = arith.constant 3 : index
    %get3A_72 = arith.constant 0 : index
    %get3A_73 = arith.constant 0 : index
    %get3A_74 = vector.load %arg3[%get3A_71, %get3A_72, %get3A_73] : memref<6x256x512xf32, #tpu.memory_space<vmem>>, vector<1x256x512xf32>
    %get3A_75 = vector.shape_cast %get3A_74 : vector<1x256x512xf32> to vector<256x512xf32>
    %get3A_76 = arith.constant 0 : index
    %get3A_77 = arith.constant 3 : index
    %get3A_78 = vector.load %arg2[%get3A_76, %get3A_77] : memref<256x8xf32, #tpu.memory_space<vmem>>, vector<256x1xf32>
    %mul3A_79 = vector.broadcast %get3A_78 : vector<256x1xf32> to vector<256x512xf32>
    %mul3A_80 = arith.mulf %mul3A_79, %get3A_75 : vector<256x512xf32>
    %sub3A_81 = arith.constant 1.000000e+00 : f32
    %sub3A_82 = vector.broadcast %sub3A_81 : f32 to vector<256x1xf32>
    %sub3A_83 = arith.subf %sub3A_82, %get3A_78 : vector<256x1xf32>
    %mul3A_84 = vector.broadcast %sub3A_83 : vector<256x1xf32> to vector<256x512xf32>
    %mul3A_85 = arith.mulf %mul3A_84, %get3A_1 : vector<256x512xf32>
    %add3A_86 = arith.addf %mul3A_80, %mul3A_85 : vector<256x512xf32>
    %add3A_87 = arith.addf %get3A_1, %add3A_86 : vector<256x512xf32>
    %tanh3A_88 = math.tanh %add3A_87 : vector<256x512xf32>
    %reduce_sum3A_89 = arith.constant dense<0.000000e+00> : vector<256xf32>
    %reduce_sum3A_90 = vector.multi_reduction <add>, %get3A_75, %reduce_sum3A_89 [1] : vector<256x512xf32> to vector<256xf32>
    %broadcast_in_dim3A_91 = vector.shape_cast %reduce_sum3A_90 : vector<256xf32> to vector<256x1xf32>
    %reduce_sum3A_92 = arith.constant dense<0.000000e+00> : vector<256xf32>
    %reduce_sum3A_93 = vector.multi_reduction <add>, %tanh3A_88, %reduce_sum3A_92 [1] : vector<256x512xf32> to vector<256xf32>
    %broadcast_in_dim3A_94 = vector.shape_cast %reduce_sum3A_93 : vector<256xf32> to vector<256x1xf32>
    %mul3A_95 = arith.mulf %broadcast_in_dim3A_91, %broadcast_in_dim3A_94 : vector<256x1xf32>
    %get3A_96 = arith.constant 4 : index
    %get3A_97 = arith.constant 0 : index
    %get3A_98 = arith.constant 0 : index
    %get3A_99 = vector.load %arg3[%get3A_96, %get3A_97, %get3A_98] : memref<6x256x512xf32, #tpu.memory_space<vmem>>, vector<1x256x512xf32>
    %get3A_100 = vector.shape_cast %get3A_99 : vector<1x256x512xf32> to vector<256x512xf32>
    %get3A_101 = arith.constant 0 : index
    %get3A_102 = arith.constant 4 : index
    %get3A_103 = vector.load %arg2[%get3A_101, %get3A_102] : memref<256x8xf32, #tpu.memory_space<vmem>>, vector<256x1xf32>
    %mul3A_104 = vector.broadcast %get3A_103 : vector<256x1xf32> to vector<256x512xf32>
    %mul3A_105 = arith.mulf %mul3A_104, %get3A_100 : vector<256x512xf32>
    %sub3A_106 = arith.constant 1.000000e+00 : f32
    %sub3A_107 = vector.broadcast %sub3A_106 : f32 to vector<256x1xf32>
    %sub3A_108 = arith.subf %sub3A_107, %get3A_103 : vector<256x1xf32>
    %mul3A_109 = vector.broadcast %sub3A_108 : vector<256x1xf32> to vector<256x512xf32>
    %mul3A_110 = arith.mulf %mul3A_109, %get3A_1 : vector<256x512xf32>
    %add3A_111 = arith.addf %mul3A_105, %mul3A_110 : vector<256x512xf32>
    %add3A_112 = arith.addf %get3A_1, %add3A_111 : vector<256x512xf32>
    %tanh3A_113 = math.tanh %add3A_112 : vector<256x512xf32>
    %reduce_sum3A_114 = arith.constant dense<0.000000e+00> : vector<256xf32>
    %reduce_sum3A_115 = vector.multi_reduction <add>, %get3A_100, %reduce_sum3A_114 [1] : vector<256x512xf32> to vector<256xf32>
    %broadcast_in_dim3A_116 = vector.shape_cast %reduce_sum3A_115 : vector<256xf32> to vector<256x1xf32>
    %reduce_sum3A_117 = arith.constant dense<0.000000e+00> : vector<256xf32>
    %reduce_sum3A_118 = vector.multi_reduction <add>, %tanh3A_113, %reduce_sum3A_117 [1] : vector<256x512xf32> to vector<256xf32>
    %broadcast_in_dim3A_119 = vector.shape_cast %reduce_sum3A_118 : vector<256xf32> to vector<256x1xf32>
    %mul3A_120 = arith.mulf %broadcast_in_dim3A_116, %broadcast_in_dim3A_119 : vector<256x1xf32>
    %get3A_121 = arith.constant 5 : index
    %get3A_122 = arith.constant 0 : index
    %get3A_123 = arith.constant 0 : index
    %get3A_124 = vector.load %arg3[%get3A_121, %get3A_122, %get3A_123] : memref<6x256x512xf32, #tpu.memory_space<vmem>>, vector<1x256x512xf32>
    %get3A_125 = vector.shape_cast %get3A_124 : vector<1x256x512xf32> to vector<256x512xf32>
    %get3A_126 = arith.constant 0 : index
    %get3A_127 = arith.constant 5 : index
    %get3A_128 = vector.load %arg2[%get3A_126, %get3A_127] : memref<256x8xf32, #tpu.memory_space<vmem>>, vector<256x1xf32>
    %mul3A_129 = vector.broadcast %get3A_128 : vector<256x1xf32> to vector<256x512xf32>
    %mul3A_130 = arith.mulf %mul3A_129, %get3A_125 : vector<256x512xf32>
    %sub3A_131 = arith.constant 1.000000e+00 : f32
    %sub3A_132 = vector.broadcast %sub3A_131 : f32 to vector<256x1xf32>
    %sub3A_133 = arith.subf %sub3A_132, %get3A_128 : vector<256x1xf32>
    %mul3A_134 = vector.broadcast %sub3A_133 : vector<256x1xf32> to vector<256x512xf32>
    %mul3A_135 = arith.mulf %mul3A_134, %get3A_1 : vector<256x512xf32>
    %add3A_136 = arith.addf %mul3A_130, %mul3A_135 : vector<256x512xf32>
    %add3A_137 = arith.addf %get3A_1, %add3A_136 : vector<256x512xf32>
    %tanh3A_138 = math.tanh %add3A_137 : vector<256x512xf32>
    %reduce_sum3A_139 = arith.constant dense<0.000000e+00> : vector<256xf32>
    %reduce_sum3A_140 = vector.multi_reduction <add>, %get3A_125, %reduce_sum3A_139 [1] : vector<256x512xf32> to vector<256xf32>
    %broadcast_in_dim3A_141 = vector.shape_cast %reduce_sum3A_140 : vector<256xf32> to vector<256x1xf32>
    %reduce_sum3A_142 = arith.constant dense<0.000000e+00> : vector<256xf32>
    %reduce_sum3A_143 = vector.multi_reduction <add>, %tanh3A_138, %reduce_sum3A_142 [1] : vector<256x512xf32> to vector<256xf32>
    %broadcast_in_dim3A_144 = vector.shape_cast %reduce_sum3A_143 : vector<256xf32> to vector<256x1xf32>
    %mul3A_145 = arith.mulf %broadcast_in_dim3A_141, %broadcast_in_dim3A_144 : vector<256x1xf32>
    %max3A = arith.maximumf %mul3A_20, %mul3A_45 : vector<256x1xf32>
    %max3A_146 = arith.maximumf %max3A, %mul3A_70 : vector<256x1xf32>
    %max3A_147 = arith.maximumf %max3A_146, %mul3A_95 : vector<256x1xf32>
    %max3A_148 = arith.maximumf %max3A_147, %mul3A_120 : vector<256x1xf32>
    %max3A_149 = arith.maximumf %max3A_148, %mul3A_145 : vector<256x1xf32>
    %sub3A_150 = arith.subf %mul3A_20, %max3A_149 : vector<256x1xf32>
    %exp3A = math.exp %sub3A_150 : vector<256x1xf32>
    %sub3A_151 = arith.subf %mul3A_45, %max3A_149 : vector<256x1xf32>
    %exp3A_152 = math.exp %sub3A_151 : vector<256x1xf32>
    %sub3A_153 = arith.subf %mul3A_70, %max3A_149 : vector<256x1xf32>
    %exp3A_154 = math.exp %sub3A_153 : vector<256x1xf32>
    %sub3A_155 = arith.subf %mul3A_95, %max3A_149 : vector<256x1xf32>
    %exp3A_156 = math.exp %sub3A_155 : vector<256x1xf32>
    %sub3A_157 = arith.subf %mul3A_120, %max3A_149 : vector<256x1xf32>
    %exp3A_158 = math.exp %sub3A_157 : vector<256x1xf32>
    %sub3A_159 = arith.subf %mul3A_145, %max3A_149 : vector<256x1xf32>
    %exp3A_160 = math.exp %sub3A_159 : vector<256x1xf32>
    %add3A_161 = arith.addf %exp3A, %exp3A_152 : vector<256x1xf32>
    %add3A_162 = arith.addf %add3A_161, %exp3A_154 : vector<256x1xf32>
    %add3A_163 = arith.addf %add3A_162, %exp3A_156 : vector<256x1xf32>
    %add3A_164 = arith.addf %add3A_163, %exp3A_158 : vector<256x1xf32>
    %add3A_165 = arith.addf %add3A_164, %exp3A_160 : vector<256x1xf32>
    %div3A = arith.divf %exp3A, %add3A_165 : vector<256x1xf32>
    %get3A_166 = arith.constant 0 : index
    %get3A_167 = arith.constant 0 : index
    %get3A_168 = arith.constant 0 : index
    %get3A_169 = vector.load %arg3[%get3A_166, %get3A_167, %get3A_168] : memref<6x256x512xf32, #tpu.memory_space<vmem>>, vector<1x256x512xf32>
    %get3A_170 = vector.shape_cast %get3A_169 : vector<1x256x512xf32> to vector<256x512xf32>
    %mul3A_171 = vector.broadcast %div3A : vector<256x1xf32> to vector<256x512xf32>
    %mul3A_172 = arith.mulf %mul3A_171, %get3A_170 : vector<256x512xf32>
    %div3A_173 = arith.divf %exp3A_152, %add3A_165 : vector<256x1xf32>
    %get3A_174 = arith.constant 1 : index
    %get3A_175 = arith.constant 0 : index
    %get3A_176 = arith.constant 0 : index
    %get3A_177 = vector.load %arg3[%get3A_174, %get3A_175, %get3A_176] : memref<6x256x512xf32, #tpu.memory_space<vmem>>, vector<1x256x512xf32>
    %get3A_178 = vector.shape_cast %get3A_177 : vector<1x256x512xf32> to vector<256x512xf32>
    %mul3A_179 = vector.broadcast %div3A_173 : vector<256x1xf32> to vector<256x512xf32>
    %mul3A_180 = arith.mulf %mul3A_179, %get3A_178 : vector<256x512xf32>
    %add3A_181 = arith.addf %mul3A_172, %mul3A_180 : vector<256x512xf32>
    %div3A_182 = arith.divf %exp3A_154, %add3A_165 : vector<256x1xf32>
    %get3A_183 = arith.constant 2 : index
    %get3A_184 = arith.constant 0 : index
    %get3A_185 = arith.constant 0 : index
    %get3A_186 = vector.load %arg3[%get3A_183, %get3A_184, %get3A_185] : memref<6x256x512xf32, #tpu.memory_space<vmem>>, vector<1x256x512xf32>
    %get3A_187 = vector.shape_cast %get3A_186 : vector<1x256x512xf32> to vector<256x512xf32>
    %mul3A_188 = vector.broadcast %div3A_182 : vector<256x1xf32> to vector<256x512xf32>
    %mul3A_189 = arith.mulf %mul3A_188, %get3A_187 : vector<256x512xf32>
    %add3A_190 = arith.addf %add3A_181, %mul3A_189 : vector<256x512xf32>
    %div3A_191 = arith.divf %exp3A_156, %add3A_165 : vector<256x1xf32>
    %get3A_192 = arith.constant 3 : index
    %get3A_193 = arith.constant 0 : index
    %get3A_194 = arith.constant 0 : index
    %get3A_195 = vector.load %arg3[%get3A_192, %get3A_193, %get3A_194] : memref<6x256x512xf32, #tpu.memory_space<vmem>>, vector<1x256x512xf32>
    %get3A_196 = vector.shape_cast %get3A_195 : vector<1x256x512xf32> to vector<256x512xf32>
    %mul3A_197 = vector.broadcast %div3A_191 : vector<256x1xf32> to vector<256x512xf32>
    %mul3A_198 = arith.mulf %mul3A_197, %get3A_196 : vector<256x512xf32>
    %add3A_199 = arith.addf %add3A_190, %mul3A_198 : vector<256x512xf32>
    %div3A_200 = arith.divf %exp3A_158, %add3A_165 : vector<256x1xf32>
    %get3A_201 = arith.constant 4 : index
    %get3A_202 = arith.constant 0 : index
    %get3A_203 = arith.constant 0 : index
    %get3A_204 = vector.load %arg3[%get3A_201, %get3A_202, %get3A_203] : memref<6x256x512xf32, #tpu.memory_space<vmem>>, vector<1x256x512xf32>
    %get3A_205 = vector.shape_cast %get3A_204 : vector<1x256x512xf32> to vector<256x512xf32>
    %mul3A_206 = vector.broadcast %div3A_200 : vector<256x1xf32> to vector<256x512xf32>
    %mul3A_207 = arith.mulf %mul3A_206, %get3A_205 : vector<256x512xf32>
    %add3A_208 = arith.addf %add3A_199, %mul3A_207 : vector<256x512xf32>
    %div3A_209 = arith.divf %exp3A_160, %add3A_165 : vector<256x1xf32>
    %get3A_210 = arith.constant 5 : index
    %get3A_211 = arith.constant 0 : index
    %get3A_212 = arith.constant 0 : index
    %get3A_213 = vector.load %arg3[%get3A_210, %get3A_211, %get3A_212] : memref<6x256x512xf32, #tpu.memory_space<vmem>>, vector<1x256x512xf32>
    %get3A_214 = vector.shape_cast %get3A_213 : vector<1x256x512xf32> to vector<256x512xf32>
    %mul3A_215 = vector.broadcast %div3A_209 : vector<256x1xf32> to vector<256x512xf32>
    %mul3A_216 = arith.mulf %mul3A_215, %get3A_214 : vector<256x512xf32>
    %add3A_217 = arith.addf %add3A_208, %mul3A_216 : vector<256x512xf32>
    %add3A_218 = arith.addf %get3A_1, %add3A_217 : vector<256x512xf32>
    %get3A_219 = arith.constant 0 : index
    %get3A_220 = arith.constant 0 : index
    %get3A_221 = vector.load %arg4[%get3A_219, %get3A_220] : memref<512x512xf32, #tpu.memory_space<vmem>>, vector<512x512xf32>
    %dot_general3A = arith.constant dense<0.000000e+00> : vector<256x512xf32>
    %dot_general3A_222 = tpu.matmul %add3A_218, %get3A_221, %dot_general3A {dimension_numbers = #tpu.dot_dimension_numbers<[1], [0], [0], [1], [0, 0, 1, 1], [], []>, transpose_lhs_hint = false} : vector<256x512xf32>, vector<512x512xf32>, vector<256x512xf32> -> vector<256x512xf32>
    %get3A_223 = arith.constant 0 : index
    %get3A_224 = arith.constant 0 : index
    %get3A_225 = vector.load %arg5[%get3A_223, %get3A_224] : memref<1x512xf32, #tpu.memory_space<vmem>>, vector<1x512xf32>
    %add3A_226 = vector.broadcast %get3A_225 : vector<1x512xf32> to vector<256x512xf32>
    %add3A_227 = arith.addf %dot_general3A_222, %add3A_226 : vector<256x512xf32>
    %ge3A = arith.constant 0.000000e+00 : f32
    %ge3A_228 = vector.broadcast %ge3A : f32 to vector<256x512xf32>
    %ge3A_229 = arith.cmpf oge, %add3A_227, %ge3A_228 : vector<256x512xf32>
    %mul3A_230 = arith.constant 0.00999999977 : f32
    %mul3A_231 = vector.broadcast %mul3A_230 : f32 to vector<256x512xf32>
    %mul3A_232 = arith.mulf %mul3A_231, %add3A_227 : vector<256x512xf32>
    %select_n3A = arith.select %ge3A_229, %add3A_227, %mul3A_232 : vector<256x512xi1>, vector<256x512xf32>
    %mul3A_233 = arith.mulf %get3A_1, %add3A_217 : vector<256x512xf32>
    %get3A_234 = arith.constant 0 : index
    %get3A_235 = arith.constant 0 : index
    %get3A_236 = vector.load %arg6[%get3A_234, %get3A_235] : memref<512x512xf32, #tpu.memory_space<vmem>>, vector<512x512xf32>
    %dot_general3A_237 = arith.constant dense<0.000000e+00> : vector<256x512xf32>
    %dot_general3A_238 = tpu.matmul %mul3A_233, %get3A_236, %dot_general3A_237 {dimension_numbers = #tpu.dot_dimension_numbers<[1], [0], [0], [1], [0, 0, 1, 1], [], []>, transpose_lhs_hint = false} : vector<256x512xf32>, vector<512x512xf32>, vector<256x512xf32> -> vector<256x512xf32>
    %get3A_239 = arith.constant 0 : index
    %get3A_240 = arith.constant 0 : index
    %get3A_241 = vector.load %arg7[%get3A_239, %get3A_240] : memref<1x512xf32, #tpu.memory_space<vmem>>, vector<1x512xf32>
    %add3A_242 = vector.broadcast %get3A_241 : vector<1x512xf32> to vector<256x512xf32>
    %add3A_243 = arith.addf %dot_general3A_238, %add3A_242 : vector<256x512xf32>
    %ge3A_244 = arith.constant 0.000000e+00 : f32
    %ge3A_245 = vector.broadcast %ge3A_244 : f32 to vector<256x512xf32>
    %ge3A_246 = arith.cmpf oge, %add3A_243, %ge3A_245 : vector<256x512xf32>
    %mul3A_247 = arith.constant 0.00999999977 : f32
    %mul3A_248 = vector.broadcast %mul3A_247 : f32 to vector<256x512xf32>
    %mul3A_249 = arith.mulf %mul3A_248, %add3A_243 : vector<256x512xf32>
    %select_n3A_250 = arith.select %ge3A_246, %add3A_243, %mul3A_249 : vector<256x512xi1>, vector<256x512xf32>
    %add3A_251 = arith.addf %select_n3A, %select_n3A_250 : vector<256x512xf32>
    %swap3A = arith.constant 0 : index
    %swap3A_252 = arith.constant 0 : index
    %swap3A_253 = vector.load %arg12[%swap3A, %swap3A_252] : memref<256x512xf32, #tpu.memory_space<vmem>>, vector<256x512xf32>
    tpu.vector_store %arg12[%swap3A, %swap3A_252], %add3A_251 {strides = array<i32>} : memref<256x512xf32, #tpu.memory_space<vmem>>, vector<256x512xf32>,
    %get3A_254 = arith.constant 0 : index
    %get3A_255 = arith.constant 0 : index
    %get3A_256 = vector.load %arg8[%get3A_254, %get3A_255] : memref<512x256xf32, #tpu.memory_space<vmem>>, vector<512x256xf32>
    %dot_general3A_257 = arith.constant dense<0.000000e+00> : vector<256x256xf32>
    %dot_general3A_258 = tpu.matmul %add3A_251, %get3A_256, %dot_general3A_257 {dimension_numbers = #tpu.dot_dimension_numbers<[1], [0], [0], [1], [0, 0, 1, 1], [], []>, transpose_lhs_hint = false} : vector<256x512xf32>, vector<512x256xf32>, vector<256x256xf32> -> vector<256x256xf32>
    %get3A_259 = arith.constant 0 : index
    %get3A_260 = arith.constant 0 : index
    %get3A_261 = vector.load %arg9[%get3A_259, %get3A_260] : memref<1x256xf32, #tpu.memory_space<vmem>>, vector<1x256xf32>
    %add3A_262 = vector.broadcast %get3A_261 : vector<1x256xf32> to vector<256x256xf32>
    %add3A_263 = arith.addf %dot_general3A_258, %add3A_262 : vector<256x256xf32>
    %ge3A_264 = arith.constant 0.000000e+00 : f32
    %ge3A_265 = vector.broadcast %ge3A_264 : f32 to vector<256x256xf32>
    %ge3A_266 = arith.cmpf oge, %add3A_263, %ge3A_265 : vector<256x256xf32>
    %mul3A_267 = arith.constant 0.00999999977 : f32
    %mul3A_268 = vector.broadcast %mul3A_267 : f32 to vector<256x256xf32>
    %mul3A_269 = arith.mulf %mul3A_268, %add3A_263 : vector<256x256xf32>
    %select_n3A_270 = arith.select %ge3A_266, %add3A_263, %mul3A_269 : vector<256x256xi1>, vector<256x256xf32>
    %get3A_271 = arith.constant 0 : index
    %get3A_272 = arith.constant 0 : index
    %get3A_273 = vector.load %arg10[%get3A_271, %get3A_272] : memref<1x256xf32, #tpu.memory_space<vmem>>, vector<1x256xf32>
    %mul3A_274 = vector.broadcast %get3A_273 : vector<1x256xf32> to vector<256x256xf32>
    %mul3A_275 = arith.mulf %select_n3A_270, %mul3A_274 : vector<256x256xf32>
    %reduce_sum3A_276 = arith.constant dense<0.000000e+00> : vector<256xf32>
    %reduce_sum3A_277 = vector.multi_reduction <add>, %mul3A_275, %reduce_sum3A_276 [1] : vector<256x256xf32> to vector<256xf32>
    %broadcast_in_dim3A_278 = vector.shape_cast %reduce_sum3A_277 : vector<256xf32> to vector<256x1xf32>
    %get3A_279 = arith.constant 0 : index
    %get3A_280 = arith.constant 0 : index
    %get3A_281 = vector.load %arg11[%get3A_279, %get3A_280] : memref<1x1xf32, #tpu.memory_space<vmem>>, vector<1x1xf32>
    %add3A_282 = vector.broadcast %get3A_281 : vector<1x1xf32> to vector<256x1xf32>
    %add3A_283 = arith.addf %broadcast_in_dim3A_278, %add3A_282 : vector<256x1xf32>
    %swap3A_284 = arith.constant 0 : index
    %swap3A_285 = arith.constant 0 : index
    %swap3A_286 = vector.load %arg13[%swap3A_284, %swap3A_285] : memref<256x8xf32, #tpu.memory_space<vmem>>, vector<256x1xf32>
    tpu.vector_store %arg13[%swap3A_284, %swap3A_285], %add3A_283 {strides = array<i32>} : memref<256x8xf32, #tpu.memory_space<vmem>>, vector<256x1xf32>,
    return
  }
  func.func @transform_0(%arg0: i32) -> (i32, i32) {
    %c0_i32 = arith.constant 0 : i32
    %c0_i32_0 = arith.constant 0 : i32
    return %arg0, %c0_i32 : i32, i32
  }
  func.func @transform_1(%arg0: i32) -> (i32, i32) {
    %c0_i32 = arith.constant 0 : i32
    %c0_i32_0 = arith.constant 0 : i32
    return %arg0, %c0_i32 : i32, i32
  }
  func.func @transform_2(%arg0: i32) -> (i32, i32, i32) {
    %c0_i32 = arith.constant 0 : i32
    %c0_i32_0 = arith.constant 0 : i32
    %c0_i32_1 = arith.constant 0 : i32
    return %c0_i32, %arg0, %c0_i32_0 : i32, i32, i32
  }
  func.func @transform_3(%arg0: i32) -> (i32, i32) {
    %c0_i32 = arith.constant 0 : i32
    %c0_i32_0 = arith.constant 0 : i32
    %c0_i32_1 = arith.constant 0 : i32
    return %c0_i32, %c0_i32_0 : i32, i32
  }
  func.func @transform_4(%arg0: i32) -> (i32, i32) {
    %c0_i32 = arith.constant 0 : i32
    %c0_i32_0 = arith.constant 0 : i32
    %c0_i32_1 = arith.constant 0 : i32
    return %c0_i32, %c0_i32_0 : i32, i32
  }
  func.func @transform_5(%arg0: i32) -> (i32, i32) {
    %c0_i32 = arith.constant 0 : i32
    %c0_i32_0 = arith.constant 0 : i32
    %c0_i32_1 = arith.constant 0 : i32
    return %c0_i32, %c0_i32_0 : i32, i32
  }
  func.func @transform_6(%arg0: i32) -> (i32, i32) {
    %c0_i32 = arith.constant 0 : i32
    %c0_i32_0 = arith.constant 0 : i32
    %c0_i32_1 = arith.constant 0 : i32
    return %c0_i32, %c0_i32_0 : i32, i32
  }
  func.func @transform_7(%arg0: i32) -> (i32, i32) {
    %c0_i32 = arith.constant 0 : i32
    %c0_i32_0 = arith.constant 0 : i32
    %c0_i32_1 = arith.constant 0 : i32
    return %c0_i32, %c0_i32_0 : i32, i32
  }
  func.func @transform_8(%arg0: i32) -> (i32, i32) {
    %c0_i32 = arith.constant 0 : i32
    %c0_i32_0 = arith.constant 0 : i32
    %c0_i32_1 = arith.constant 0 : i32
    return %c0_i32, %c0_i32_0 : i32, i32
  }
  func.func @transform_9(%arg0: i32) -> (i32, i32) {
    %c0_i32 = arith.constant 0 : i32
    %c0_i32_0 = arith.constant 0 : i32
    %c0_i32_1 = arith.constant 0 : i32
    return %c0_i32, %c0_i32_0 : i32, i32
  }
  func.func @transform_10(%arg0: i32) -> (i32, i32) {
    %c0_i32 = arith.constant 0 : i32
    %c0_i32_0 = arith.constant 0 : i32
    %c0_i32_1 = arith.constant 0 : i32
    return %c0_i32, %c0_i32_0 : i32, i32
  }
  func.func @transform_11(%arg0: i32) -> (i32, i32) {
    %c0_i32 = arith.constant 0 : i32
    %c0_i32_0 = arith.constant 0 : i32
    return %arg0, %c0_i32 : i32, i32
  }
  func.func @transform_12(%arg0: i32) -> (i32, i32) {
    %c0_i32 = arith.constant 0 : i32
    %c0_i32_0 = arith.constant 0 : i32
    return %arg0, %c0_i32 : i32, i32
  }
}

module attributes {stable_mosaic.version = 14 : i64} {
  func.func @_readout_body(%arg0: memref<1x512xf32, #tpu.memory_space<vmem>>, %arg1: memref<1x512xf32, #tpu.memory_space<vmem>>, %arg2: memref<2x512xf32, #tpu.memory_space<vmem>>, %arg3: memref<1x2xf32, #tpu.memory_space<vmem>>, %arg4: memref<2048x512xf32, #tpu.memory_space<vmem>>, %arg5: memref<2048x512xf32, #tpu.memory_space<vmem>>, %arg6: memref<2048x8xf32, #tpu.memory_space<vmem>>, %arg7: memref<2048x8xf32, #tpu.memory_space<vmem>>, %arg8: memref<1x2xf32, #tpu.memory_space<vmem>>, %arg9: memref<1x2xf32, #tpu.memory_space<vmem>>) attributes {dimension_semantics = [], scalar_prefetch = 0 : i64, scratch_operands = 0 : i64, tpu.core_type = #tpu.core_type<tc>} {
    %get3A = arith.constant 0 : index
    %get3A_0 = arith.constant 0 : index
    %get3A_1 = vector.load %arg6[%get3A, %get3A_0] : memref<2048x8xf32, #tpu.memory_space<vmem>>, vector<2048x8xf32>
    %slice3A = vector.extract_strided_slice %get3A_1 {offsets = [0, 0], sizes = [2048, 1], strides = [1, 1]} : vector<2048x8xf32> to vector<2048x1xf32>
    %get3A_2 = arith.constant 0 : index
    %get3A_3 = arith.constant 0 : index
    %get3A_4 = vector.load %arg7[%get3A_2, %get3A_3] : memref<2048x8xf32, #tpu.memory_space<vmem>>, vector<2048x8xf32>
    %slice3A_5 = vector.extract_strided_slice %get3A_4 {offsets = [0, 0], sizes = [2048, 1], strides = [1, 1]} : vector<2048x8xf32> to vector<2048x1xf32>
    %reduce_max3A = arith.constant dense<0xFF800000> : vector<1xf32>
    %reduce_max3A_6 = vector.multi_reduction <maximumf>, %slice3A, %reduce_max3A [0] : vector<2048x1xf32> to vector<1xf32>
    %broadcast_in_dim3A = vector.shape_cast %reduce_max3A_6 : vector<1xf32> to vector<1x1xf32>
    %reduce_max3A_7 = arith.constant dense<0xFF800000> : vector<1xf32>
    %reduce_max3A_8 = vector.multi_reduction <maximumf>, %slice3A_5, %reduce_max3A_7 [0] : vector<2048x1xf32> to vector<1xf32>
    %broadcast_in_dim3A_9 = vector.shape_cast %reduce_max3A_8 : vector<1xf32> to vector<1x1xf32>
    %max3A = arith.maximumf %broadcast_in_dim3A, %broadcast_in_dim3A_9 : vector<1x1xf32>
    %sub3A = vector.broadcast %max3A : vector<1x1xf32> to vector<2048x1xf32>
    %sub3A_10 = arith.subf %slice3A, %sub3A : vector<2048x1xf32>
    %exp3A = math.exp %sub3A_10 : vector<2048x1xf32>
    %sub3A_11 = vector.broadcast %max3A : vector<1x1xf32> to vector<2048x1xf32>
    %sub3A_12 = arith.subf %slice3A_5, %sub3A_11 : vector<2048x1xf32>
    %exp3A_13 = math.exp %sub3A_12 : vector<2048x1xf32>
    %reduce_sum3A = arith.constant dense<0.000000e+00> : vector<1xf32>
    %reduce_sum3A_14 = vector.multi_reduction <add>, %exp3A, %reduce_sum3A [0] : vector<2048x1xf32> to vector<1xf32>
    %broadcast_in_dim3A_15 = vector.shape_cast %reduce_sum3A_14 : vector<1xf32> to vector<1x1xf32>
    %reduce_sum3A_16 = arith.constant dense<0.000000e+00> : vector<1xf32>
    %reduce_sum3A_17 = vector.multi_reduction <add>, %exp3A_13, %reduce_sum3A_16 [0] : vector<2048x1xf32> to vector<1xf32>
    %broadcast_in_dim3A_18 = vector.shape_cast %reduce_sum3A_17 : vector<1xf32> to vector<1x1xf32>
    %add3A = arith.addf %broadcast_in_dim3A_15, %broadcast_in_dim3A_18 : vector<1x1xf32>
    %get3A_19 = arith.constant 0 : index
    %get3A_20 = arith.constant 0 : index
    %get3A_21 = vector.load %arg4[%get3A_19, %get3A_20] : memref<2048x512xf32, #tpu.memory_space<vmem>>, vector<2048x512xf32>
    %mul3A = vector.broadcast %exp3A : vector<2048x1xf32> to vector<2048x512xf32>
    %mul3A_22 = arith.mulf %mul3A, %get3A_21 : vector<2048x512xf32>
    %reduce_sum3A_23 = arith.constant dense<0.000000e+00> : vector<512xf32>
    %reduce_sum3A_24 = vector.multi_reduction <add>, %mul3A_22, %reduce_sum3A_23 [0] : vector<2048x512xf32> to vector<512xf32>
    %broadcast_in_dim3A_25 = vector.shape_cast %reduce_sum3A_24 : vector<512xf32> to vector<1x512xf32>
    %get3A_26 = arith.constant 0 : index
    %get3A_27 = arith.constant 0 : index
    %get3A_28 = vector.load %arg5[%get3A_26, %get3A_27] : memref<2048x512xf32, #tpu.memory_space<vmem>>, vector<2048x512xf32>
    %mul3A_29 = vector.broadcast %exp3A_13 : vector<2048x1xf32> to vector<2048x512xf32>
    %mul3A_30 = arith.mulf %mul3A_29, %get3A_28 : vector<2048x512xf32>
    %reduce_sum3A_31 = arith.constant dense<0.000000e+00> : vector<512xf32>
    %reduce_sum3A_32 = vector.multi_reduction <add>, %mul3A_30, %reduce_sum3A_31 [0] : vector<2048x512xf32> to vector<512xf32>
    %broadcast_in_dim3A_33 = vector.shape_cast %reduce_sum3A_32 : vector<512xf32> to vector<1x512xf32>
    %add3A_34 = arith.addf %broadcast_in_dim3A_25, %broadcast_in_dim3A_33 : vector<1x512xf32>
    %div3A = vector.broadcast %add3A : vector<1x1xf32> to vector<1x512xf32>
    %div3A_35 = arith.divf %add3A_34, %div3A : vector<1x512xf32>
    %reduce_sum3A_36 = arith.constant dense<0.000000e+00> : vector<1xf32>
    %reduce_sum3A_37 = vector.multi_reduction <add>, %div3A_35, %reduce_sum3A_36 [1] : vector<1x512xf32> to vector<1xf32>
    %broadcast_in_dim3A_38 = vector.shape_cast %reduce_sum3A_37 : vector<1xf32> to vector<1x1xf32>
    %div3A_39 = arith.constant 5.120000e+02 : f32
    %div3A_40 = vector.broadcast %div3A_39 : f32 to vector<1x1xf32>
    %div3A_41 = arith.divf %broadcast_in_dim3A_38, %div3A_40 : vector<1x1xf32>
    %sub3A_42 = vector.broadcast %div3A_41 : vector<1x1xf32> to vector<1x512xf32>
    %sub3A_43 = arith.subf %div3A_35, %sub3A_42 : vector<1x512xf32>
    %integer_pow3A = arith.mulf %sub3A_43, %sub3A_43 : vector<1x512xf32>
    %reduce_sum3A_44 = arith.constant dense<0.000000e+00> : vector<1xf32>
    %reduce_sum3A_45 = vector.multi_reduction <add>, %integer_pow3A, %reduce_sum3A_44 [1] : vector<1x512xf32> to vector<1xf32>
    %broadcast_in_dim3A_46 = vector.shape_cast %reduce_sum3A_45 : vector<1xf32> to vector<1x1xf32>
    %div3A_47 = arith.constant 5.120000e+02 : f32
    %div3A_48 = vector.broadcast %div3A_47 : f32 to vector<1x1xf32>
    %div3A_49 = arith.divf %broadcast_in_dim3A_46, %div3A_48 : vector<1x1xf32>
    %sub3A_50 = vector.broadcast %div3A_41 : vector<1x1xf32> to vector<1x512xf32>
    %sub3A_51 = arith.subf %div3A_35, %sub3A_50 : vector<1x512xf32>
    %add3A_52 = arith.constant 9.99999974E-6 : f32
    %add3A_53 = vector.broadcast %add3A_52 : f32 to vector<1x1xf32>
    %add3A_54 = arith.addf %div3A_49, %add3A_53 : vector<1x1xf32>
    %sqrt3A = math.sqrt %add3A_54 : vector<1x1xf32>
    %div3A_55 = vector.broadcast %sqrt3A : vector<1x1xf32> to vector<1x512xf32>
    %div3A_56 = arith.divf %sub3A_51, %div3A_55 : vector<1x512xf32>
    %get3A_57 = arith.constant 0 : index
    %get3A_58 = arith.constant 0 : index
    %get3A_59 = vector.load %arg0[%get3A_57, %get3A_58] : memref<1x512xf32, #tpu.memory_space<vmem>>, vector<1x512xf32>
    %mul3A_60 = arith.mulf %div3A_56, %get3A_59 : vector<1x512xf32>
    %get3A_61 = arith.constant 0 : index
    %get3A_62 = arith.constant 0 : index
    %get3A_63 = vector.load %arg1[%get3A_61, %get3A_62] : memref<1x512xf32, #tpu.memory_space<vmem>>, vector<1x512xf32>
    %add3A_64 = arith.addf %mul3A_60, %get3A_63 : vector<1x512xf32>
    %get3A_65 = arith.constant 0 : index
    %get3A_66 = arith.constant 0 : index
    %get3A_67 = vector.load %arg2[%get3A_65, %get3A_66] : memref<2x512xf32, #tpu.memory_space<vmem>>, vector<1x512xf32>
    %mul3A_68 = arith.mulf %add3A_64, %get3A_67 : vector<1x512xf32>
    %reduce_sum3A_69 = arith.constant dense<0.000000e+00> : vector<1xf32>
    %reduce_sum3A_70 = vector.multi_reduction <add>, %mul3A_68, %reduce_sum3A_69 [1] : vector<1x512xf32> to vector<1xf32>
    %broadcast_in_dim3A_71 = vector.shape_cast %reduce_sum3A_70 : vector<1xf32> to vector<1x1xf32>
    %get3A_72 = arith.constant 0 : index
    %get3A_73 = arith.constant 0 : index
    %get3A_74 = vector.load %arg3[%get3A_72, %get3A_73] : memref<1x2xf32, #tpu.memory_space<vmem>>, vector<1x1xf32>
    %add3A_75 = arith.addf %broadcast_in_dim3A_71, %get3A_74 : vector<1x1xf32>
    %get3A_76 = arith.constant 1 : index
    %get3A_77 = arith.constant 0 : index
    %get3A_78 = vector.load %arg2[%get3A_76, %get3A_77] : memref<2x512xf32, #tpu.memory_space<vmem>>, vector<1x512xf32>
    %mul3A_79 = arith.mulf %add3A_64, %get3A_78 : vector<1x512xf32>
    %reduce_sum3A_80 = arith.constant dense<0.000000e+00> : vector<1xf32>
    %reduce_sum3A_81 = vector.multi_reduction <add>, %mul3A_79, %reduce_sum3A_80 [1] : vector<1x512xf32> to vector<1xf32>
    %broadcast_in_dim3A_82 = vector.shape_cast %reduce_sum3A_81 : vector<1xf32> to vector<1x1xf32>
    %get3A_83 = arith.constant 0 : index
    %get3A_84 = arith.constant 1 : index
    %get3A_85 = vector.load %arg3[%get3A_83, %get3A_84] : memref<1x2xf32, #tpu.memory_space<vmem>>, vector<1x1xf32>
    %add3A_86 = arith.addf %broadcast_in_dim3A_82, %get3A_85 : vector<1x1xf32>
    %max3A_87 = arith.maximumf %add3A_75, %add3A_86 : vector<1x1xf32>
    %sub3A_88 = arith.subf %add3A_75, %max3A_87 : vector<1x1xf32>
    %exp3A_89 = math.exp %sub3A_88 : vector<1x1xf32>
    %sub3A_90 = arith.subf %add3A_86, %max3A_87 : vector<1x1xf32>
    %exp3A_91 = math.exp %sub3A_90 : vector<1x1xf32>
    %add3A_92 = arith.addf %exp3A_89, %exp3A_91 : vector<1x1xf32>
    %swap3A = arith.constant 0 : index
    %swap3A_93 = arith.constant 0 : index
    %swap3A_94 = vector.load %arg8[%swap3A, %swap3A_93] : memref<1x2xf32, #tpu.memory_space<vmem>>, vector<1x1xf32>
    tpu.vector_store %arg8[%swap3A, %swap3A_93], %add3A_75 {strides = array<i32>} : memref<1x2xf32, #tpu.memory_space<vmem>>, vector<1x1xf32>,
    %div3A_95 = arith.divf %exp3A_89, %add3A_92 : vector<1x1xf32>
    %swap3A_96 = arith.constant 0 : index
    %swap3A_97 = arith.constant 0 : index
    %swap3A_98 = vector.load %arg9[%swap3A_96, %swap3A_97] : memref<1x2xf32, #tpu.memory_space<vmem>>, vector<1x1xf32>
    tpu.vector_store %arg9[%swap3A_96, %swap3A_97], %div3A_95 {strides = array<i32>} : memref<1x2xf32, #tpu.memory_space<vmem>>, vector<1x1xf32>,
    %swap3A_99 = arith.constant 0 : index
    %swap3A_100 = arith.constant 1 : index
    %swap3A_101 = vector.load %arg8[%swap3A_99, %swap3A_100] : memref<1x2xf32, #tpu.memory_space<vmem>>, vector<1x1xf32>
    tpu.vector_store %arg8[%swap3A_99, %swap3A_100], %add3A_86 {strides = array<i32>} : memref<1x2xf32, #tpu.memory_space<vmem>>, vector<1x1xf32>,
    %div3A_102 = arith.divf %exp3A_91, %add3A_92 : vector<1x1xf32>
    %swap3A_103 = arith.constant 0 : index
    %swap3A_104 = arith.constant 1 : index
    %swap3A_105 = vector.load %arg9[%swap3A_103, %swap3A_104] : memref<1x2xf32, #tpu.memory_space<vmem>>, vector<1x1xf32>
    tpu.vector_store %arg9[%swap3A_103, %swap3A_104], %div3A_102 {strides = array<i32>} : memref<1x2xf32, #tpu.memory_space<vmem>>, vector<1x1xf32>,
    return
  }
}

</mosaic_0001>

<sc_bundles>
// kernel: kernel.11.cloned.1.call-start
scs
__scs_entry_jumppad:
0x0: {  	(pc) =	sbr.rel $0x88, $3  }
0x1: {  	(tag) =	ssettag $0x0;
	lr =	simm.s32 $0x1  }
0x2: {  	[smem:$0x3F8E] =	sst lr;
	_ =	strace $0xD0000000  }
0x3: {  	_ = 	snop  }
0x4: {  	_ = 	snop  }
0x5: {  	_ = 	snop  }
0x6: {  	_ = 	snop  }
0x7: {  	_ = 	snop  }
__scs_overlays_trampoline_lowered:
0x8: {  	[smem:$0x3F9D] =	sst s0  }
0x9: {  	[smem:$0x3F9E] =	sst s1  }
0xa: {  	[smem:$0x3F9F] =	sst s2  }
0xb: {  	[smem:$0x3FA0] =	sst s3  }
0xc: {  	[smem:$0x3FA1] =	sst s4  }
0xd: {  	[smem:$0x3FA2] =	sst s5  }
0xe: {  	[smem:$0x3FA3] =	sst s6  }
0xf: {  	[smem:$0x3FA4] =	sst s7  }
0x10: {  	[smem:$0x3FA5] =	sst s8  }
0x11: {  	[smem:$0x3FA6] =	sst s9;
	s0 =	simm.s32 @!p0 $0x0  }
0x12: {  	s1 =	sld [smem:$0x3F8C];
	s0 =	simm.s32 @p0 $0x1  }
0x13: {  	[smem:$0x3FA7] =	sst s0;
	s0 =	simm.s32 @!p1 $0x0  }
0x14: {  	s2 =	sld [smem:$0x3F8B];
	s0 =	simm.s32 @p1 $0x1  }
0x15: {  	[smem:$0x3FA8] =	sst s0;
	s0 =	simm.s32 @!p2 $0x0  }
0x16: {  	s3 =	sld [smem:$0x3FDB];
	s0 =	simm.s32 @p2 $0x1  }
0x17: {  	s4 =	simm.s32 $0x1BF5;
	[smem:$0x3FAA] =	sst s0  }
0x18: {  	s0 =	sld [smem:$0x3F8D];
	_ =	swait.ge [sflag:s4], $0x0  }
0x19: {  	s7 =	sld [smem:$0x3F8E]  }
0x1a: {  	s8 =	sadd.s32 $0xFFFFE003, lr  }
0x1b: {  	s9 =	sadd.s32 $0xFFFFFEF7, lr;
	s5 =	simm.s32 $0xFFFFFFFF;
	p2 =	slt.u32 s8, $0xFFFFF086  }
0x1c: {  	p1 =	slt.u32 s9, $0xF7A;
	s5 =	simm.s32 @!p2 $0x0  }
0x1d: {  	s5 =	simm.s32 @p1 $0x1;
	p0 =	seq.s32 s7, s2  }
0x1e: {  	s7 =	smul.u32 @!p0 $0xF7A, s2;
	p2 =	seq.s32 @!p0 s5, $0x0  }
0x1f: {  	s9 =	smul.u32 $0xF7A, s1;
	s8 =	simm.s32 @!p0 $0x1BF5;
	p2 =	por !p2, p0  }
0x20: {  	[sflag:s8] =	ssyncset.s32 @!p0 $0xFFFFF086;
	s6 =	sadd.s32 @!p0 s3, s7;
	s7 =	simm.s32 @!p0 $0x108  }
0x21: {  	s3 =	sadd.s32 s3, s9;
	s6 =	sadd.s32 @!p0 $0x88, s6;
	s7 =	simm.s32 @p2 $0x1082  }
0x22: {  	[simem:s7], [sflag:s8] =	dma.local @!p0 [hbm:s6], $0xF7A  }
0x23: {  	s9 =	sor.u32 $0xD0000000, s2;
	s6 =	simm.s32 $0x108;
	_ =	swait.ge @!p0 [sflag:s8], $0x0  }
0x24: {  	s3 =	sadd.s32 $0x88, s3;
	s6 =	simm.s32 @!p1 $0x1082;
	[sflag:s4] =	ssyncset.s32 $0xFFFFF086  }
0x25: {  	[simem:s6], [sflag:s4] =	dma.local [hbm:s3], $0xF7A  }
0x26: {  	[smem:$0x3F8E] =	sst s1;
	(tag) =	ssettag s2;
	_ =	strace s9  }
0x27: {  	s1 =	sld [smem:$0x3F9E]  }
0x28: {  	s2 =	sld [smem:$0x3F9F]  }
0x29: {  	s4 =	sld [smem:$0x3FA1]  }
0x2a: {  	p0 =	seq.s32 s5, $0x0;
	s5 =	sld [smem:$0x3FA2]  }
0x2b: {  	s6 =	sld [smem:$0x3FA3]  }
0x2c: {  	s7 =	sld [smem:$0x3FA4]  }
0x2d: {  	s3 =	simm.s32 $0x108;
	s8 =	sld [smem:$0x3FA5]  }
0x2e: {  	s3 =	simm.s32 @!p0 $0x1082;
	s9 =	sld [smem:$0x3FA6]  }
0x2f: {  	lr =	sadd.s32 s0, s3;
	s0 =	sld [smem:$0x3F9D]  }
0x30: {  	s3 =	sld [smem:$0x3FA0]  }
0x31: {  	[smem:$0x3FA9] =	sst s10  }
0x32: {  	s10 =	sld [smem:$0x3FA7];
	_ =	sdelay $0x3  }
0x33: {  	p0 =	seq.s32 s10, $0x1;
	s10 =	sld [smem:$0x3FA9];
	_ =	sdelay $0x3  }
0x34: {  	[smem:$0x3FA9] =	sst s10  }
0x35: {  	s10 =	sld [smem:$0x3FA8];
	_ =	sdelay $0x3  }
0x36: {  	p1 =	seq.s32 s10, $0x1;
	s10 =	sld [smem:$0x3FA9];
	_ =	sdelay $0x3  }
0x37: {  	[smem:$0x3FA9] =	sst s10  }
0x38: {  	s10 =	sld [smem:$0x3FAA]  }
0x39: {  	_ = 	snop;
	(pc) =	sbr.ind lr, $3  }
0x3a: {  	_ = 	snop  }
0x3b: {  	_ = 	snop  }
0x3c: {  	p2 =	seq.s32 s10, $0x1;
	s10 =	sld [smem:$0x3FA9]  }
0x3d: {  	_ =	shalt  }
0x3e: {  	_ =	shalt  }
0x3f: {  	_ =	shalt  }
0x40: {  	_ =	shalt  }
0x41: {  	_ =	shalt  }
0x42: {  	_ =	shalt  }
0x43: {  	_ =	shalt  }
0x44: {  	_ =	shalt  }
0x45: {  	_ =	shalt  }
0x46: {  	_ =	shalt  }
0x47: {  	_ =	shalt  }
0x48: {  	_ =	shalt  }
0x49: {  	_ =	shalt  }
0x4a: {  	_ =	shalt  }
0x4b: {  	_ =	shalt  }
0x4c: {  	_ =	shalt  }
0x4d: {  	_ =	shalt  }
0x4e: {  	_ =	shalt  }
0x4f: {  	_ =	shalt  }
0x50: {  	_ =	shalt  }
0x51: {  	_ =	shalt  }
0x52: {  	_ =	shalt  }
0x53: {  	_ =	shalt  }
0x54: {  	_ =	shalt  }
0x55: {  	_ =	shalt  }
0x56: {  	_ =	shalt  }
0x57: {  	_ =	shalt  }
0x58: {  	_ =	shalt  }
0x59: {  	_ =	shalt  }
0x5a: {  	_ =	shalt  }
0x5b: {  	_ =	shalt  }
0x5c: {  	_ =	shalt  }
0x5d: {  	_ =	shalt  }
0x5e: {  	_ =	shalt  }
0x5f: {  	_ =	shalt  }
0x60: {  	_ =	shalt  }
0x61: {  	_ =	shalt  }
0x62: {  	_ =	shalt  }
0x63: {  	_ =	shalt  }
0x64: {  	_ =	shalt  }
0x65: {  	_ =	shalt  }
0x66: {  	_ =	shalt  }
0x67: {  	_ =	shalt  }
0x68: {  	_ =	shalt  }
0x69: {  	_ =	shalt  }
0x6a: {  	_ =	shalt  }
0x6b: {  	_ =	shalt  }
0x6c: {  	_ =	shalt  }
0x6d: {  	_ =	shalt  }
0x6e: {  	_ =	shalt  }
0x6f: {  	_ =	shalt  }
0x70: {  	_ =	shalt  }
0x71: {  	_ =	shalt  }
0x72: {  	_ =	shalt  }
0x73: {  	_ =	shalt  }
0x74: {  	_ =	shalt  }
0x75: {  	_ =	shalt  }
0x76: {  	_ =	shalt  }
0x77: {  	_ =	shalt  }
0x78: {  	_ =	shalt  }
0x79: {  	_ =	shalt  }
0x7a: {  	_ =	shalt  }
0x7b: {  	_ =	shalt  }
0x7c: {  	_ =	shalt  }
0x7d: {  	_ =	shalt  }
0x7e: {  	_ =	shalt  }
0x7f: {  	_ =	shalt  }
0x80: {  	_ =	shalt  }
0x81: {  	_ =	shalt  }
0x82: {  	_ =	shalt  }
0x83: {  	_ =	shalt  }
0x84: {  	_ =	shalt  }
0x85: {  	_ =	shalt  }
0x86: {  	_ =	shalt  }
0x87: {  	_ =	shalt  }
.Lfunc_end0:
.L_simem_size_0:
called_computation_lowered:
.L_overlay_start_0:
0x88: {  	s2 =	sld [smem:$0x3FD9]  }
0x89: {  	s3 =	sld [smem:$0x3FFE];
	_ =	sdelay $0x1  }
0x8a: {  	s1 =	srdreg.scid  }
0x8b: {  	s0 =	sand.u32 $0x1, s1  }
0x8c: {  	s17 =	sshll.u32 s0, $0xA;
	s2 =	sadd.s32 s3, s2  }
0x8d: {  	s2 =	sadd.s32 s2, s17  }
0x8e: {  	[smem:$0x3FB5] =	sst s2  }
0x8f: {  	_ = 	snop  }
0x90: {  	(tm) =	ssettm $0x1  }
0x91: {  	s18 =	sld [smem:$0x3FFB];
	_ =	sdelay $0x3  }
0x92: {  	_ =	strace s18  }
0x93: {  	s2 =	sld [smem:$0x3FFC];
	_ =	sdelay $0x3  }
0x94: {  	_ =	strace s2  }
0x95: {  	s2 =	sld [smem:$0x3FFD];
	_ =	sdelay $0x3  }
0x96: {  	_ =	strace s2  }
0x97: {  	_ =	strace $0x8FFFFFFF  }
0x98: {  	s19 =	sld [smem:$0x3FDB];
	_ =	sdelay $0x1  }
0x99: {  	s20 =	simm.s32 $_scs_section_size  }
0x9a: {  	s4 =	simm.s32 $_size__tile_overlayer_lowered;
	s5 =	simm.s32 $_tile_overlayer_lowered  }
0x9b: {  	s6 =	simm.s32 $0x1BFF;
	s21 =	sshll.u32 s5, $0x1;
	s3 =	sadd.s32 s20, s19  }
0x9c: {  	s22 =	simm.s32 $0x0;
	s4 =	sshll.u32 s4, $0x1;
	s5 =	sadd.s32 s21, s3  }
0x9d: {  	[timem:s22], [sflag:s6] =	dma.local [hbm:s5], s4  }
0x9e: {  	_ =	swait.ge [sflag:s6], s4  }
0x9f: {  	s4 =	ssub.s32 $0x0, s4;
	[sflag:s6] =	ssyncset.done $0x0  }
0xa0: {  	[sflag:s6] =	ssyncadd.s32 s4;
	_ =	sdelay $0x1  }
0xa1: {  	s23 =	simm.s32 $0x1B8B  }
0xa2: {  	_ =	swait.ge [sflag:s23], $0x1  }
0xa3: {  	[sflag:s23] =	ssyncset.done $0x0  }
0xa4: {  	[sflag:s23] =	ssyncadd.s32 $0xFFFFFFFF  }
0xa5: {  	s4 =	sld [smem:$0x0]  }
0xa6: {  	s5 =	sand.u32 $0xFFFFFFFE, s1  }
0xa7: {  	p0 =	sne.s32 s1, s5  }
0xa8: {  	s5 =	sshll.u32 @p0 s5, $0xE  }
0xa9: {  	s5 =	sadd.s32 @p0 $0x11B8D, s5;
	s6 =	sshll.u32 @p0 s4, $0x11  }
0xaa: {  	s5 =	sor.u32 @p0 s6, s5  }
0xab: {  	[sflag:s5] =	ssyncadd.remote.s32 @p0 $0x1;
	_ =	sdelay $0x1  }
0xac: {  	s5 =	simm.s32 @p0 $0x1B8D  }
0xad: {  	_ =	swait.eq @p0 [sflag:s5], $0x1  }
0xae: {  	[sflag:s5] =	ssyncadd.s32 @p0 $0xFFFFFFFF  }
0xaf: {  	s6 =	sshll.u32 @!p0 s1, $0xE  }
0xb0: {  	s6 =	sor.u32 @!p0 $0x4000, s6;
	s5 =	simm.s32 @!p0 $0x1B8D  }
0xb1: {  	s4 =	sshll.u32 @!p0 s4, $0x11;
	s6 =	sadd.s32 @!p0 $0x11B8D, s6;
	_ =	swait.eq @!p0 [sflag:s5], $0x1  }
0xb2: {  	s4 =	sor.u32 @!p0 s4, s6;
	[sflag:s5] =	ssyncadd.s32 @!p0 $0xFFFFFFFF  }
0xb3: {  	s25 =	simm.s32 $0x1B8E;
	s24 =	sld [smem:$0x3FFE];
	[sflag:s4] =	ssyncadd.remote.s32 @!p0 $0x1  }
0xb4: {  	s26 =	simm.s32 $execute0_lowered;
	[smem:$0x3FD2] =	sst s25  }
0xb5: {  	s5 =	sshll.u32 s26, $0x1;
	_ =	strace $0x80000049;
	[dreg:$0x1] =	wrdreg $0xFFFFFFFF  }
0xb6: {  	s28 =	simm.s32 $_size_execute0_lowered;
	s3 =	sadd.s32 s3, s5;
	[dreg:$0x0] =	wrdreg $0x0  }
0xb7: {  	s5 =	sshll.u32 s28, $0x1;
	[dreg:$0x2] =	wrdreg s3  }
0xb8: {  	[dreg:$0x3] =	wrdreg s5  }
0xb9: {  	[dreg:$0x4] =	wrdreg $0xC0  }
0xba: {  	_ =	task [dreg:s22], $0x5FFFF  }
0xbb: {  	[dreg:$0x1] =	wrdreg $0xFFFFFFFF  }
0xbc: {  	[dreg:$0x0] =	wrdreg $0x60  }
0xbd: {  	[dreg:$0x2] =	wrdreg s24  }
0xbe: {  	[dreg:$0x3] =	wrdreg $0x9  }
0xbf: {  	_ =	task.clear_ibuf [dreg:s22], $0x4FFFF;
	_ =	strace $0x90000049  }
0xc0: {  	s29 =	simm.s32 $0x9;
	_ =	strace $0x8000004B  }
0xc1: {  	_ =	swait.ge [sflag:s29], $0x1  }
0xc2: {  	[sflag:s29] =	ssyncadd.s32 $0xFFFFFFFF  }
0xc3: {  	_ =	strace $0x9000004B  }
0xc4: {  	_ =	sfence  }
0xc5: {  	s30 =	sld [smem:$0x0];
	_ =	sdelay $0x2  }
0xc6: {  	s31 =	sshll.u32 s1, $0xD;
	s1 =	sshrl.u32 s1, $0x2  }
0xc7: {  	s4 =	sand.u32 $0x4000, s31;
	s1 =	sadd.s32 s1, s30  }
0xc8: {  	s0 =	sor.u32 s4, s0;
	s1 =	sshll.u32 s1, $0x11  }
0xc9: {  	s0 =	sor.u32 s1, s0  }
0xca: {  	s0 =	sadd.s32 $0x8F2B, s0  }
0xcb: {  	[sflag:s0] =	ssyncadd.remote.s32 $0x1  }
0xcc: {  	_ =	sfence.sel $0xFFFF  }
0xcd: {  	[dreg:$0x0] =	wrdreg $0xFFFFFFFF;
	(pc) =	sbr.abs _section_cstart, $3  }
0xce: {  	[dreg:$0x1] =	wrdreg $0xFFFFFFFF  }
0xcf: {  	_ =	task.clear_ibuf [dreg:s22], $0x2FFFF;
	_ =	strace $0x9FFFFFFF  }
0xd0: {  	(tm) =	ssettm $0x7FFFFFFF  }
0xd1: {  	_ =	shalt  }
tec
execute0_lowered:
.L_overlay_start_1:
0x0: {  	(tag) =	ssettag $0x1  }
0x1: {  	s0 =	srdreg.scid  }
0x2: {  	s1 =	stileid.u32;
	s4 =	rddreg [dreg:$0x0]  }
0x3: {  	s2 =	simm.s32 $0x0;
	s9 =	simm.s32 $0x4;
	s10 =	simm.s32 $0x3  }
0x4: {  	s11 =	simm.s32 $0x5;
	s12 =	simm.s32 $0x6;
	s14 =	simm.s32 $0x980  }
0x5: {  	s17 =	simm.s32 $0x1180;
	s18 =	simm.s32 $0x1980;
	s19 =	simm.s32 $0x2180  }
0x6: {  	s20 =	simm.s32 $0x2980;
	s21 =	simm.s32 $0x3180;
	s28 =	simm.s32 $0x5980  }
0x7: {  	s29 =	simm.s32 $0x6180;
	s30 =	simm.s32 $0x6980;
	s31 =	simm.s32 $0x7180  }
0x8: {  	s16 =	simm.s32 $0x8180;
	s0 =	sand.u32 $0x1, s0;
	s1 =	sshll.u32 s1, $0x1  }
0x9: {  	s8 =	simm.s32 $0x9980;
	s15 =	simm.s32 $0xA180;
	s1 =	sor.u32 s0, s1  }
0xa: {  	[smem:$0x7FF] =	sst s2;
	s3 =	sadd.s32 $0x4400, s4;
	s5 =	smul.u32 $0x30, s1  }
0xb: {  	s7 =	sadd.s32 $0x125000, s4;
	s0 =	ssub.s32 $0x2, s0;
	s6 =	smul.u32 $0x6000, s1  }
0xc: {  	_ =	strace $0x8000004A;
	s1 =	smul.u32 $0x30000, s1;
	s24 =	sshrl.u32 s0, $0x1  }
0xd: {  	s0 =	ssub.s32 s0, s24;
	s5 =	sadd.s32 s5, s4;
	s6 =	sadd.s32 s7, s6  }
0xe: {  	s1 =	sshrl.u32 s1, $0x3;
	s5 =	sadd.s32 $0x124A00, s5;
	[dreg:$0x8] =	wrdreg s6  }
0xf: {  	s22 =	sadd.s32 $0x1000, s6;
	s1 =	sadd.s32 s7, s1;
	[dreg:$0x2] =	wrdreg s5  }
0x10: {  	s24 =	simm.s32 $0x180;
	[dreg:$0x3] =	wrdreg s22;
	s23 =	sadd.s32 $0x2000, s1  }
0x11: {  	s6 =	smax.u32 s0, $0x1;
	s25 =	sadd.s32 $0x3000, s1;
	[dreg:$0x4] =	wrdreg s23  }
0x12: {  	s7 =	simm.s32 $0x2;
	s26 =	sadd.s32 $0x4000, s1;
	[dreg:$0x5] =	wrdreg s25  }
0x13: {  	v2 =	vlaneseq.u32;
	s5 =	sadd.s32 $0x4500, s4;
	s1 =	sadd.s32 $0x5000, s1;
	[dreg:$0x6] =	wrdreg s26  }
0x14: {  	vm0 =	vmmov $0xffff;
	v1 =	vshrl.u32 v2, $0x3;
	s22 =	simm.s32 $0x3980;
	s4 =	simm.s32 $0x10180;
	[dreg:$0x7] =	wrdreg s1  }
0x15: {  	v0 =	vand.u32 $0x7, v2;
	v2 =	vor.u32 $0x8, v2;
	v1 =	vmul.u32 $0x8, v1;
	s23 =	simm.s32 $0x4180;
	s25 =	simm.s32 $0x4980;
	s26 =	simm.s32 $0x5180  }
.LBB2_1:
0x16: {  	s13 =	rddreg [dreg:$0x2];
	s0 =	simm.s32 $0x7  }
0x17: {  	[tilespmem:s2], [sflag:$0x7] =	stream.linear.gather [hbm4b:s13+s2], $0x180, $0x38;
	[tilespmem:$0x18180] =	vst v63  }
0x18: {  	_ =	swait.ge [sflag:s0], $0x180  }
0x19: {  	[sflag:s0] =	ssyncset.done $0x0  }
0x1a: {  	[sflag:s0] =	ssyncadd.s32 $0xFFFFFE80  }
0x1b: {  	v3 =	vld [tilespmem:$0x0];
	_ =	sdelay $0x4  }
0x1c: {  	v4 =	vshll.u32 v3, $0x2  }
0x1d: {  	v3 =	vand.u32 $0x7, v3;
	v4 =	vand.u32 $0xFFFFFFE0, v4  }
0x1e: {  	v3 =	vor.u32 v3, v4  }
0x1f: {  	v4 =	vperm.xlane v3, v0;
	_ =	sdelay $0x1  }
0x20: {  	v4 =	vadd.s32 v1, v4;
	_ =	sdelay $0x1  }
0x21: {  	v3 =	vperm.xlane v3, v2;
	_ =	sdelay $0x1  }
0x22: {  	v3 =	vadd.s32 v1, v3  }
0x23: {  	[tilespmem:s24], [sflag:$0x1] =	stream.indirect_vreg.gather [hbm4b:s3+s2], $0x80, v4, vm0, $0xb8;
	[tilespmem:$0x18180] =	vst v63  }
0x24: {  	_ = 	snop  }
0x25: {  	[tilespmem:s14], [sflag:$0x1] =	stream.indirect_vreg.gather [hbm4b:s5+s2], $0x80, v4, vm0, $0xb8;
	[tilespmem:$0x18180] =	vst v63  }
0x26: {  	_ = 	snop  }
0x27: {  	[tilespmem:s17], [sflag:$0x1] =	stream.indirect_vreg.gather [hbm4b:s3+s2], $0x80, v3, vm0, $0xb8;
	[tilespmem:$0x18180] =	vst v63  }
0x28: {  	_ = 	snop  }
0x29: {  	[tilespmem:s18], [sflag:$0x1] =	stream.indirect_vreg.gather [hbm4b:s5+s2], $0x80, v3, vm0, $0xb8;
	[tilespmem:$0x18180] =	vst v63  }
0x2a: {  	v3 =	vld [tilespmem:$0x10];
	_ =	sdelay $0x4  }
0x2b: {  	v41 =	vshll.u32 v3, $0x2  }
0x2c: {  	v3 =	vand.u32 $0x7, v3;
	v4 =	vand.u32 $0xFFFFFFE0, v41  }
0x2d: {  	v3 =	vor.u32 v3, v4  }
0x2e: {  	v4 =	vperm.xlane v3, v0;
	_ =	sdelay $0x1  }
0x2f: {  	v4 =	vadd.s32 v1, v4;
	_ =	sdelay $0x1  }
0x30: {  	v3 =	vperm.xlane v3, v2;
	_ =	sdelay $0x1  }
0x31: {  	v3 =	vadd.s32 v1, v3  }
0x32: {  	[tilespmem:s19], [sflag:$0x1] =	stream.indirect_vreg.gather [hbm4b:s3+s2], $0x80, v4, vm0, $0xb8;
	[tilespmem:$0x18180] =	vst v63  }
0x33: {  	_ = 	snop  }
0x34: {  	[tilespmem:s20], [sflag:$0x1] =	stream.indirect_vreg.gather [hbm4b:s5+s2], $0x80, v4, vm0, $0xb8;
	[tilespmem:$0x18180] =	vst v63  }
0x35: {  	_ = 	snop  }
0x36: {  	[tilespmem:s21], [sflag:$0x1] =	stream.indirect_vreg.gather [hbm4b:s3+s2], $0x80, v3, vm0, $0xb8;
	[tilespmem:$0x18180] =	vst v63  }
0x37: {  	_ = 	snop  }
0x38: {  	[tilespmem:s22], [sflag:$0x1] =	stream.indirect_vreg.gather [hbm4b:s5+s2], $0x80, v3, vm0, $0xb8;
	[tilespmem:$0x18180] =	vst v63  }
0x39: {  	v3 =	vld [tilespmem:$0x20];
	_ =	sdelay $0x4  }
0x3a: {  	v42 =	vshll.u32 v3, $0x2  }
0x3b: {  	v3 =	vand.u32 $0x7, v3;
	v4 =	vand.u32 $0xFFFFFFE0, v42  }
0x3c: {  	v3 =	vor.u32 v3, v4  }
0x3d: {  	v4 =	vperm.xlane v3, v0;
	_ =	sdelay $0x1  }
0x3e: {  	v4 =	vadd.s32 v1, v4;
	_ =	sdelay $0x1  }
0x3f: {  	v3 =	vperm.xlane v3, v2;
	_ =	sdelay $0x1  }
0x40: {  	v3 =	vadd.s32 v1, v3  }
0x41: {  	[tilespmem:s23], [sflag:$0x1] =	stream.indirect_vreg.gather [hbm4b:s3+s2], $0x80, v4, vm0, $0xb8;
	[tilespmem:$0x18180] =	vst v63  }
0x42: {  	_ = 	snop  }
0x43: {  	[tilespmem:s25], [sflag:$0x1] =	stream.indirect_vreg.gather [hbm4b:s5+s2], $0x80, v4, vm0, $0xb8;
	[tilespmem:$0x18180] =	vst v63  }
0x44: {  	_ = 	snop  }
0x45: {  	[tilespmem:s26], [sflag:$0x1] =	stream.indirect_vreg.gather [hbm4b:s3+s2], $0x80, v3, vm0, $0xb8;
	[tilespmem:$0x18180] =	vst v63  }
0x46: {  	_ = 	snop  }
0x47: {  	[tilespmem:s28], [sflag:$0x1] =	stream.indirect_vreg.gather [hbm4b:s5+s2], $0x80, v3, vm0, $0xb8;
	[tilespmem:$0x18180] =	vst v63  }
0x48: {  	v3 =	vld [tilespmem:$0x30];
	_ =	sdelay $0x4  }
0x49: {  	v43 =	vshll.u32 v3, $0x2  }
0x4a: {  	v3 =	vand.u32 $0x7, v3;
	v4 =	vand.u32 $0xFFFFFFE0, v43  }
0x4b: {  	v3 =	vor.u32 v3, v4  }
0x4c: {  	v4 =	vperm.xlane v3, v0;
	_ =	sdelay $0x1  }
0x4d: {  	v4 =	vadd.s32 v1, v4;
	_ =	sdelay $0x1  }
0x4e: {  	v3 =	vperm.xlane v3, v2;
	_ =	sdelay $0x1  }
0x4f: {  	v3 =	vadd.s32 v1, v3  }
0x50: {  	[tilespmem:s29], [sflag:$0x1] =	stream.indirect_vreg.gather [hbm4b:s3+s2], $0x80, v4, vm0, $0xb8;
	[tilespmem:$0x18180] =	vst v63  }
0x51: {  	_ = 	snop  }
0x52: {  	[tilespmem:s30], [sflag:$0x1] =	stream.indirect_vreg.gather [hbm4b:s5+s2], $0x80, v4, vm0, $0xb8;
	[tilespmem:$0x18180] =	vst v63  }
0x53: {  	_ = 	snop  }
0x54: {  	[tilespmem:s31], [sflag:$0x1] =	stream.indirect_vreg.gather [hbm4b:s3+s2], $0x80, v3, vm0, $0xb8;
	[tilespmem:$0x18180] =	vst v63  }
0x55: {  	s1 =	simm.s32 $0x7980  }
0x56: {  	[tilespmem:s1], [sflag:$0x1] =	stream.indirect_vreg.gather [hbm4b:s5+s2], $0x80, v3, vm0, $0xb8;
	[tilespmem:$0x18180] =	vst v63  }
0x57: {  	v3 =	vld [tilespmem:$0x40];
	_ =	sdelay $0x4  }
0x58: {  	v44 =	vshll.u32 v3, $0x2  }
0x59: {  	v3 =	vand.u32 $0x7, v3;
	v4 =	vand.u32 $0xFFFFFFE0, v44  }
0x5a: {  	v3 =	vor.u32 v3, v4  }
0x5b: {  	v4 =	vperm.xlane v3, v0;
	_ =	sdelay $0x1  }
0x5c: {  	v4 =	vadd.s32 v1, v4;
	_ =	sdelay $0x1  }
0x5d: {  	v3 =	vperm.xlane v3, v2;
	_ =	sdelay $0x1  }
0x5e: {  	v3 =	vadd.s32 v1, v3  }
0x5f: {  	[tilespmem:s16], [sflag:$0x2] =	stream.indirect_vreg.gather [hbm4b:s3+s2], $0x80, v4, vm0, $0xb8;
	[tilespmem:$0x18180] =	vst v63  }
0x60: {  	s13 =	simm.s32 $0x8980  }
0x61: {  	[tilespmem:s13], [sflag:$0x2] =	stream.indirect_vreg.gather [hbm4b:s5+s2], $0x80, v4, vm0, $0xb8;
	[tilespmem:$0x18180] =	vst v63  }
0x62: {  	s13 =	simm.s32 $0x9180  }
0x63: {  	[tilespmem:s13], [sflag:$0x2] =	stream.indirect_vreg.gather [hbm4b:s3+s2], $0x80, v3, vm0, $0xb8;
	[tilespmem:$0x18180] =	vst v63  }
0x64: {  	_ = 	snop  }
0x65: {  	[tilespmem:s8], [sflag:$0x2] =	stream.indirect_vreg.gather [hbm4b:s5+s2], $0x80, v3, vm0, $0xb8;
	[tilespmem:$0x18180] =	vst v63  }
0x66: {  	v3 =	vld [tilespmem:$0x50];
	_ =	sdelay $0x4  }
0x67: {  	v45 =	vshll.u32 v3, $0x2  }
0x68: {  	v3 =	vand.u32 $0x7, v3;
	v4 =	vand.u32 $0xFFFFFFE0, v45  }
0x69: {  	v3 =	vor.u32 v3, v4  }
0x6a: {  	v4 =	vperm.xlane v3, v0;
	_ =	sdelay $0x1  }
0x6b: {  	v4 =	vadd.s32 v1, v4;
	_ =	sdelay $0x1  }
0x6c: {  	v3 =	vperm.xlane v3, v2;
	_ =	sdelay $0x1  }
0x6d: {  	v3 =	vadd.s32 v1, v3  }
0x6e: {  	[tilespmem:s15], [sflag:$0x2] =	stream.indirect_vreg.gather [hbm4b:s3+s2], $0x80, v4, vm0, $0xb8;
	[tilespmem:$0x18180] =	vst v63  }
0x6f: {  	s13 =	simm.s32 $0xA980  }
0x70: {  	[tilespmem:s13], [sflag:$0x2] =	stream.indirect_vreg.gather [hbm4b:s5+s2], $0x80, v4, vm0, $0xb8;
	[tilespmem:$0x18180] =	vst v63  }
0x71: {  	s13 =	simm.s32 $0xB180  }
0x72: {  	[tilespmem:s13], [sflag:$0x2] =	stream.indirect_vreg.gather [hbm4b:s3+s2], $0x80, v3, vm0, $0xb8;
	[tilespmem:$0x18180] =	vst v63  }
0x73: {  	s13 =	simm.s32 $0xB980  }
0x74: {  	[tilespmem:s13], [sflag:$0x2] =	stream.indirect_vreg.gather [hbm4b:s5+s2], $0x80, v3, vm0, $0xb8;
	[tilespmem:$0x18180] =	vst v63  }
0x75: {  	v3 =	vld [tilespmem:$0x60];
	_ =	sdelay $0x4  }
0x76: {  	v46 =	vshll.u32 v3, $0x2  }
0x77: {  	v3 =	vand.u32 $0x7, v3;
	v4 =	vand.u32 $0xFFFFFFE0, v46  }
0x78: {  	v3 =	vor.u32 v3, v4  }
0x79: {  	v4 =	vperm.xlane v3, v0;
	_ =	sdelay $0x1  }
0x7a: {  	v4 =	vadd.s32 v1, v4;
	_ =	sdelay $0x1  }
0x7b: {  	v3 =	vperm.xlane v3, v2;
	_ =	sdelay $0x1  }
0x7c: {  	s13 =	simm.s32 $0xC180;
	v3 =	vadd.s32 v1, v3  }
0x7d: {  	[tilespmem:s13], [sflag:$0x2] =	stream.indirect_vreg.gather [hbm4b:s3+s2], $0x80, v4, vm0, $0xb8;
	[tilespmem:$0x18180] =	vst v63  }
0x7e: {  	s13 =	simm.s32 $0xC980  }
0x7f: {  	[tilespmem:s13], [sflag:$0x2] =	stream.indirect_vreg.gather [hbm4b:s5+s2], $0x80, v4, vm0, $0xb8;
	[tilespmem:$0x18180] =	vst v63  }
0x80: {  	s13 =	simm.s32 $0xD180  }
0x81: {  	[tilespmem:s13], [sflag:$0x2] =	stream.indirect_vreg.gather [hbm4b:s3+s2], $0x80, v3, vm0, $0xb8;
	[tilespmem:$0x18180] =	vst v63  }
0x82: {  	s13 =	simm.s32 $0xD980  }
0x83: {  	[tilespmem:s13], [sflag:$0x2] =	stream.indirect_vreg.gather [hbm4b:s5+s2], $0x80, v3, vm0, $0xb8;
	[tilespmem:$0x18180] =	vst v63  }
0x84: {  	v3 =	vld [tilespmem:$0x70];
	_ =	sdelay $0x4  }
0x85: {  	v47 =	vshll.u32 v3, $0x2  }
0x86: {  	v3 =	vand.u32 $0x7, v3;
	v4 =	vand.u32 $0xFFFFFFE0, v47  }
0x87: {  	v3 =	vor.u32 v3, v4  }
0x88: {  	v4 =	vperm.xlane v3, v0;
	_ =	sdelay $0x1  }
0x89: {  	v4 =	vadd.s32 v1, v4;
	_ =	sdelay $0x1  }
0x8a: {  	v3 =	vperm.xlane v3, v2;
	_ =	sdelay $0x1  }
0x8b: {  	s13 =	simm.s32 $0xE180;
	v3 =	vadd.s32 v1, v3  }
0x8c: {  	[tilespmem:s13], [sflag:$0x2] =	stream.indirect_vreg.gather [hbm4b:s3+s2], $0x80, v4, vm0, $0xb8;
	[tilespmem:$0x18180] =	vst v63  }
0x8d: {  	s13 =	simm.s32 $0xE980  }
0x8e: {  	[tilespmem:s13], [sflag:$0x2] =	stream.indirect_vreg.gather [hbm4b:s5+s2], $0x80, v4, vm0, $0xb8;
	[tilespmem:$0x18180] =	vst v63  }
0x8f: {  	s13 =	simm.s32 $0xF180  }
0x90: {  	[tilespmem:s13], [sflag:$0x2] =	stream.indirect_vreg.gather [hbm4b:s3+s2], $0x80, v3, vm0, $0xb8;
	[tilespmem:$0x18180] =	vst v63  }
0x91: {  	s0 =	simm.s32 $0x1;
	s13 =	simm.s32 $0xF980  }
0x92: {  	[tilespmem:s13], [sflag:$0x2] =	stream.indirect_vreg.gather [hbm4b:s5+s2], $0x80, v3, vm0, $0xb8;
	[tilespmem:$0x18180] =	vst v63  }
0x93: {  	_ =	swait.ge [sflag:s0], $0x8000  }
0x94: {  	[sflag:s0] =	ssyncset.done $0x0  }
0x95: {  	s13 =	rddreg [dreg:$0x8];
	[sflag:s0] =	ssyncadd.s32 $0xFFFF8000  }
0x96: {  	[hbm4b:s13+s2] =	stream.linear.scatter [tilespmem:s24], [sflag:$0x4], $0x8000, $0x38;
	[tilespmem:$0x18180] =	vst v63  }
0x97: {  	v3 =	vld [tilespmem:$0x80];
	_ =	sdelay $0x4  }
0x98: {  	v48 =	vshll.u32 v3, $0x2  }
0x99: {  	v3 =	vand.u32 $0x7, v3;
	v4 =	vand.u32 $0xFFFFFFE0, v48  }
0x9a: {  	v3 =	vor.u32 v3, v4  }
0x9b: {  	v4 =	vperm.xlane v3, v0;
	_ =	sdelay $0x1  }
0x9c: {  	v4 =	vadd.s32 v1, v4;
	_ =	sdelay $0x1  }
0x9d: {  	v3 =	vperm.xlane v3, v2;
	_ =	sdelay $0x1  }
0x9e: {  	v3 =	vadd.s32 v1, v3  }
0x9f: {  	[tilespmem:s4], [sflag:$0x3] =	stream.indirect_vreg.gather [hbm4b:s3+s2], $0x80, v4, vm0, $0xb8;
	[tilespmem:$0x18180] =	vst v63  }
0xa0: {  	s13 =	simm.s32 $0x10980  }
0xa1: {  	[tilespmem:s13], [sflag:$0x3] =	stream.indirect_vreg.gather [hbm4b:s5+s2], $0x80, v4, vm0, $0xb8;
	[tilespmem:$0x18180] =	vst v63  }
0xa2: {  	s13 =	simm.s32 $0x11180  }
0xa3: {  	[tilespmem:s13], [sflag:$0x3] =	stream.indirect_vreg.gather [hbm4b:s3+s2], $0x80, v3, vm0, $0xb8;
	[tilespmem:$0x18180] =	vst v63  }
0xa4: {  	s13 =	simm.s32 $0x11980  }
0xa5: {  	[tilespmem:s13], [sflag:$0x3] =	stream.indirect_vreg.gather [hbm4b:s5+s2], $0x80, v3, vm0, $0xb8;
	[tilespmem:$0x18180] =	vst v63  }
0xa6: {  	v3 =	vld [tilespmem:$0x90];
	_ =	sdelay $0x4  }
0xa7: {  	v49 =	vshll.u32 v3, $0x2  }
0xa8: {  	v3 =	vand.u32 $0x7, v3;
	v4 =	vand.u32 $0xFFFFFFE0, v49  }
0xa9: {  	v3 =	vor.u32 v3, v4  }
0xaa: {  	v4 =	vperm.xlane v3, v0;
	_ =	sdelay $0x1  }
0xab: {  	v4 =	vadd.s32 v1, v4;
	_ =	sdelay $0x1  }
0xac: {  	v3 =	vperm.xlane v3, v2;
	_ =	sdelay $0x1  }
0xad: {  	s13 =	simm.s32 $0x12180;
	v3 =	vadd.s32 v1, v3  }
0xae: {  	[tilespmem:s13], [sflag:$0x3] =	stream.indirect_vreg.gather [hbm4b:s3+s2], $0x80, v4, vm0, $0xb8;
	[tilespmem:$0x18180] =	vst v63  }
0xaf: {  	s13 =	simm.s32 $0x12980  }
0xb0: {  	[tilespmem:s13], [sflag:$0x3] =	stream.indirect_vreg.gather [hbm4b:s5+s2], $0x80, v4, vm0, $0xb8;
	[tilespmem:$0x18180] =	vst v63  }
0xb1: {  	s13 =	simm.s32 $0x13180  }
0xb2: {  	[tilespmem:s13], [sflag:$0x3] =	stream.indirect_vreg.gather [hbm4b:s3+s2], $0x80, v3, vm0, $0xb8;
	[tilespmem:$0x18180] =	vst v63  }
0xb3: {  	s13 =	simm.s32 $0x13980  }
0xb4: {  	[tilespmem:s13], [sflag:$0x3] =	stream.indirect_vreg.gather [hbm4b:s5+s2], $0x80, v3, vm0, $0xb8;
	[tilespmem:$0x18180] =	vst v63  }
0xb5: {  	v3 =	vld [tilespmem:$0xA0];
	_ =	sdelay $0x4  }
0xb6: {  	v50 =	vshll.u32 v3, $0x2  }
0xb7: {  	v3 =	vand.u32 $0x7, v3;
	v4 =	vand.u32 $0xFFFFFFE0, v50  }
0xb8: {  	v3 =	vor.u32 v3, v4  }
0xb9: {  	v4 =	vperm.xlane v3, v0;
	_ =	sdelay $0x1  }
0xba: {  	v4 =	vadd.s32 v1, v4;
	_ =	sdelay $0x1  }
0xbb: {  	v3 =	vperm.xlane v3, v2;
	_ =	sdelay $0x1  }
0xbc: {  	s13 =	simm.s32 $0x14180;
	v3 =	vadd.s32 v1, v3  }
0xbd: {  	[tilespmem:s13], [sflag:$0x3] =	stream.indirect_vreg.gather [hbm4b:s3+s2], $0x80, v4, vm0, $0xb8;
	[tilespmem:$0x18180] =	vst v63  }
0xbe: {  	s13 =	simm.s32 $0x14980  }
0xbf: {  	[tilespmem:s13], [sflag:$0x3] =	stream.indirect_vreg.gather [hbm4b:s5+s2], $0x80, v4, vm0, $0xb8;
	[tilespmem:$0x18180] =	vst v63  }
0xc0: {  	s13 =	simm.s32 $0x15180  }
0xc1: {  	[tilespmem:s13], [sflag:$0x3] =	stream.indirect_vreg.gather [hbm4b:s3+s2], $0x80, v3, vm0, $0xb8;
	[tilespmem:$0x18180] =	vst v63  }
0xc2: {  	s13 =	simm.s32 $0x15980  }
0xc3: {  	[tilespmem:s13], [sflag:$0x3] =	stream.indirect_vreg.gather [hbm4b:s5+s2], $0x80, v3, vm0, $0xb8;
	[tilespmem:$0x18180] =	vst v63  }
0xc4: {  	v3 =	vld [tilespmem:$0xB0];
	_ =	sdelay $0x4  }
0xc5: {  	v51 =	vshll.u32 v3, $0x2  }
0xc6: {  	v3 =	vand.u32 $0x7, v3;
	v4 =	vand.u32 $0xFFFFFFE0, v51  }
0xc7: {  	v3 =	vor.u32 v3, v4  }
0xc8: {  	v4 =	vperm.xlane v3, v0;
	_ =	sdelay $0x1  }
0xc9: {  	v4 =	vadd.s32 v1, v4;
	_ =	sdelay $0x1  }
0xca: {  	v3 =	vperm.xlane v3, v2;
	_ =	sdelay $0x1  }
0xcb: {  	s13 =	simm.s32 $0x16180;
	v3 =	vadd.s32 v1, v3  }
0xcc: {  	[tilespmem:s13], [sflag:$0x3] =	stream.indirect_vreg.gather [hbm4b:s3+s2], $0x80, v4, vm0, $0xb8;
	[tilespmem:$0x18180] =	vst v63  }
0xcd: {  	s13 =	simm.s32 $0x16980  }
0xce: {  	[tilespmem:s13], [sflag:$0x3] =	stream.indirect_vreg.gather [hbm4b:s5+s2], $0x80, v4, vm0, $0xb8;
	[tilespmem:$0x18180] =	vst v63  }
0xcf: {  	s13 =	simm.s32 $0x17180  }
0xd0: {  	[tilespmem:s13], [sflag:$0x3] =	stream.indirect_vreg.gather [hbm4b:s3+s2], $0x80, v3, vm0, $0xb8;
	[tilespmem:$0x18180] =	vst v63  }
0xd1: {  	s13 =	simm.s32 $0x17980  }
0xd2: {  	[tilespmem:s13], [sflag:$0x3] =	stream.indirect_vreg.gather [hbm4b:s5+s2], $0x80, v3, vm0, $0xb8;
	[tilespmem:$0x18180] =	vst v63  }
0xd3: {  	_ =	swait.ge [sflag:s7], $0x8000  }
0xd4: {  	[sflag:s7] =	ssyncset.done $0x0  }
0xd5: {  	s13 =	rddreg [dreg:$0x3];
	[sflag:s7] =	ssyncadd.s32 $0xFFFF8000  }
0xd6: {  	[hbm4b:s13+s2] =	stream.linear.scatter [tilespmem:s16], [sflag:$0x5], $0x8000, $0x38;
	[tilespmem:$0x18180] =	vst v63  }
0xd7: {  	_ =	swait.ge [sflag:s9], $0x8000  }
0xd8: {  	[sflag:s9] =	ssyncset.done $0x0  }
0xd9: {  	[sflag:s9] =	ssyncadd.s32 $0xFFFF8000  }
0xda: {  	v3 =	vld [tilespmem:$0xC0];
	_ =	sdelay $0x4  }
0xdb: {  	v52 =	vshll.u32 v3, $0x2  }
0xdc: {  	v3 =	vand.u32 $0x7, v3;
	v4 =	vand.u32 $0xFFFFFFE0, v52  }
0xdd: {  	v3 =	vor.u32 v3, v4  }
0xde: {  	v4 =	vperm.xlane v3, v0;
	_ =	sdelay $0x1  }
0xdf: {  	v4 =	vadd.s32 v1, v4;
	_ =	sdelay $0x1  }
0xe0: {  	v3 =	vperm.xlane v3, v2;
	_ =	sdelay $0x1  }
0xe1: {  	v3 =	vadd.s32 v1, v3  }
0xe2: {  	[tilespmem:s24], [sflag:$0x1] =	stream.indirect_vreg.gather [hbm4b:s3+s2], $0x80, v4, vm0, $0xb8;
	[tilespmem:$0x18180] =	vst v63  }
0xe3: {  	_ = 	snop  }
0xe4: {  	[tilespmem:s14], [sflag:$0x1] =	stream.indirect_vreg.gather [hbm4b:s5+s2], $0x80, v4, vm0, $0xb8;
	[tilespmem:$0x18180] =	vst v63  }
0xe5: {  	_ = 	snop  }
0xe6: {  	[tilespmem:s17], [sflag:$0x1] =	stream.indirect_vreg.gather [hbm4b:s3+s2], $0x80, v3, vm0, $0xb8;
	[tilespmem:$0x18180] =	vst v63  }
0xe7: {  	_ = 	snop  }
0xe8: {  	[tilespmem:s18], [sflag:$0x1] =	stream.indirect_vreg.gather [hbm4b:s5+s2], $0x80, v3, vm0, $0xb8;
	[tilespmem:$0x18180] =	vst v63  }
0xe9: {  	v3 =	vld [tilespmem:$0xD0];
	_ =	sdelay $0x4  }
0xea: {  	v53 =	vshll.u32 v3, $0x2  }
0xeb: {  	v3 =	vand.u32 $0x7, v3;
	v4 =	vand.u32 $0xFFFFFFE0, v53  }
0xec: {  	v3 =	vor.u32 v3, v4  }
0xed: {  	v4 =	vperm.xlane v3, v0;
	_ =	sdelay $0x1  }
0xee: {  	v4 =	vadd.s32 v1, v4;
	_ =	sdelay $0x1  }
0xef: {  	v3 =	vperm.xlane v3, v2;
	_ =	sdelay $0x1  }
0xf0: {  	v3 =	vadd.s32 v1, v3  }
0xf1: {  	[tilespmem:s19], [sflag:$0x1] =	stream.indirect_vreg.gather [hbm4b:s3+s2], $0x80, v4, vm0, $0xb8;
	[tilespmem:$0x18180] =	vst v63  }
0xf2: {  	_ = 	snop  }
0xf3: {  	[tilespmem:s20], [sflag:$0x1] =	stream.indirect_vreg.gather [hbm4b:s5+s2], $0x80, v4, vm0, $0xb8;
	[tilespmem:$0x18180] =	vst v63  }
0xf4: {  	_ = 	snop  }
0xf5: {  	[tilespmem:s21], [sflag:$0x1] =	stream.indirect_vreg.gather [hbm4b:s3+s2], $0x80, v3, vm0, $0xb8;
	[tilespmem:$0x18180] =	vst v63  }
0xf6: {  	_ = 	snop  }
0xf7: {  	[tilespmem:s22], [sflag:$0x1] =	stream.indirect_vreg.gather [hbm4b:s5+s2], $0x80, v3, vm0, $0xb8;
	[tilespmem:$0x18180] =	vst v63  }
0xf8: {  	v3 =	vld [tilespmem:$0xE0];
	_ =	sdelay $0x4  }
0xf9: {  	v54 =	vshll.u32 v3, $0x2  }
0xfa: {  	v3 =	vand.u32 $0x7, v3;
	v4 =	vand.u32 $0xFFFFFFE0, v54  }
0xfb: {  	v3 =	vor.u32 v3, v4  }
0xfc: {  	v4 =	vperm.xlane v3, v0;
	_ =	sdelay $0x1  }
0xfd: {  	v4 =	vadd.s32 v1, v4;
	_ =	sdelay $0x1  }
0xfe: {  	v3 =	vperm.xlane v3, v2;
	_ =	sdelay $0x1  }
0xff: {  	v3 =	vadd.s32 v1, v3  }
0x100: {  	[tilespmem:s23], [sflag:$0x1] =	stream.indirect_vreg.gather [hbm4b:s3+s2], $0x80, v4, vm0, $0xb8;
	[tilespmem:$0x18180] =	vst v63  }
0x101: {  	_ = 	snop  }
0x102: {  	[tilespmem:s25], [sflag:$0x1] =	stream.indirect_vreg.gather [hbm4b:s5+s2], $0x80, v4, vm0, $0xb8;
	[tilespmem:$0x18180] =	vst v63  }
0x103: {  	_ = 	snop  }
0x104: {  	[tilespmem:s26], [sflag:$0x1] =	stream.indirect_vreg.gather [hbm4b:s3+s2], $0x80, v3, vm0, $0xb8;
	[tilespmem:$0x18180] =	vst v63  }
0x105: {  	_ = 	snop  }
0x106: {  	[tilespmem:s28], [sflag:$0x1] =	stream.indirect_vreg.gather [hbm4b:s5+s2], $0x80, v3, vm0, $0xb8;
	[tilespmem:$0x18180] =	vst v63  }
0x107: {  	v3 =	vld [tilespmem:$0xF0];
	_ =	sdelay $0x4  }
0x108: {  	v55 =	vshll.u32 v3, $0x2  }
0x109: {  	v3 =	vand.u32 $0x7, v3;
	v4 =	vand.u32 $0xFFFFFFE0, v55  }
0x10a: {  	v3 =	vor.u32 v3, v4  }
0x10b: {  	v4 =	vperm.xlane v3, v0;
	_ =	sdelay $0x1  }
0x10c: {  	v4 =	vadd.s32 v1, v4;
	_ =	sdelay $0x1  }
0x10d: {  	v3 =	vperm.xlane v3, v2;
	_ =	sdelay $0x1  }
0x10e: {  	v3 =	vadd.s32 v1, v3  }
0x10f: {  	[tilespmem:s29], [sflag:$0x1] =	stream.indirect_vreg.gather [hbm4b:s3+s2], $0x80, v4, vm0, $0xb8;
	[tilespmem:$0x18180] =	vst v63  }
0x110: {  	_ = 	snop  }
0x111: {  	[tilespmem:s30], [sflag:$0x1] =	stream.indirect_vreg.gather [hbm4b:s5+s2], $0x80, v4, vm0, $0xb8;
	[tilespmem:$0x18180] =	vst v63  }
0x112: {  	_ = 	snop  }
0x113: {  	[tilespmem:s31], [sflag:$0x1] =	stream.indirect_vreg.gather [hbm4b:s3+s2], $0x80, v3, vm0, $0xb8;
	[tilespmem:$0x18180] =	vst v63  }
0x114: {  	_ = 	snop  }
0x115: {  	[tilespmem:s1], [sflag:$0x1] =	stream.indirect_vreg.gather [hbm4b:s5+s2], $0x80, v3, vm0, $0xb8;
	[tilespmem:$0x18180] =	vst v63  }
0x116: {  	_ =	swait.ge [sflag:s10], $0x8000  }
0x117: {  	[sflag:s10] =	ssyncset.done $0x0  }
0x118: {  	s1 =	rddreg [dreg:$0x4];
	[sflag:s10] =	ssyncadd.s32 $0xFFFF8000  }
0x119: {  	[hbm4b:s1+s2] =	stream.linear.scatter [tilespmem:s4], [sflag:$0x6], $0x8000, $0x38;
	[tilespmem:$0x18180] =	vst v63  }
0x11a: {  	_ =	swait.ge [sflag:s11], $0x8000  }
0x11b: {  	[sflag:s11] =	ssyncset.done $0x0  }
0x11c: {  	[sflag:s11] =	ssyncadd.s32 $0xFFFF8000  }
0x11d: {  	v3 =	vld [tilespmem:$0x100];
	_ =	sdelay $0x4  }
0x11e: {  	v56 =	vshll.u32 v3, $0x2  }
0x11f: {  	v3 =	vand.u32 $0x7, v3;
	v4 =	vand.u32 $0xFFFFFFE0, v56  }
0x120: {  	v3 =	vor.u32 v3, v4  }
0x121: {  	v4 =	vperm.xlane v3, v0;
	_ =	sdelay $0x1  }
0x122: {  	v4 =	vadd.s32 v1, v4;
	_ =	sdelay $0x1  }
0x123: {  	v3 =	vperm.xlane v3, v2;
	_ =	sdelay $0x1  }
0x124: {  	v3 =	vadd.s32 v1, v3  }
0x125: {  	[tilespmem:s16], [sflag:$0x2] =	stream.indirect_vreg.gather [hbm4b:s3+s2], $0x80, v4, vm0, $0xb8;
	[tilespmem:$0x18180] =	vst v63  }
0x126: {  	s13 =	simm.s32 $0x8980  }
0x127: {  	[tilespmem:s13], [sflag:$0x2] =	stream.indirect_vreg.gather [hbm4b:s5+s2], $0x80, v4, vm0, $0xb8;
	[tilespmem:$0x18180] =	vst v63  }
0x128: {  	s13 =	simm.s32 $0x9180  }
0x129: {  	[tilespmem:s13], [sflag:$0x2] =	stream.indirect_vreg.gather [hbm4b:s3+s2], $0x80, v3, vm0, $0xb8;
	[tilespmem:$0x18180] =	vst v63  }
0x12a: {  	_ = 	snop  }
0x12b: {  	[tilespmem:s8], [sflag:$0x2] =	stream.indirect_vreg.gather [hbm4b:s5+s2], $0x80, v3, vm0, $0xb8;
	[tilespmem:$0x18180] =	vst v63  }
0x12c: {  	v3 =	vld [tilespmem:$0x110];
	_ =	sdelay $0x4  }
0x12d: {  	v57 =	vshll.u32 v3, $0x2  }
0x12e: {  	v3 =	vand.u32 $0x7, v3;
	v4 =	vand.u32 $0xFFFFFFE0, v57  }
0x12f: {  	v3 =	vor.u32 v3, v4  }
0x130: {  	v4 =	vperm.xlane v3, v0;
	_ =	sdelay $0x1  }
0x131: {  	v4 =	vadd.s32 v1, v4;
	_ =	sdelay $0x1  }
0x132: {  	v3 =	vperm.xlane v3, v2;
	_ =	sdelay $0x1  }
0x133: {  	v3 =	vadd.s32 v1, v3  }
0x134: {  	[tilespmem:s15], [sflag:$0x2] =	stream.indirect_vreg.gather [hbm4b:s3+s2], $0x80, v4, vm0, $0xb8;
	[tilespmem:$0x18180] =	vst v63  }
0x135: {  	s13 =	simm.s32 $0xA980  }
0x136: {  	[tilespmem:s13], [sflag:$0x2] =	stream.indirect_vreg.gather [hbm4b:s5+s2], $0x80, v4, vm0, $0xb8;
	[tilespmem:$0x18180] =	vst v63  }
0x137: {  	s13 =	simm.s32 $0xB180  }
0x138: {  	[tilespmem:s13], [sflag:$0x2] =	stream.indirect_vreg.gather [hbm4b:s3+s2], $0x80, v3, vm0, $0xb8;
	[tilespmem:$0x18180] =	vst v63  }
0x139: {  	s13 =	simm.s32 $0xB980  }
0x13a: {  	[tilespmem:s13], [sflag:$0x2] =	stream.indirect_vreg.gather [hbm4b:s5+s2], $0x80, v3, vm0, $0xb8;
	[tilespmem:$0x18180] =	vst v63  }
0x13b: {  	v3 =	vld [tilespmem:$0x120];
	_ =	sdelay $0x4  }
0x13c: {  	v58 =	vshll.u32 v3, $0x2  }
0x13d: {  	v3 =	vand.u32 $0x7, v3;
	v4 =	vand.u32 $0xFFFFFFE0, v58  }
0x13e: {  	v3 =	vor.u32 v3, v4  }
0x13f: {  	v4 =	vperm.xlane v3, v0;
	_ =	sdelay $0x1  }
0x140: {  	v4 =	vadd.s32 v1, v4;
	_ =	sdelay $0x1  }
0x141: {  	v3 =	vperm.xlane v3, v2;
	_ =	sdelay $0x1  }
0x142: {  	s13 =	simm.s32 $0xC180;
	v3 =	vadd.s32 v1, v3  }
0x143: {  	[tilespmem:s13], [sflag:$0x2] =	stream.indirect_vreg.gather [hbm4b:s3+s2], $0x80, v4, vm0, $0xb8;
	[tilespmem:$0x18180] =	vst v63  }
0x144: {  	s13 =	simm.s32 $0xC980  }
0x145: {  	[tilespmem:s13], [sflag:$0x2] =	stream.indirect_vreg.gather [hbm4b:s5+s2], $0x80, v4, vm0, $0xb8;
	[tilespmem:$0x18180] =	vst v63  }
0x146: {  	s13 =	simm.s32 $0xD180  }
0x147: {  	[tilespmem:s13], [sflag:$0x2] =	stream.indirect_vreg.gather [hbm4b:s3+s2], $0x80, v3, vm0, $0xb8;
	[tilespmem:$0x18180] =	vst v63  }
0x148: {  	s13 =	simm.s32 $0xD980  }
0x149: {  	[tilespmem:s13], [sflag:$0x2] =	stream.indirect_vreg.gather [hbm4b:s5+s2], $0x80, v3, vm0, $0xb8;
	[tilespmem:$0x18180] =	vst v63  }
0x14a: {  	v3 =	vld [tilespmem:$0x130];
	_ =	sdelay $0x4  }
0x14b: {  	v59 =	vshll.u32 v3, $0x2  }
0x14c: {  	v3 =	vand.u32 $0x7, v3;
	v4 =	vand.u32 $0xFFFFFFE0, v59  }
0x14d: {  	v3 =	vor.u32 v3, v4  }
0x14e: {  	v4 =	vperm.xlane v3, v0;
	_ =	sdelay $0x1  }
0x14f: {  	v4 =	vadd.s32 v1, v4;
	_ =	sdelay $0x1  }
0x150: {  	v3 =	vperm.xlane v3, v2;
	_ =	sdelay $0x1  }
0x151: {  	s13 =	simm.s32 $0xE180;
	v3 =	vadd.s32 v1, v3  }
0x152: {  	[tilespmem:s13], [sflag:$0x2] =	stream.indirect_vreg.gather [hbm4b:s3+s2], $0x80, v4, vm0, $0xb8;
	[tilespmem:$0x18180] =	vst v63  }
0x153: {  	s13 =	simm.s32 $0xE980  }
0x154: {  	[tilespmem:s13], [sflag:$0x2] =	stream.indirect_vreg.gather [hbm4b:s5+s2], $0x80, v4, vm0, $0xb8;
	[tilespmem:$0x18180] =	vst v63  }
0x155: {  	s13 =	simm.s32 $0xF180  }
0x156: {  	[tilespmem:s13], [sflag:$0x2] =	stream.indirect_vreg.gather [hbm4b:s3+s2], $0x80, v3, vm0, $0xb8;
	[tilespmem:$0x18180] =	vst v63  }
0x157: {  	s13 =	simm.s32 $0xF980  }
0x158: {  	[tilespmem:s13], [sflag:$0x2] =	stream.indirect_vreg.gather [hbm4b:s5+s2], $0x80, v3, vm0, $0xb8;
	[tilespmem:$0x18180] =	vst v63  }
0x159: {  	_ =	swait.ge [sflag:s0], $0x8000  }
0x15a: {  	[sflag:s0] =	ssyncset.done $0x0  }
0x15b: {  	s1 =	rddreg [dreg:$0x5];
	[sflag:s0] =	ssyncadd.s32 $0xFFFF8000  }
0x15c: {  	[hbm4b:s1+s2] =	stream.linear.scatter [tilespmem:s24], [sflag:$0x4], $0x8000, $0x38;
	[tilespmem:$0x18180] =	vst v63  }
0x15d: {  	_ =	swait.ge [sflag:s12], $0x8000  }
0x15e: {  	[sflag:s12] =	ssyncset.done $0x0  }
0x15f: {  	[sflag:s12] =	ssyncadd.s32 $0xFFFF8000  }
0x160: {  	v3 =	vld [tilespmem:$0x140];
	_ =	sdelay $0x4  }
0x161: {  	v60 =	vshll.u32 v3, $0x2  }
0x162: {  	v3 =	vand.u32 $0x7, v3;
	v4 =	vand.u32 $0xFFFFFFE0, v60  }
0x163: {  	v3 =	vor.u32 v3, v4  }
0x164: {  	v4 =	vperm.xlane v3, v0;
	_ =	sdelay $0x1  }
0x165: {  	v4 =	vadd.s32 v1, v4;
	_ =	sdelay $0x1  }
0x166: {  	v3 =	vperm.xlane v3, v2;
	_ =	sdelay $0x1  }
0x167: {  	v3 =	vadd.s32 v1, v3  }
0x168: {  	[tilespmem:s4], [sflag:$0x3] =	stream.indirect_vreg.gather [hbm4b:s3+s2], $0x80, v4, vm0, $0xb8;
	[tilespmem:$0x18180] =	vst v63  }
0x169: {  	s13 =	simm.s32 $0x10980  }
0x16a: {  	[tilespmem:s13], [sflag:$0x3] =	stream.indirect_vreg.gather [hbm4b:s5+s2], $0x80, v4, vm0, $0xb8;
	[tilespmem:$0x18180] =	vst v63  }
0x16b: {  	s1 =	simm.s32 $0x11180  }
0x16c: {  	[tilespmem:s1], [sflag:$0x3] =	stream.indirect_vreg.gather [hbm4b:s3+s2], $0x80, v3, vm0, $0xb8;
	[tilespmem:$0x18180] =	vst v63  }
0x16d: {  	s13 =	simm.s32 $0x11980  }
0x16e: {  	[tilespmem:s13], [sflag:$0x3] =	stream.indirect_vreg.gather [hbm4b:s5+s2], $0x80, v3, vm0, $0xb8;
	[tilespmem:$0x18180] =	vst v63  }
0x16f: {  	v3 =	vld [tilespmem:$0x150];
	_ =	sdelay $0x4  }
0x170: {  	v61 =	vshll.u32 v3, $0x2  }
0x171: {  	v3 =	vand.u32 $0x7, v3;
	v4 =	vand.u32 $0xFFFFFFE0, v61  }
0x172: {  	v3 =	vor.u32 v3, v4  }
0x173: {  	v4 =	vperm.xlane v3, v0;
	_ =	sdelay $0x1  }
0x174: {  	v4 =	vadd.s32 v1, v4;
	_ =	sdelay $0x1  }
0x175: {  	v3 =	vperm.xlane v3, v2;
	_ =	sdelay $0x1  }
0x176: {  	s1 =	simm.s32 $0x12180;
	v3 =	vadd.s32 v1, v3  }
0x177: {  	[tilespmem:s1], [sflag:$0x3] =	stream.indirect_vreg.gather [hbm4b:s3+s2], $0x80, v4, vm0, $0xb8;
	[tilespmem:$0x18180] =	vst v63  }
0x178: {  	s13 =	simm.s32 $0x12980  }
0x179: {  	[tilespmem:s13], [sflag:$0x3] =	stream.indirect_vreg.gather [hbm4b:s5+s2], $0x80, v4, vm0, $0xb8;
	[tilespmem:$0x18180] =	vst v63  }
0x17a: {  	s1 =	simm.s32 $0x13180  }
0x17b: {  	[tilespmem:s1], [sflag:$0x3] =	stream.indirect_vreg.gather [hbm4b:s3+s2], $0x80, v3, vm0, $0xb8;
	[tilespmem:$0x18180] =	vst v63  }
0x17c: {  	s13 =	simm.s32 $0x13980  }
0x17d: {  	[tilespmem:s13], [sflag:$0x3] =	stream.indirect_vreg.gather [hbm4b:s5+s2], $0x80, v3, vm0, $0xb8;
	[tilespmem:$0x18180] =	vst v63  }
0x17e: {  	v3 =	vld [tilespmem:$0x160];
	_ =	sdelay $0x4  }
0x17f: {  	v62 =	vshll.u32 v3, $0x2  }
0x180: {  	v3 =	vand.u32 $0x7, v3;
	v4 =	vand.u32 $0xFFFFFFE0, v62  }
0x181: {  	v3 =	vor.u32 v3, v4  }
0x182: {  	v4 =	vperm.xlane v3, v0;
	_ =	sdelay $0x1  }
0x183: {  	v4 =	vadd.s32 v1, v4;
	_ =	sdelay $0x1  }
0x184: {  	v3 =	vperm.xlane v3, v2;
	_ =	sdelay $0x1  }
0x185: {  	s1 =	simm.s32 $0x14180;
	v3 =	vadd.s32 v1, v3  }
0x186: {  	[tilespmem:s1], [sflag:$0x3] =	stream.indirect_vreg.gather [hbm4b:s3+s2], $0x80, v4, vm0, $0xb8;
	[tilespmem:$0x18180] =	vst v63  }
0x187: {  	s13 =	simm.s32 $0x14980  }
0x188: {  	[tilespmem:s13], [sflag:$0x3] =	stream.indirect_vreg.gather [hbm4b:s5+s2], $0x80, v4, vm0, $0xb8;
	[tilespmem:$0x18180] =	vst v63  }
0x189: {  	s1 =	simm.s32 $0x15180  }
0x18a: {  	[tilespmem:s1], [sflag:$0x3] =	stream.indirect_vreg.gather [hbm4b:s3+s2], $0x80, v3, vm0, $0xb8;
	[tilespmem:$0x18180] =	vst v63  }
0x18b: {  	s13 =	simm.s32 $0x15980  }
0x18c: {  	[tilespmem:s13], [sflag:$0x3] =	stream.indirect_vreg.gather [hbm4b:s5+s2], $0x80, v3, vm0, $0xb8;
	[tilespmem:$0x18180] =	vst v63  }
0x18d: {  	v3 =	vld [tilespmem:$0x170];
	_ =	sdelay $0x4  }
0x18e: {  	v63 =	vshll.u32 v3, $0x2  }
0x18f: {  	v3 =	vand.u32 $0x7, v3;
	v4 =	vand.u32 $0xFFFFFFE0, v63  }
0x190: {  	v3 =	vor.u32 v3, v4  }
0x191: {  	v4 =	vperm.xlane v3, v0;
	_ =	sdelay $0x1  }
0x192: {  	v4 =	vadd.s32 v1, v4;
	_ =	sdelay $0x1  }
0x193: {  	v3 =	vperm.xlane v3, v2;
	_ =	sdelay $0x1  }
0x194: {  	s1 =	simm.s32 $0x16180;
	v3 =	vadd.s32 v1, v3  }
0x195: {  	[tilespmem:s1], [sflag:$0x3] =	stream.indirect_vreg.gather [hbm4b:s3+s2], $0x80, v4, vm0, $0xb8;
	[tilespmem:$0x18180] =	vst v63  }
0x196: {  	s13 =	simm.s32 $0x16980  }
0x197: {  	[tilespmem:s13], [sflag:$0x3] =	stream.indirect_vreg.gather [hbm4b:s5+s2], $0x80, v4, vm0, $0xb8;
	[tilespmem:$0x18180] =	vst v63  }
0x198: {  	s1 =	simm.s32 $0x17180  }
0x199: {  	[tilespmem:s1], [sflag:$0x3] =	stream.indirect_vreg.gather [hbm4b:s3+s2], $0x80, v3, vm0, $0xb8;
	[tilespmem:$0x18180] =	vst v63  }
0x19a: {  	s13 =	simm.s32 $0x17980  }
0x19b: {  	[tilespmem:s13], [sflag:$0x3] =	stream.indirect_vreg.gather [hbm4b:s5+s2], $0x80, v3, vm0, $0xb8;
	[tilespmem:$0x18180] =	vst v63  }
0x19c: {  	_ =	swait.ge [sflag:s7], $0x8000  }
0x19d: {  	[sflag:s7] =	ssyncset.done $0x0  }
0x19e: {  	s0 =	rddreg [dreg:$0x6];
	[sflag:s7] =	ssyncadd.s32 $0xFFFF8000  }
0x19f: {  	[hbm4b:s0+s2] =	stream.linear.scatter [tilespmem:s16], [sflag:$0x5], $0x8000, $0x38;
	[tilespmem:$0x18180] =	vst v63  }
0x1a0: {  	_ =	swait.ge [sflag:s10], $0x8000  }
0x1a1: {  	[sflag:s10] =	ssyncset.done $0x0  }
0x1a2: {  	s1 =	rddreg [dreg:$0x7];
	[sflag:s10] =	ssyncadd.s32 $0xFFFF8000  }
0x1a3: {  	[hbm4b:s1+s2] =	stream.linear.scatter [tilespmem:s4], [sflag:$0x6], $0x8000, $0x38;
	[tilespmem:$0x18180] =	vst v63  }
0x1a4: {  	_ =	swait.ge [sflag:s9], $0x8000  }
0x1a5: {  	[sflag:s9] =	ssyncset.done $0x0  }
0x1a6: {  	[sflag:s9] =	ssyncadd.s32 $0xFFFF8000  }
0x1a7: {  	p0 =	sne.s32 s6, $0x1;
	_ =	swait.ge [sflag:s11], $0x8000  }
.Ltmp0:
0x1a8: {  	[sflag:s11] =	ssyncset.done $0x0;
	(pc) =	sbr.rel @p0 .LBB2_1-.Ltmp0, $4  }
0x1a9: {  	[sflag:s11] =	ssyncadd.s32 $0xFFFF8000  }
0x1aa: {  	_ =	swait.ge [sflag:s12], $0x8000  }
0x1ab: {  	[sflag:s12] =	ssyncset.done $0x0  }
0x1ac: {  	s6 =	sadd.s32 $0xFFFFFFFF, s6;
	[sflag:s12] =	ssyncadd.s32 $0xFFFF8000  }
0x1ad: {  	_ =	sfence.sel $0x180000  }
0x1ae: {  	[bflag:$0x0] =	sbarrier.arrive $0xFFFF  }
0x1af: {  	_ =	strace $0x9000004A  }
0x1b0: {  	s0 =	stileid.u32;
	[bflag:$0x2] =	sbarrier.arrive $0xFFFF  }
0x1b1: {  	p0 =	sne.s32 s0, $0x0;
	s0 =	rddreg [dreg:$0x1]  }
0x1b2: {  	s0 =	sadd.s32 @!p0 $0x100000, s0  }
0x1b3: {  	[sflag:s0] =	ssyncadd.tile.s32 @!p0 $0x1;
	_ =	shalt  }
.Lfunc_end2:
_tile_overlayer_lowered:
.L_overlay_start_2:
0x1b4: {  	(tag) =	ssettag $0x2  }
0x1b5: {  	s0 =	rddreg [dreg:$0x0];
	s2 =	stileid.u32  }
0x1b6: {  	s1 =	rddreg [dreg:$0x1];
	p0 =	sne.s32 s2, $0x0  }
0x1b7: {  	s3 =	rddreg [dreg:$0x2];
	[bflag:$0x3] =	sbarrier.arrive $0xFFFF;
	s2 =	simm.s32 @!p0 $0x1C07  }
0x1b8: {  	[timem:s3], [sflag:s2] =	dma.local @!p0 [hbm:s0], s1  }
0x1b9: {  	s0 =	simm.s32 @!p0 $0x7  }
0x1ba: {  	_ =	swait.ge @!p0 [sflag:s0], s1  }
0x1bb: {  	s1 =	ssub.s32 @!p0 $0x0, s1;
	[sflag:s0] =	ssyncset.done @!p0 $0x0  }
0x1bc: {  	[sflag:s0] =	ssyncadd.s32 @!p0 s1  }
0x1bd: {  	[bflag:$0x3] =	sbarrier.arrive $0xFFFF  }
0x1be: {  	_ =	shalt  }

// kernel: kernel.14.cloned.1.call-start
scs
__scs_entry_jumppad:
0x0: {  	(pc) =	sbr.rel $0x88, $3  }
0x1: {  	(tag) =	ssettag $0x0;
	lr =	simm.s32 $0x1  }
0x2: {  	[smem:$0x3F8E] =	sst lr;
	_ =	strace $0xD0000000  }
0x3: {  	_ = 	snop  }
0x4: {  	_ = 	snop  }
0x5: {  	_ = 	snop  }
0x6: {  	_ = 	snop  }
0x7: {  	_ = 	snop  }
__scs_overlays_trampoline_lowered:
0x8: {  	[smem:$0x3F9D] =	sst s0  }
0x9: {  	[smem:$0x3F9E] =	sst s1  }
0xa: {  	[smem:$0x3F9F] =	sst s2  }
0xb: {  	[smem:$0x3FA0] =	sst s3  }
0xc: {  	[smem:$0x3FA1] =	sst s4  }
0xd: {  	[smem:$0x3FA2] =	sst s5  }
0xe: {  	[smem:$0x3FA3] =	sst s6  }
0xf: {  	[smem:$0x3FA4] =	sst s7  }
0x10: {  	[smem:$0x3FA5] =	sst s8  }
0x11: {  	[smem:$0x3FA6] =	sst s9;
	s0 =	simm.s32 @!p0 $0x0  }
0x12: {  	s1 =	sld [smem:$0x3F8C];
	s0 =	simm.s32 @p0 $0x1  }
0x13: {  	[smem:$0x3FA7] =	sst s0;
	s0 =	simm.s32 @!p1 $0x0  }
0x14: {  	s2 =	sld [smem:$0x3F8B];
	s0 =	simm.s32 @p1 $0x1  }
0x15: {  	[smem:$0x3FA8] =	sst s0;
	s0 =	simm.s32 @!p2 $0x0  }
0x16: {  	s3 =	sld [smem:$0x3FDB];
	s0 =	simm.s32 @p2 $0x1  }
0x17: {  	s4 =	simm.s32 $0x1BF5;
	[smem:$0x3FAA] =	sst s0  }
0x18: {  	s0 =	sld [smem:$0x3F8D];
	_ =	swait.ge [sflag:s4], $0x0  }
0x19: {  	s7 =	sld [smem:$0x3F8E]  }
0x1a: {  	s8 =	sadd.s32 $0xFFFFE003, lr  }
0x1b: {  	s9 =	sadd.s32 $0xFFFFFEF7, lr;
	s5 =	simm.s32 $0xFFFFFFFF;
	p2 =	slt.u32 s8, $0xFFFFF086  }
0x1c: {  	p1 =	slt.u32 s9, $0xF7A;
	s5 =	simm.s32 @!p2 $0x0  }
0x1d: {  	s5 =	simm.s32 @p1 $0x1;
	p0 =	seq.s32 s7, s2  }
0x1e: {  	s7 =	smul.u32 @!p0 $0xF7A, s2;
	p2 =	seq.s32 @!p0 s5, $0x0  }
0x1f: {  	s9 =	smul.u32 $0xF7A, s1;
	s8 =	simm.s32 @!p0 $0x1BF5;
	p2 =	por !p2, p0  }
0x20: {  	[sflag:s8] =	ssyncset.s32 @!p0 $0xFFFFF086;
	s6 =	sadd.s32 @!p0 s3, s7;
	s7 =	simm.s32 @!p0 $0x108  }
0x21: {  	s3 =	sadd.s32 s3, s9;
	s6 =	sadd.s32 @!p0 $0x88, s6;
	s7 =	simm.s32 @p2 $0x1082  }
0x22: {  	[simem:s7], [sflag:s8] =	dma.local @!p0 [hbm:s6], $0xF7A  }
0x23: {  	s9 =	sor.u32 $0xD0000000, s2;
	s6 =	simm.s32 $0x108;
	_ =	swait.ge @!p0 [sflag:s8], $0x0  }
0x24: {  	s3 =	sadd.s32 $0x88, s3;
	s6 =	simm.s32 @!p1 $0x1082;
	[sflag:s4] =	ssyncset.s32 $0xFFFFF086  }
0x25: {  	[simem:s6], [sflag:s4] =	dma.local [hbm:s3], $0xF7A  }
0x26: {  	[smem:$0x3F8E] =	sst s1;
	(tag) =	ssettag s2;
	_ =	strace s9  }
0x27: {  	s1 =	sld [smem:$0x3F9E]  }
0x28: {  	s2 =	sld [smem:$0x3F9F]  }
0x29: {  	s4 =	sld [smem:$0x3FA1]  }
0x2a: {  	p0 =	seq.s32 s5, $0x0;
	s5 =	sld [smem:$0x3FA2]  }
0x2b: {  	s6 =	sld [smem:$0x3FA3]  }
0x2c: {  	s7 =	sld [smem:$0x3FA4]  }
0x2d: {  	s3 =	simm.s32 $0x108;
	s8 =	sld [smem:$0x3FA5]  }
0x2e: {  	s3 =	simm.s32 @!p0 $0x1082;
	s9 =	sld [smem:$0x3FA6]  }
0x2f: {  	lr =	sadd.s32 s0, s3;
	s0 =	sld [smem:$0x3F9D]  }
0x30: {  	s3 =	sld [smem:$0x3FA0]  }
0x31: {  	[smem:$0x3FA9] =	sst s10  }
0x32: {  	s10 =	sld [smem:$0x3FA7];
	_ =	sdelay $0x3  }
0x33: {  	p0 =	seq.s32 s10, $0x1;
	s10 =	sld [smem:$0x3FA9];
	_ =	sdelay $0x3  }
0x34: {  	[smem:$0x3FA9] =	sst s10  }
0x35: {  	s10 =	sld [smem:$0x3FA8];
	_ =	sdelay $0x3  }
0x36: {  	p1 =	seq.s32 s10, $0x1;
	s10 =	sld [smem:$0x3FA9];
	_ =	sdelay $0x3  }
0x37: {  	[smem:$0x3FA9] =	sst s10  }
0x38: {  	s10 =	sld [smem:$0x3FAA]  }
0x39: {  	_ = 	snop;
	(pc) =	sbr.ind lr, $3  }
0x3a: {  	_ = 	snop  }
0x3b: {  	_ = 	snop  }
0x3c: {  	p2 =	seq.s32 s10, $0x1;
	s10 =	sld [smem:$0x3FA9]  }
0x3d: {  	_ =	shalt  }
0x3e: {  	_ =	shalt  }
0x3f: {  	_ =	shalt  }
0x40: {  	_ =	shalt  }
0x41: {  	_ =	shalt  }
0x42: {  	_ =	shalt  }
0x43: {  	_ =	shalt  }
0x44: {  	_ =	shalt  }
0x45: {  	_ =	shalt  }
0x46: {  	_ =	shalt  }
0x47: {  	_ =	shalt  }
0x48: {  	_ =	shalt  }
0x49: {  	_ =	shalt  }
0x4a: {  	_ =	shalt  }
0x4b: {  	_ =	shalt  }
0x4c: {  	_ =	shalt  }
0x4d: {  	_ =	shalt  }
0x4e: {  	_ =	shalt  }
0x4f: {  	_ =	shalt  }
0x50: {  	_ =	shalt  }
0x51: {  	_ =	shalt  }
0x52: {  	_ =	shalt  }
0x53: {  	_ =	shalt  }
0x54: {  	_ =	shalt  }
0x55: {  	_ =	shalt  }
0x56: {  	_ =	shalt  }
0x57: {  	_ =	shalt  }
0x58: {  	_ =	shalt  }
0x59: {  	_ =	shalt  }
0x5a: {  	_ =	shalt  }
0x5b: {  	_ =	shalt  }
0x5c: {  	_ =	shalt  }
0x5d: {  	_ =	shalt  }
0x5e: {  	_ =	shalt  }
0x5f: {  	_ =	shalt  }
0x60: {  	_ =	shalt  }
0x61: {  	_ =	shalt  }
0x62: {  	_ =	shalt  }
0x63: {  	_ =	shalt  }
0x64: {  	_ =	shalt  }
0x65: {  	_ =	shalt  }
0x66: {  	_ =	shalt  }
0x67: {  	_ =	shalt  }
0x68: {  	_ =	shalt  }
0x69: {  	_ =	shalt  }
0x6a: {  	_ =	shalt  }
0x6b: {  	_ =	shalt  }
0x6c: {  	_ =	shalt  }
0x6d: {  	_ =	shalt  }
0x6e: {  	_ =	shalt  }
0x6f: {  	_ =	shalt  }
0x70: {  	_ =	shalt  }
0x71: {  	_ =	shalt  }
0x72: {  	_ =	shalt  }
0x73: {  	_ =	shalt  }
0x74: {  	_ =	shalt  }
0x75: {  	_ =	shalt  }
0x76: {  	_ =	shalt  }
0x77: {  	_ =	shalt  }
0x78: {  	_ =	shalt  }
0x79: {  	_ =	shalt  }
0x7a: {  	_ =	shalt  }
0x7b: {  	_ =	shalt  }
0x7c: {  	_ =	shalt  }
0x7d: {  	_ =	shalt  }
0x7e: {  	_ =	shalt  }
0x7f: {  	_ =	shalt  }
0x80: {  	_ =	shalt  }
0x81: {  	_ =	shalt  }
0x82: {  	_ =	shalt  }
0x83: {  	_ =	shalt  }
0x84: {  	_ =	shalt  }
0x85: {  	_ =	shalt  }
0x86: {  	_ =	shalt  }
0x87: {  	_ =	shalt  }
.Lfunc_end0:
.L_simem_size_0:
called_computation.1_lowered:
.L_overlay_start_0:
0x88: {  	s2 =	sld [smem:$0x3FD9]  }
0x89: {  	s3 =	sld [smem:$0x3FFE];
	_ =	sdelay $0x1  }
0x8a: {  	s1 =	srdreg.scid  }
0x8b: {  	s0 =	sand.u32 $0x1, s1  }
0x8c: {  	s16 =	sshll.u32 s0, $0xA;
	s2 =	sadd.s32 s3, s2  }
0x8d: {  	s2 =	sadd.s32 s2, s16  }
0x8e: {  	[smem:$0x3FB5] =	sst s2  }
0x8f: {  	_ = 	snop  }
0x90: {  	(tm) =	ssettm $0x1  }
0x91: {  	s17 =	sld [smem:$0x3FFB];
	_ =	sdelay $0x3  }
0x92: {  	_ =	strace s17  }
0x93: {  	s2 =	sld [smem:$0x3FFC];
	_ =	sdelay $0x3  }
0x94: {  	_ =	strace s2  }
0x95: {  	s2 =	sld [smem:$0x3FFD];
	_ =	sdelay $0x3  }
0x96: {  	_ =	strace s2  }
0x97: {  	_ =	strace $0x8FFFFFFF  }
0x98: {  	s18 =	sld [smem:$0x3FDB];
	_ =	sdelay $0x1  }
0x99: {  	s19 =	simm.s32 $_scs_section_size  }
0x9a: {  	s4 =	simm.s32 $_size__tile_overlayer_lowered;
	s5 =	simm.s32 $_tile_overlayer_lowered  }
0x9b: {  	s22 =	simm.s32 $0x1BFF;
	s21 =	sshll.u32 s5, $0x1;
	s2 =	sadd.s32 s19, s18  }
0x9c: {  	s6 =	simm.s32 $0x0;
	s20 =	sshll.u32 s4, $0x1;
	s4 =	sadd.s32 s21, s2  }
0x9d: {  	[timem:s6], [sflag:s22] =	dma.local [hbm:s4], s20  }
0x9e: {  	_ =	swait.ge [sflag:s22], s20  }
0x9f: {  	s3 =	ssub.s32 $0x0, s20;
	[sflag:s22] =	ssyncset.done $0x0  }
0xa0: {  	[sflag:s22] =	ssyncadd.s32 s3;
	_ =	sdelay $0x1  }
0xa1: {  	s23 =	simm.s32 $0x1B8B  }
0xa2: {  	_ =	swait.ge [sflag:s23], $0x1  }
0xa3: {  	[sflag:s23] =	ssyncset.done $0x0  }
0xa4: {  	s25 =	simm.s32 $0x1B8E;
	s24 =	sld [smem:$0x3FFE];
	[sflag:s23] =	ssyncadd.s32 $0xFFFFFFFF  }
0xa5: {  	s26 =	simm.s32 $execute0_lowered;
	[smem:$0x3FD2] =	sst s25  }
0xa6: {  	s4 =	sshll.u32 s26, $0x1;
	_ =	strace $0x80000046;
	[dreg:$0x1] =	wrdreg $0xFFFFFFFF  }
0xa7: {  	s28 =	simm.s32 $_size_execute0_lowered;
	s2 =	sadd.s32 s2, s4;
	[dreg:$0x0] =	wrdreg $0x0  }
0xa8: {  	s4 =	sshll.u32 s28, $0x1;
	[dreg:$0x2] =	wrdreg s2  }
0xa9: {  	[dreg:$0x3] =	wrdreg s4  }
0xaa: {  	[dreg:$0x4] =	wrdreg $0xC0  }
0xab: {  	_ =	task [dreg:s6], $0x5FFFF  }
0xac: {  	[dreg:$0x1] =	wrdreg $0xFFFFFFFF  }
0xad: {  	[dreg:$0x0] =	wrdreg $0x60  }
0xae: {  	[dreg:$0x2] =	wrdreg s24  }
0xaf: {  	[dreg:$0x3] =	wrdreg $0xA  }
0xb0: {  	_ =	task.clear_ibuf [dreg:s6], $0x4FFFF;
	_ =	strace $0x90000046  }
0xb1: {  	s29 =	simm.s32 $0xA;
	_ =	strace $0x80000048  }
0xb2: {  	_ =	swait.ge [sflag:s29], $0x1  }
0xb3: {  	[sflag:s29] =	ssyncadd.s32 $0xFFFFFFFF  }
0xb4: {  	_ =	strace $0x90000048  }
0xb5: {  	_ =	sfence  }
0xb6: {  	s30 =	sld [smem:$0x0];
	_ =	sdelay $0x2  }
0xb7: {  	s31 =	sshll.u32 s1, $0xD;
	s1 =	sshrl.u32 s1, $0x2  }
0xb8: {  	s3 =	sand.u32 $0x4000, s31;
	s1 =	sadd.s32 s1, s30  }
0xb9: {  	s0 =	sor.u32 s3, s0;
	s1 =	sshll.u32 s1, $0x11  }
0xba: {  	s0 =	sor.u32 s1, s0  }
0xbb: {  	s0 =	sadd.s32 $0x8F2B, s0  }
0xbc: {  	[sflag:s0] =	ssyncadd.remote.s32 $0x1  }
0xbd: {  	_ =	sfence.sel $0xFFFF  }
0xbe: {  	[dreg:$0x0] =	wrdreg $0xFFFFFFFF;
	(pc) =	sbr.abs _section_cstart, $3  }
0xbf: {  	[dreg:$0x1] =	wrdreg $0xFFFFFFFF  }
0xc0: {  	_ =	task.clear_ibuf [dreg:s6], $0x2FFFF;
	_ =	strace $0x9FFFFFFF  }
0xc1: {  	(tm) =	ssettm $0x7FFFFFFF  }
tec
execute0_lowered:
.L_overlay_start_1:
0x0: {  	(tag) =	ssettag $0x1  }
0x1: {  	s0 =	srdreg.scid  }
0x2: {  	s1 =	stileid.u32;
	s4 =	rddreg [dreg:$0x0]  }
0x3: {  	s2 =	simm.s32 $0x0;
	s9 =	simm.s32 $0x4;
	s10 =	simm.s32 $0x3  }
0x4: {  	s11 =	simm.s32 $0x5;
	s12 =	simm.s32 $0x6;
	s14 =	simm.s32 $0x980  }
0x5: {  	s17 =	simm.s32 $0x1180;
	s18 =	simm.s32 $0x1980;
	s19 =	simm.s32 $0x2180  }
0x6: {  	s20 =	simm.s32 $0x2980;
	s21 =	simm.s32 $0x3180;
	s28 =	simm.s32 $0x5980  }
0x7: {  	s29 =	simm.s32 $0x6180;
	s30 =	simm.s32 $0x6980;
	s31 =	simm.s32 $0x7180  }
0x8: {  	s16 =	simm.s32 $0x8180;
	s0 =	sand.u32 $0x1, s0;
	s1 =	sshll.u32 s1, $0x1  }
0x9: {  	s8 =	simm.s32 $0x9980;
	s15 =	simm.s32 $0xA180;
	s1 =	sor.u32 s0, s1  }
0xa: {  	[smem:$0x7FF] =	sst s2;
	s3 =	sadd.s32 $0x4400, s4;
	s5 =	smul.u32 $0x30, s1  }
0xb: {  	s7 =	sadd.s32 $0x64A00, s4;
	s0 =	ssub.s32 $0x2, s0;
	s6 =	smul.u32 $0x6000, s1  }
0xc: {  	_ =	strace $0x80000047;
	s1 =	smul.u32 $0x30000, s1;
	s24 =	sshrl.u32 s0, $0x1  }
0xd: {  	s0 =	ssub.s32 s0, s24;
	s5 =	sadd.s32 s5, s4;
	s6 =	sadd.s32 s7, s6  }
0xe: {  	s1 =	sshrl.u32 s1, $0x3;
	s5 =	sadd.s32 $0x64400, s5;
	[dreg:$0x8] =	wrdreg s6  }
0xf: {  	s22 =	sadd.s32 $0x1000, s6;
	s1 =	sadd.s32 s7, s1;
	[dreg:$0x2] =	wrdreg s5  }
0x10: {  	s24 =	simm.s32 $0x180;
	[dreg:$0x3] =	wrdreg s22;
	s23 =	sadd.s32 $0x2000, s1  }
0x11: {  	s6 =	smax.u32 s0, $0x1;
	s25 =	sadd.s32 $0x3000, s1;
	[dreg:$0x4] =	wrdreg s23  }
0x12: {  	s7 =	simm.s32 $0x2;
	s26 =	sadd.s32 $0x4000, s1;
	[dreg:$0x5] =	wrdreg s25  }
0x13: {  	v2 =	vlaneseq.u32;
	s5 =	sadd.s32 $0x4500, s4;
	s1 =	sadd.s32 $0x5000, s1;
	[dreg:$0x6] =	wrdreg s26  }
0x14: {  	vm0 =	vmmov $0xffff;
	v1 =	vshrl.u32 v2, $0x3;
	s22 =	simm.s32 $0x3980;
	s4 =	simm.s32 $0x10180;
	[dreg:$0x7] =	wrdreg s1  }
0x15: {  	v0 =	vand.u32 $0x7, v2;
	v2 =	vor.u32 $0x8, v2;
	v1 =	vmul.u32 $0x8, v1;
	s23 =	simm.s32 $0x4180;
	s25 =	simm.s32 $0x4980;
	s26 =	simm.s32 $0x5180  }
.LBB2_1:
0x16: {  	s13 =	rddreg [dreg:$0x2];
	s0 =	simm.s32 $0x7  }
0x17: {  	[tilespmem:s2], [sflag:$0x7] =	stream.linear.gather [hbm4b:s13+s2], $0x180, $0x38;
	[tilespmem:$0x18180] =	vst v63  }
0x18: {  	_ =	swait.ge [sflag:s0], $0x180  }
0x19: {  	[sflag:s0] =	ssyncset.done $0x0  }
0x1a: {  	[sflag:s0] =	ssyncadd.s32 $0xFFFFFE80  }
0x1b: {  	v3 =	vld [tilespmem:$0x0];
	_ =	sdelay $0x4  }
0x1c: {  	v4 =	vshll.u32 v3, $0x2  }
0x1d: {  	v3 =	vand.u32 $0x7, v3;
	v4 =	vand.u32 $0xFFFFFFE0, v4  }
0x1e: {  	v3 =	vor.u32 v3, v4  }
0x1f: {  	v4 =	vperm.xlane v3, v0;
	_ =	sdelay $0x1  }
0x20: {  	v4 =	vadd.s32 v1, v4;
	_ =	sdelay $0x1  }
0x21: {  	v3 =	vperm.xlane v3, v2;
	_ =	sdelay $0x1  }
0x22: {  	v3 =	vadd.s32 v1, v3  }
0x23: {  	[tilespmem:s24], [sflag:$0x1] =	stream.indirect_vreg.gather [hbm4b:s3+s2], $0x80, v4, vm0, $0xb8;
	[tilespmem:$0x18180] =	vst v63  }
0x24: {  	_ = 	snop  }
0x25: {  	[tilespmem:s14], [sflag:$0x1] =	stream.indirect_vreg.gather [hbm4b:s5+s2], $0x80, v4, vm0, $0xb8;
	[tilespmem:$0x18180] =	vst v63  }
0x26: {  	_ = 	snop  }
0x27: {  	[tilespmem:s17], [sflag:$0x1] =	stream.indirect_vreg.gather [hbm4b:s3+s2], $0x80, v3, vm0, $0xb8;
	[tilespmem:$0x18180] =	vst v63  }
0x28: {  	_ = 	snop  }
0x29: {  	[tilespmem:s18], [sflag:$0x1] =	stream.indirect_vreg.gather [hbm4b:s5+s2], $0x80, v3, vm0, $0xb8;
	[tilespmem:$0x18180] =	vst v63  }
0x2a: {  	v3 =	vld [tilespmem:$0x10];
	_ =	sdelay $0x4  }
0x2b: {  	v41 =	vshll.u32 v3, $0x2  }
0x2c: {  	v3 =	vand.u32 $0x7, v3;
	v4 =	vand.u32 $0xFFFFFFE0, v41  }
0x2d: {  	v3 =	vor.u32 v3, v4  }
0x2e: {  	v4 =	vperm.xlane v3, v0;
	_ =	sdelay $0x1  }
0x2f: {  	v4 =	vadd.s32 v1, v4;
	_ =	sdelay $0x1  }
0x30: {  	v3 =	vperm.xlane v3, v2;
	_ =	sdelay $0x1  }
0x31: {  	v3 =	vadd.s32 v1, v3  }
0x32: {  	[tilespmem:s19], [sflag:$0x1] =	stream.indirect_vreg.gather [hbm4b:s3+s2], $0x80, v4, vm0, $0xb8;
	[tilespmem:$0x18180] =	vst v63  }
0x33: {  	_ = 	snop  }
0x34: {  	[tilespmem:s20], [sflag:$0x1] =	stream.indirect_vreg.gather [hbm4b:s5+s2], $0x80, v4, vm0, $0xb8;
	[tilespmem:$0x18180] =	vst v63  }
0x35: {  	_ = 	snop  }
0x36: {  	[tilespmem:s21], [sflag:$0x1] =	stream.indirect_vreg.gather [hbm4b:s3+s2], $0x80, v3, vm0, $0xb8;
	[tilespmem:$0x18180] =	vst v63  }
0x37: {  	_ = 	snop  }
0x38: {  	[tilespmem:s22], [sflag:$0x1] =	stream.indirect_vreg.gather [hbm4b:s5+s2], $0x80, v3, vm0, $0xb8;
	[tilespmem:$0x18180] =	vst v63  }
0x39: {  	v3 =	vld [tilespmem:$0x20];
	_ =	sdelay $0x4  }
0x3a: {  	v42 =	vshll.u32 v3, $0x2  }
0x3b: {  	v3 =	vand.u32 $0x7, v3;
	v4 =	vand.u32 $0xFFFFFFE0, v42  }
0x3c: {  	v3 =	vor.u32 v3, v4  }
0x3d: {  	v4 =	vperm.xlane v3, v0;
	_ =	sdelay $0x1  }
0x3e: {  	v4 =	vadd.s32 v1, v4;
	_ =	sdelay $0x1  }
0x3f: {  	v3 =	vperm.xlane v3, v2;
	_ =	sdelay $0x1  }
0x40: {  	v3 =	vadd.s32 v1, v3  }
0x41: {  	[tilespmem:s23], [sflag:$0x1] =	stream.indirect_vreg.gather [hbm4b:s3+s2], $0x80, v4, vm0, $0xb8;
	[tilespmem:$0x18180] =	vst v63  }
0x42: {  	_ = 	snop  }
0x43: {  	[tilespmem:s25], [sflag:$0x1] =	stream.indirect_vreg.gather [hbm4b:s5+s2], $0x80, v4, vm0, $0xb8;
	[tilespmem:$0x18180] =	vst v63  }
0x44: {  	_ = 	snop  }
0x45: {  	[tilespmem:s26], [sflag:$0x1] =	stream.indirect_vreg.gather [hbm4b:s3+s2], $0x80, v3, vm0, $0xb8;
	[tilespmem:$0x18180] =	vst v63  }
0x46: {  	_ = 	snop  }
0x47: {  	[tilespmem:s28], [sflag:$0x1] =	stream.indirect_vreg.gather [hbm4b:s5+s2], $0x80, v3, vm0, $0xb8;
	[tilespmem:$0x18180] =	vst v63  }
0x48: {  	v3 =	vld [tilespmem:$0x30];
	_ =	sdelay $0x4  }
0x49: {  	v43 =	vshll.u32 v3, $0x2  }
0x4a: {  	v3 =	vand.u32 $0x7, v3;
	v4 =	vand.u32 $0xFFFFFFE0, v43  }
0x4b: {  	v3 =	vor.u32 v3, v4  }
0x4c: {  	v4 =	vperm.xlane v3, v0;
	_ =	sdelay $0x1  }
0x4d: {  	v4 =	vadd.s32 v1, v4;
	_ =	sdelay $0x1  }
0x4e: {  	v3 =	vperm.xlane v3, v2;
	_ =	sdelay $0x1  }
0x4f: {  	v3 =	vadd.s32 v1, v3  }
0x50: {  	[tilespmem:s29], [sflag:$0x1] =	stream.indirect_vreg.gather [hbm4b:s3+s2], $0x80, v4, vm0, $0xb8;
	[tilespmem:$0x18180] =	vst v63  }
0x51: {  	_ = 	snop  }
0x52: {  	[tilespmem:s30], [sflag:$0x1] =	stream.indirect_vreg.gather [hbm4b:s5+s2], $0x80, v4, vm0, $0xb8;
	[tilespmem:$0x18180] =	vst v63  }
0x53: {  	_ = 	snop  }
0x54: {  	[tilespmem:s31], [sflag:$0x1] =	stream.indirect_vreg.gather [hbm4b:s3+s2], $0x80, v3, vm0, $0xb8;
	[tilespmem:$0x18180] =	vst v63  }
0x55: {  	s1 =	simm.s32 $0x7980  }
0x56: {  	[tilespmem:s1], [sflag:$0x1] =	stream.indirect_vreg.gather [hbm4b:s5+s2], $0x80, v3, vm0, $0xb8;
	[tilespmem:$0x18180] =	vst v63  }
0x57: {  	v3 =	vld [tilespmem:$0x40];
	_ =	sdelay $0x4  }
0x58: {  	v44 =	vshll.u32 v3, $0x2  }
0x59: {  	v3 =	vand.u32 $0x7, v3;
	v4 =	vand.u32 $0xFFFFFFE0, v44  }
0x5a: {  	v3 =	vor.u32 v3, v4  }
0x5b: {  	v4 =	vperm.xlane v3, v0;
	_ =	sdelay $0x1  }
0x5c: {  	v4 =	vadd.s32 v1, v4;
	_ =	sdelay $0x1  }
0x5d: {  	v3 =	vperm.xlane v3, v2;
	_ =	sdelay $0x1  }
0x5e: {  	v3 =	vadd.s32 v1, v3  }
0x5f: {  	[tilespmem:s16], [sflag:$0x2] =	stream.indirect_vreg.gather [hbm4b:s3+s2], $0x80, v4, vm0, $0xb8;
	[tilespmem:$0x18180] =	vst v63  }
0x60: {  	s13 =	simm.s32 $0x8980  }
0x61: {  	[tilespmem:s13], [sflag:$0x2] =	stream.indirect_vreg.gather [hbm4b:s5+s2], $0x80, v4, vm0, $0xb8;
	[tilespmem:$0x18180] =	vst v63  }
0x62: {  	s13 =	simm.s32 $0x9180  }
0x63: {  	[tilespmem:s13], [sflag:$0x2] =	stream.indirect_vreg.gather [hbm4b:s3+s2], $0x80, v3, vm0, $0xb8;
	[tilespmem:$0x18180] =	vst v63  }
0x64: {  	_ = 	snop  }
0x65: {  	[tilespmem:s8], [sflag:$0x2] =	stream.indirect_vreg.gather [hbm4b:s5+s2], $0x80, v3, vm0, $0xb8;
	[tilespmem:$0x18180] =	vst v63  }
0x66: {  	v3 =	vld [tilespmem:$0x50];
	_ =	sdelay $0x4  }
0x67: {  	v45 =	vshll.u32 v3, $0x2  }
0x68: {  	v3 =	vand.u32 $0x7, v3;
	v4 =	vand.u32 $0xFFFFFFE0, v45  }
0x69: {  	v3 =	vor.u32 v3, v4  }
0x6a: {  	v4 =	vperm.xlane v3, v0;
	_ =	sdelay $0x1  }
0x6b: {  	v4 =	vadd.s32 v1, v4;
	_ =	sdelay $0x1  }
0x6c: {  	v3 =	vperm.xlane v3, v2;
	_ =	sdelay $0x1  }
0x6d: {  	v3 =	vadd.s32 v1, v3  }
0x6e: {  	[tilespmem:s15], [sflag:$0x2] =	stream.indirect_vreg.gather [hbm4b:s3+s2], $0x80, v4, vm0, $0xb8;
	[tilespmem:$0x18180] =	vst v63  }
0x6f: {  	s13 =	simm.s32 $0xA980  }
0x70: {  	[tilespmem:s13], [sflag:$0x2] =	stream.indirect_vreg.gather [hbm4b:s5+s2], $0x80, v4, vm0, $0xb8;
	[tilespmem:$0x18180] =	vst v63  }
0x71: {  	s13 =	simm.s32 $0xB180  }
0x72: {  	[tilespmem:s13], [sflag:$0x2] =	stream.indirect_vreg.gather [hbm4b:s3+s2], $0x80, v3, vm0, $0xb8;
	[tilespmem:$0x18180] =	vst v63  }
0x73: {  	s13 =	simm.s32 $0xB980  }
0x74: {  	[tilespmem:s13], [sflag:$0x2] =	stream.indirect_vreg.gather [hbm4b:s5+s2], $0x80, v3, vm0, $0xb8;
	[tilespmem:$0x18180] =	vst v63  }
0x75: {  	v3 =	vld [tilespmem:$0x60];
	_ =	sdelay $0x4  }
0x76: {  	v46 =	vshll.u32 v3, $0x2  }
0x77: {  	v3 =	vand.u32 $0x7, v3;
	v4 =	vand.u32 $0xFFFFFFE0, v46  }
0x78: {  	v3 =	vor.u32 v3, v4  }
0x79: {  	v4 =	vperm.xlane v3, v0;
	_ =	sdelay $0x1  }
0x7a: {  	v4 =	vadd.s32 v1, v4;
	_ =	sdelay $0x1  }
0x7b: {  	v3 =	vperm.xlane v3, v2;
	_ =	sdelay $0x1  }
0x7c: {  	s13 =	simm.s32 $0xC180;
	v3 =	vadd.s32 v1, v3  }
0x7d: {  	[tilespmem:s13], [sflag:$0x2] =	stream.indirect_vreg.gather [hbm4b:s3+s2], $0x80, v4, vm0, $0xb8;
	[tilespmem:$0x18180] =	vst v63  }
0x7e: {  	s13 =	simm.s32 $0xC980  }
0x7f: {  	[tilespmem:s13], [sflag:$0x2] =	stream.indirect_vreg.gather [hbm4b:s5+s2], $0x80, v4, vm0, $0xb8;
	[tilespmem:$0x18180] =	vst v63  }
0x80: {  	s13 =	simm.s32 $0xD180  }
0x81: {  	[tilespmem:s13], [sflag:$0x2] =	stream.indirect_vreg.gather [hbm4b:s3+s2], $0x80, v3, vm0, $0xb8;
	[tilespmem:$0x18180] =	vst v63  }
0x82: {  	s13 =	simm.s32 $0xD980  }
0x83: {  	[tilespmem:s13], [sflag:$0x2] =	stream.indirect_vreg.gather [hbm4b:s5+s2], $0x80, v3, vm0, $0xb8;
	[tilespmem:$0x18180] =	vst v63  }
0x84: {  	v3 =	vld [tilespmem:$0x70];
	_ =	sdelay $0x4  }
0x85: {  	v47 =	vshll.u32 v3, $0x2  }
0x86: {  	v3 =	vand.u32 $0x7, v3;
	v4 =	vand.u32 $0xFFFFFFE0, v47  }
0x87: {  	v3 =	vor.u32 v3, v4  }
0x88: {  	v4 =	vperm.xlane v3, v0;
	_ =	sdelay $0x1  }
0x89: {  	v4 =	vadd.s32 v1, v4;
	_ =	sdelay $0x1  }
0x8a: {  	v3 =	vperm.xlane v3, v2;
	_ =	sdelay $0x1  }
0x8b: {  	s13 =	simm.s32 $0xE180;
	v3 =	vadd.s32 v1, v3  }
0x8c: {  	[tilespmem:s13], [sflag:$0x2] =	stream.indirect_vreg.gather [hbm4b:s3+s2], $0x80, v4, vm0, $0xb8;
	[tilespmem:$0x18180] =	vst v63  }
0x8d: {  	s13 =	simm.s32 $0xE980  }
0x8e: {  	[tilespmem:s13], [sflag:$0x2] =	stream.indirect_vreg.gather [hbm4b:s5+s2], $0x80, v4, vm0, $0xb8;
	[tilespmem:$0x18180] =	vst v63  }
0x8f: {  	s13 =	simm.s32 $0xF180  }
0x90: {  	[tilespmem:s13], [sflag:$0x2] =	stream.indirect_vreg.gather [hbm4b:s3+s2], $0x80, v3, vm0, $0xb8;
	[tilespmem:$0x18180] =	vst v63  }
0x91: {  	s0 =	simm.s32 $0x1;
	s13 =	simm.s32 $0xF980  }
0x92: {  	[tilespmem:s13], [sflag:$0x2] =	stream.indirect_vreg.gather [hbm4b:s5+s2], $0x80, v3, vm0, $0xb8;
	[tilespmem:$0x18180] =	vst v63  }
0x93: {  	_ =	swait.ge [sflag:s0], $0x8000  }
0x94: {  	[sflag:s0] =	ssyncset.done $0x0  }
0x95: {  	s13 =	rddreg [dreg:$0x8];
	[sflag:s0] =	ssyncadd.s32 $0xFFFF8000  }
0x96: {  	[hbm4b:s13+s2] =	stream.linear.scatter [tilespmem:s24], [sflag:$0x4], $0x8000, $0x38;
	[tilespmem:$0x18180] =	vst v63  }
0x97: {  	v3 =	vld [tilespmem:$0x80];
	_ =	sdelay $0x4  }
0x98: {  	v48 =	vshll.u32 v3, $0x2  }
0x99: {  	v3 =	vand.u32 $0x7, v3;
	v4 =	vand.u32 $0xFFFFFFE0, v48  }
0x9a: {  	v3 =	vor.u32 v3, v4  }
0x9b: {  	v4 =	vperm.xlane v3, v0;
	_ =	sdelay $0x1  }
0x9c: {  	v4 =	vadd.s32 v1, v4;
	_ =	sdelay $0x1  }
0x9d: {  	v3 =	vperm.xlane v3, v2;
	_ =	sdelay $0x1  }
0x9e: {  	v3 =	vadd.s32 v1, v3  }
0x9f: {  	[tilespmem:s4], [sflag:$0x3] =	stream.indirect_vreg.gather [hbm4b:s3+s2], $0x80, v4, vm0, $0xb8;
	[tilespmem:$0x18180] =	vst v63  }
0xa0: {  	s13 =	simm.s32 $0x10980  }
0xa1: {  	[tilespmem:s13], [sflag:$0x3] =	stream.indirect_vreg.gather [hbm4b:s5+s2], $0x80, v4, vm0, $0xb8;
	[tilespmem:$0x18180] =	vst v63  }
0xa2: {  	s13 =	simm.s32 $0x11180  }
0xa3: {  	[tilespmem:s13], [sflag:$0x3] =	stream.indirect_vreg.gather [hbm4b:s3+s2], $0x80, v3, vm0, $0xb8;
	[tilespmem:$0x18180] =	vst v63  }
0xa4: {  	s13 =	simm.s32 $0x11980  }
0xa5: {  	[tilespmem:s13], [sflag:$0x3] =	stream.indirect_vreg.gather [hbm4b:s5+s2], $0x80, v3, vm0, $0xb8;
	[tilespmem:$0x18180] =	vst v63  }
0xa6: {  	v3 =	vld [tilespmem:$0x90];
	_ =	sdelay $0x4  }
0xa7: {  	v49 =	vshll.u32 v3, $0x2  }
0xa8: {  	v3 =	vand.u32 $0x7, v3;
	v4 =	vand.u32 $0xFFFFFFE0, v49  }
0xa9: {  	v3 =	vor.u32 v3, v4  }
0xaa: {  	v4 =	vperm.xlane v3, v0;
	_ =	sdelay $0x1  }
0xab: {  	v4 =	vadd.s32 v1, v4;
	_ =	sdelay $0x1  }
0xac: {  	v3 =	vperm.xlane v3, v2;
	_ =	sdelay $0x1  }
0xad: {  	s13 =	simm.s32 $0x12180;
	v3 =	vadd.s32 v1, v3  }
0xae: {  	[tilespmem:s13], [sflag:$0x3] =	stream.indirect_vreg.gather [hbm4b:s3+s2], $0x80, v4, vm0, $0xb8;
	[tilespmem:$0x18180] =	vst v63  }
0xaf: {  	s13 =	simm.s32 $0x12980  }
0xb0: {  	[tilespmem:s13], [sflag:$0x3] =	stream.indirect_vreg.gather [hbm4b:s5+s2], $0x80, v4, vm0, $0xb8;
	[tilespmem:$0x18180] =	vst v63  }
0xb1: {  	s13 =	simm.s32 $0x13180  }
0xb2: {  	[tilespmem:s13], [sflag:$0x3] =	stream.indirect_vreg.gather [hbm4b:s3+s2], $0x80, v3, vm0, $0xb8;
	[tilespmem:$0x18180] =	vst v63  }
0xb3: {  	s13 =	simm.s32 $0x13980  }
0xb4: {  	[tilespmem:s13], [sflag:$0x3] =	stream.indirect_vreg.gather [hbm4b:s5+s2], $0x80, v3, vm0, $0xb8;
	[tilespmem:$0x18180] =	vst v63  }
0xb5: {  	v3 =	vld [tilespmem:$0xA0];
	_ =	sdelay $0x4  }
0xb6: {  	v50 =	vshll.u32 v3, $0x2  }
0xb7: {  	v3 =	vand.u32 $0x7, v3;
	v4 =	vand.u32 $0xFFFFFFE0, v50  }
0xb8: {  	v3 =	vor.u32 v3, v4  }
0xb9: {  	v4 =	vperm.xlane v3, v0;
	_ =	sdelay $0x1  }
0xba: {  	v4 =	vadd.s32 v1, v4;
	_ =	sdelay $0x1  }
0xbb: {  	v3 =	vperm.xlane v3, v2;
	_ =	sdelay $0x1  }
0xbc: {  	s13 =	simm.s32 $0x14180;
	v3 =	vadd.s32 v1, v3  }
0xbd: {  	[tilespmem:s13], [sflag:$0x3] =	stream.indirect_vreg.gather [hbm4b:s3+s2], $0x80, v4, vm0, $0xb8;
	[tilespmem:$0x18180] =	vst v63  }
0xbe: {  	s13 =	simm.s32 $0x14980  }
0xbf: {  	[tilespmem:s13], [sflag:$0x3] =	stream.indirect_vreg.gather [hbm4b:s5+s2], $0x80, v4, vm0, $0xb8;
	[tilespmem:$0x18180] =	vst v63  }
0xc0: {  	s13 =	simm.s32 $0x15180  }
0xc1: {  	[tilespmem:s13], [sflag:$0x3] =	stream.indirect_vreg.gather [hbm4b:s3+s2], $0x80, v3, vm0, $0xb8;
	[tilespmem:$0x18180] =	vst v63  }
0xc2: {  	s13 =	simm.s32 $0x15980  }
0xc3: {  	[tilespmem:s13], [sflag:$0x3] =	stream.indirect_vreg.gather [hbm4b:s5+s2], $0x80, v3, vm0, $0xb8;
	[tilespmem:$0x18180] =	vst v63  }
0xc4: {  	v3 =	vld [tilespmem:$0xB0];
	_ =	sdelay $0x4  }
0xc5: {  	v51 =	vshll.u32 v3, $0x2  }
0xc6: {  	v3 =	vand.u32 $0x7, v3;
	v4 =	vand.u32 $0xFFFFFFE0, v51  }
0xc7: {  	v3 =	vor.u32 v3, v4  }
0xc8: {  	v4 =	vperm.xlane v3, v0;
	_ =	sdelay $0x1  }
0xc9: {  	v4 =	vadd.s32 v1, v4;
	_ =	sdelay $0x1  }
0xca: {  	v3 =	vperm.xlane v3, v2;
	_ =	sdelay $0x1  }
0xcb: {  	s13 =	simm.s32 $0x16180;
	v3 =	vadd.s32 v1, v3  }
0xcc: {  	[tilespmem:s13], [sflag:$0x3] =	stream.indirect_vreg.gather [hbm4b:s3+s2], $0x80, v4, vm0, $0xb8;
	[tilespmem:$0x18180] =	vst v63  }
0xcd: {  	s13 =	simm.s32 $0x16980  }
0xce: {  	[tilespmem:s13], [sflag:$0x3] =	stream.indirect_vreg.gather [hbm4b:s5+s2], $0x80, v4, vm0, $0xb8;
	[tilespmem:$0x18180] =	vst v63  }
0xcf: {  	s13 =	simm.s32 $0x17180  }
0xd0: {  	[tilespmem:s13], [sflag:$0x3] =	stream.indirect_vreg.gather [hbm4b:s3+s2], $0x80, v3, vm0, $0xb8;
	[tilespmem:$0x18180] =	vst v63  }
0xd1: {  	s13 =	simm.s32 $0x17980  }
0xd2: {  	[tilespmem:s13], [sflag:$0x3] =	stream.indirect_vreg.gather [hbm4b:s5+s2], $0x80, v3, vm0, $0xb8;
	[tilespmem:$0x18180] =	vst v63  }
0xd3: {  	_ =	swait.ge [sflag:s7], $0x8000  }
0xd4: {  	[sflag:s7] =	ssyncset.done $0x0  }
0xd5: {  	s13 =	rddreg [dreg:$0x3];
	[sflag:s7] =	ssyncadd.s32 $0xFFFF8000  }
0xd6: {  	[hbm4b:s13+s2] =	stream.linear.scatter [tilespmem:s16], [sflag:$0x5], $0x8000, $0x38;
	[tilespmem:$0x18180] =	vst v63  }
0xd7: {  	_ =	swait.ge [sflag:s9], $0x8000  }
0xd8: {  	[sflag:s9] =	ssyncset.done $0x0  }
0xd9: {  	[sflag:s9] =	ssyncadd.s32 $0xFFFF8000  }
0xda: {  	v3 =	vld [tilespmem:$0xC0];
	_ =	sdelay $0x4  }
0xdb: {  	v52 =	vshll.u32 v3, $0x2  }
0xdc: {  	v3 =	vand.u32 $0x7, v3;
	v4 =	vand.u32 $0xFFFFFFE0, v52  }
0xdd: {  	v3 =	vor.u32 v3, v4  }
0xde: {  	v4 =	vperm.xlane v3, v0;
	_ =	sdelay $0x1  }
0xdf: {  	v4 =	vadd.s32 v1, v4;
	_ =	sdelay $0x1  }
0xe0: {  	v3 =	vperm.xlane v3, v2;
	_ =	sdelay $0x1  }
0xe1: {  	v3 =	vadd.s32 v1, v3  }
0xe2: {  	[tilespmem:s24], [sflag:$0x1] =	stream.indirect_vreg.gather [hbm4b:s3+s2], $0x80, v4, vm0, $0xb8;
	[tilespmem:$0x18180] =	vst v63  }
0xe3: {  	_ = 	snop  }
0xe4: {  	[tilespmem:s14], [sflag:$0x1] =	stream.indirect_vreg.gather [hbm4b:s5+s2], $0x80, v4, vm0, $0xb8;
	[tilespmem:$0x18180] =	vst v63  }
0xe5: {  	_ = 	snop  }
0xe6: {  	[tilespmem:s17], [sflag:$0x1] =	stream.indirect_vreg.gather [hbm4b:s3+s2], $0x80, v3, vm0, $0xb8;
	[tilespmem:$0x18180] =	vst v63  }
0xe7: {  	_ = 	snop  }
0xe8: {  	[tilespmem:s18], [sflag:$0x1] =	stream.indirect_vreg.gather [hbm4b:s5+s2], $0x80, v3, vm0, $0xb8;
	[tilespmem:$0x18180] =	vst v63  }
0xe9: {  	v3 =	vld [tilespmem:$0xD0];
	_ =	sdelay $0x4  }
0xea: {  	v53 =	vshll.u32 v3, $0x2  }
0xeb: {  	v3 =	vand.u32 $0x7, v3;
	v4 =	vand.u32 $0xFFFFFFE0, v53  }
0xec: {  	v3 =	vor.u32 v3, v4  }
0xed: {  	v4 =	vperm.xlane v3, v0;
	_ =	sdelay $0x1  }
0xee: {  	v4 =	vadd.s32 v1, v4;
	_ =	sdelay $0x1  }
0xef: {  	v3 =	vperm.xlane v3, v2;
	_ =	sdelay $0x1  }
0xf0: {  	v3 =	vadd.s32 v1, v3  }
0xf1: {  	[tilespmem:s19], [sflag:$0x1] =	stream.indirect_vreg.gather [hbm4b:s3+s2], $0x80, v4, vm0, $0xb8;
	[tilespmem:$0x18180] =	vst v63  }
0xf2: {  	_ = 	snop  }
0xf3: {  	[tilespmem:s20], [sflag:$0x1] =	stream.indirect_vreg.gather [hbm4b:s5+s2], $0x80, v4, vm0, $0xb8;
	[tilespmem:$0x18180] =	vst v63  }
0xf4: {  	_ = 	snop  }
0xf5: {  	[tilespmem:s21], [sflag:$0x1] =	stream.indirect_vreg.gather [hbm4b:s3+s2], $0x80, v3, vm0, $0xb8;
	[tilespmem:$0x18180] =	vst v63  }
0xf6: {  	_ = 	snop  }
0xf7: {  	[tilespmem:s22], [sflag:$0x1] =	stream.indirect_vreg.gather [hbm4b:s5+s2], $0x80, v3, vm0, $0xb8;
	[tilespmem:$0x18180] =	vst v63  }
0xf8: {  	v3 =	vld [tilespmem:$0xE0];
	_ =	sdelay $0x4  }
0xf9: {  	v54 =	vshll.u32 v3, $0x2  }
0xfa: {  	v3 =	vand.u32 $0x7, v3;
	v4 =	vand.u32 $0xFFFFFFE0, v54  }
0xfb: {  	v3 =	vor.u32 v3, v4  }
0xfc: {  	v4 =	vperm.xlane v3, v0;
	_ =	sdelay $0x1  }
0xfd: {  	v4 =	vadd.s32 v1, v4;
	_ =	sdelay $0x1  }
0xfe: {  	v3 =	vperm.xlane v3, v2;
	_ =	sdelay $0x1  }
0xff: {  	v3 =	vadd.s32 v1, v3  }
0x100: {  	[tilespmem:s23], [sflag:$0x1] =	stream.indirect_vreg.gather [hbm4b:s3+s2], $0x80, v4, vm0, $0xb8;
	[tilespmem:$0x18180] =	vst v63  }
0x101: {  	_ = 	snop  }
0x102: {  	[tilespmem:s25], [sflag:$0x1] =	stream.indirect_vreg.gather [hbm4b:s5+s2], $0x80, v4, vm0, $0xb8;
	[tilespmem:$0x18180] =	vst v63  }
0x103: {  	_ = 	snop  }
0x104: {  	[tilespmem:s26], [sflag:$0x1] =	stream.indirect_vreg.gather [hbm4b:s3+s2], $0x80, v3, vm0, $0xb8;
	[tilespmem:$0x18180] =	vst v63  }
0x105: {  	_ = 	snop  }
0x106: {  	[tilespmem:s28], [sflag:$0x1] =	stream.indirect_vreg.gather [hbm4b:s5+s2], $0x80, v3, vm0, $0xb8;
	[tilespmem:$0x18180] =	vst v63  }
0x107: {  	v3 =	vld [tilespmem:$0xF0];
	_ =	sdelay $0x4  }
0x108: {  	v55 =	vshll.u32 v3, $0x2  }
0x109: {  	v3 =	vand.u32 $0x7, v3;
	v4 =	vand.u32 $0xFFFFFFE0, v55  }
0x10a: {  	v3 =	vor.u32 v3, v4  }
0x10b: {  	v4 =	vperm.xlane v3, v0;
	_ =	sdelay $0x1  }
0x10c: {  	v4 =	vadd.s32 v1, v4;
	_ =	sdelay $0x1  }
0x10d: {  	v3 =	vperm.xlane v3, v2;
	_ =	sdelay $0x1  }
0x10e: {  	v3 =	vadd.s32 v1, v3  }
0x10f: {  	[tilespmem:s29], [sflag:$0x1] =	stream.indirect_vreg.gather [hbm4b:s3+s2], $0x80, v4, vm0, $0xb8;
	[tilespmem:$0x18180] =	vst v63  }
0x110: {  	_ = 	snop  }
0x111: {  	[tilespmem:s30], [sflag:$0x1] =	stream.indirect_vreg.gather [hbm4b:s5+s2], $0x80, v4, vm0, $0xb8;
	[tilespmem:$0x18180] =	vst v63  }
0x112: {  	_ = 	snop  }
0x113: {  	[tilespmem:s31], [sflag:$0x1] =	stream.indirect_vreg.gather [hbm4b:s3+s2], $0x80, v3, vm0, $0xb8;
	[tilespmem:$0x18180] =	vst v63  }
0x114: {  	_ = 	snop  }
0x115: {  	[tilespmem:s1], [sflag:$0x1] =	stream.indirect_vreg.gather [hbm4b:s5+s2], $0x80, v3, vm0, $0xb8;
	[tilespmem:$0x18180] =	vst v63  }
0x116: {  	_ =	swait.ge [sflag:s10], $0x8000  }
0x117: {  	[sflag:s10] =	ssyncset.done $0x0  }
0x118: {  	s1 =	rddreg [dreg:$0x4];
	[sflag:s10] =	ssyncadd.s32 $0xFFFF8000  }
0x119: {  	[hbm4b:s1+s2] =	stream.linear.scatter [tilespmem:s4], [sflag:$0x6], $0x8000, $0x38;
	[tilespmem:$0x18180] =	vst v63  }
0x11a: {  	_ =	swait.ge [sflag:s11], $0x8000  }
0x11b: {  	[sflag:s11] =	ssyncset.done $0x0  }
0x11c: {  	[sflag:s11] =	ssyncadd.s32 $0xFFFF8000  }
0x11d: {  	v3 =	vld [tilespmem:$0x100];
	_ =	sdelay $0x4  }
0x11e: {  	v56 =	vshll.u32 v3, $0x2  }
0x11f: {  	v3 =	vand.u32 $0x7, v3;
	v4 =	vand.u32 $0xFFFFFFE0, v56  }
0x120: {  	v3 =	vor.u32 v3, v4  }
0x121: {  	v4 =	vperm.xlane v3, v0;
	_ =	sdelay $0x1  }
0x122: {  	v4 =	vadd.s32 v1, v4;
	_ =	sdelay $0x1  }
0x123: {  	v3 =	vperm.xlane v3, v2;
	_ =	sdelay $0x1  }
0x124: {  	v3 =	vadd.s32 v1, v3  }
0x125: {  	[tilespmem:s16], [sflag:$0x2] =	stream.indirect_vreg.gather [hbm4b:s3+s2], $0x80, v4, vm0, $0xb8;
	[tilespmem:$0x18180] =	vst v63  }
0x126: {  	s13 =	simm.s32 $0x8980  }
0x127: {  	[tilespmem:s13], [sflag:$0x2] =	stream.indirect_vreg.gather [hbm4b:s5+s2], $0x80, v4, vm0, $0xb8;
	[tilespmem:$0x18180] =	vst v63  }
0x128: {  	s13 =	simm.s32 $0x9180  }
0x129: {  	[tilespmem:s13], [sflag:$0x2] =	stream.indirect_vreg.gather [hbm4b:s3+s2], $0x80, v3, vm0, $0xb8;
	[tilespmem:$0x18180] =	vst v63  }
0x12a: {  	_ = 	snop  }
0x12b: {  	[tilespmem:s8], [sflag:$0x2] =	stream.indirect_vreg.gather [hbm4b:s5+s2], $0x80, v3, vm0, $0xb8;
	[tilespmem:$0x18180] =	vst v63  }
0x12c: {  	v3 =	vld [tilespmem:$0x110];
	_ =	sdelay $0x4  }
0x12d: {  	v57 =	vshll.u32 v3, $0x2  }
0x12e: {  	v3 =	vand.u32 $0x7, v3;
	v4 =	vand.u32 $0xFFFFFFE0, v57  }
0x12f: {  	v3 =	vor.u32 v3, v4  }
0x130: {  	v4 =	vperm.xlane v3, v0;
	_ =	sdelay $0x1  }
0x131: {  	v4 =	vadd.s32 v1, v4;
	_ =	sdelay $0x1  }
0x132: {  	v3 =	vperm.xlane v3, v2;
	_ =	sdelay $0x1  }
0x133: {  	v3 =	vadd.s32 v1, v3  }
0x134: {  	[tilespmem:s15], [sflag:$0x2] =	stream.indirect_vreg.gather [hbm4b:s3+s2], $0x80, v4, vm0, $0xb8;
	[tilespmem:$0x18180] =	vst v63  }
0x135: {  	s13 =	simm.s32 $0xA980  }
0x136: {  	[tilespmem:s13], [sflag:$0x2] =	stream.indirect_vreg.gather [hbm4b:s5+s2], $0x80, v4, vm0, $0xb8;
	[tilespmem:$0x18180] =	vst v63  }
0x137: {  	s13 =	simm.s32 $0xB180  }
0x138: {  	[tilespmem:s13], [sflag:$0x2] =	stream.indirect_vreg.gather [hbm4b:s3+s2], $0x80, v3, vm0, $0xb8;
	[tilespmem:$0x18180] =	vst v63  }
0x139: {  	s13 =	simm.s32 $0xB980  }
0x13a: {  	[tilespmem:s13], [sflag:$0x2] =	stream.indirect_vreg.gather [hbm4b:s5+s2], $0x80, v3, vm0, $0xb8;
	[tilespmem:$0x18180] =	vst v63  }
0x13b: {  	v3 =	vld [tilespmem:$0x120];
	_ =	sdelay $0x4  }
0x13c: {  	v58 =	vshll.u32 v3, $0x2  }
0x13d: {  	v3 =	vand.u32 $0x7, v3;
	v4 =	vand.u32 $0xFFFFFFE0, v58  }
0x13e: {  	v3 =	vor.u32 v3, v4  }
0x13f: {  	v4 =	vperm.xlane v3, v0;
	_ =	sdelay $0x1  }
0x140: {  	v4 =	vadd.s32 v1, v4;
	_ =	sdelay $0x1  }
0x141: {  	v3 =	vperm.xlane v3, v2;
	_ =	sdelay $0x1  }
0x142: {  	s13 =	simm.s32 $0xC180;
	v3 =	vadd.s32 v1, v3  }
0x143: {  	[tilespmem:s13], [sflag:$0x2] =	stream.indirect_vreg.gather [hbm4b:s3+s2], $0x80, v4, vm0, $0xb8;
	[tilespmem:$0x18180] =	vst v63  }
0x144: {  	s13 =	simm.s32 $0xC980  }
0x145: {  	[tilespmem:s13], [sflag:$0x2] =	stream.indirect_vreg.gather [hbm4b:s5+s2], $0x80, v4, vm0, $0xb8;
	[tilespmem:$0x18180] =	vst v63  }
0x146: {  	s13 =	simm.s32 $0xD180  }
0x147: {  	[tilespmem:s13], [sflag:$0x2] =	stream.indirect_vreg.gather [hbm4b:s3+s2], $0x80, v3, vm0, $0xb8;
	[tilespmem:$0x18180] =	vst v63  }
0x148: {  	s13 =	simm.s32 $0xD980  }
0x149: {  	[tilespmem:s13], [sflag:$0x2] =	stream.indirect_vreg.gather [hbm4b:s5+s2], $0x80, v3, vm0, $0xb8;
	[tilespmem:$0x18180] =	vst v63  }
0x14a: {  	v3 =	vld [tilespmem:$0x130];
	_ =	sdelay $0x4  }
0x14b: {  	v59 =	vshll.u32 v3, $0x2  }
0x14c: {  	v3 =	vand.u32 $0x7, v3;
	v4 =	vand.u32 $0xFFFFFFE0, v59  }
0x14d: {  	v3 =	vor.u32 v3, v4  }
0x14e: {  	v4 =	vperm.xlane v3, v0;
	_ =	sdelay $0x1  }
0x14f: {  	v4 =	vadd.s32 v1, v4;
	_ =	sdelay $0x1  }
0x150: {  	v3 =	vperm.xlane v3, v2;
	_ =	sdelay $0x1  }
0x151: {  	s13 =	simm.s32 $0xE180;
	v3 =	vadd.s32 v1, v3  }
0x152: {  	[tilespmem:s13], [sflag:$0x2] =	stream.indirect_vreg.gather [hbm4b:s3+s2], $0x80, v4, vm0, $0xb8;
	[tilespmem:$0x18180] =	vst v63  }
0x153: {  	s13 =	simm.s32 $0xE980  }
0x154: {  	[tilespmem:s13], [sflag:$0x2] =	stream.indirect_vreg.gather [hbm4b:s5+s2], $0x80, v4, vm0, $0xb8;
	[tilespmem:$0x18180] =	vst v63  }
0x155: {  	s13 =	simm.s32 $0xF180  }
0x156: {  	[tilespmem:s13], [sflag:$0x2] =	stream.indirect_vreg.gather [hbm4b:s3+s2], $0x80, v3, vm0, $0xb8;
	[tilespmem:$0x18180] =	vst v63  }
0x157: {  	s13 =	simm.s32 $0xF980  }
0x158: {  	[tilespmem:s13], [sflag:$0x2] =	stream.indirect_vreg.gather [hbm4b:s5+s2], $0x80, v3, vm0, $0xb8;
	[tilespmem:$0x18180] =	vst v63  }
0x159: {  	_ =	swait.ge [sflag:s0], $0x8000  }
0x15a: {  	[sflag:s0] =	ssyncset.done $0x0  }
0x15b: {  	s1 =	rddreg [dreg:$0x5];
	[sflag:s0] =	ssyncadd.s32 $0xFFFF8000  }
0x15c: {  	[hbm4b:s1+s2] =	stream.linear.scatter [tilespmem:s24], [sflag:$0x4], $0x8000, $0x38;
	[tilespmem:$0x18180] =	vst v63  }
0x15d: {  	_ =	swait.ge [sflag:s12], $0x8000  }
0x15e: {  	[sflag:s12] =	ssyncset.done $0x0  }
0x15f: {  	[sflag:s12] =	ssyncadd.s32 $0xFFFF8000  }
0x160: {  	v3 =	vld [tilespmem:$0x140];
	_ =	sdelay $0x4  }
0x161: {  	v60 =	vshll.u32 v3, $0x2  }
0x162: {  	v3 =	vand.u32 $0x7, v3;
	v4 =	vand.u32 $0xFFFFFFE0, v60  }
0x163: {  	v3 =	vor.u32 v3, v4  }
0x164: {  	v4 =	vperm.xlane v3, v0;
	_ =	sdelay $0x1  }
0x165: {  	v4 =	vadd.s32 v1, v4;
	_ =	sdelay $0x1  }
0x166: {  	v3 =	vperm.xlane v3, v2;
	_ =	sdelay $0x1  }
0x167: {  	v3 =	vadd.s32 v1, v3  }
0x168: {  	[tilespmem:s4], [sflag:$0x3] =	stream.indirect_vreg.gather [hbm4b:s3+s2], $0x80, v4, vm0, $0xb8;
	[tilespmem:$0x18180] =	vst v63  }
0x169: {  	s13 =	simm.s32 $0x10980  }
0x16a: {  	[tilespmem:s13], [sflag:$0x3] =	stream.indirect_vreg.gather [hbm4b:s5+s2], $0x80, v4, vm0, $0xb8;
	[tilespmem:$0x18180] =	vst v63  }
0x16b: {  	s1 =	simm.s32 $0x11180  }
0x16c: {  	[tilespmem:s1], [sflag:$0x3] =	stream.indirect_vreg.gather [hbm4b:s3+s2], $0x80, v3, vm0, $0xb8;
	[tilespmem:$0x18180] =	vst v63  }
0x16d: {  	s13 =	simm.s32 $0x11980  }
0x16e: {  	[tilespmem:s13], [sflag:$0x3] =	stream.indirect_vreg.gather [hbm4b:s5+s2], $0x80, v3, vm0, $0xb8;
	[tilespmem:$0x18180] =	vst v63  }
0x16f: {  	v3 =	vld [tilespmem:$0x150];
	_ =	sdelay $0x4  }
0x170: {  	v61 =	vshll.u32 v3, $0x2  }
0x171: {  	v3 =	vand.u32 $0x7, v3;
	v4 =	vand.u32 $0xFFFFFFE0, v61  }
0x172: {  	v3 =	vor.u32 v3, v4  }
0x173: {  	v4 =	vperm.xlane v3, v0;
	_ =	sdelay $0x1  }
0x174: {  	v4 =	vadd.s32 v1, v4;
	_ =	sdelay $0x1  }
0x175: {  	v3 =	vperm.xlane v3, v2;
	_ =	sdelay $0x1  }
0x176: {  	s1 =	simm.s32 $0x12180;
	v3 =	vadd.s32 v1, v3  }
0x177: {  	[tilespmem:s1], [sflag:$0x3] =	stream.indirect_vreg.gather [hbm4b:s3+s2], $0x80, v4, vm0, $0xb8;
	[tilespmem:$0x18180] =	vst v63  }
0x178: {  	s13 =	simm.s32 $0x12980  }
0x179: {  	[tilespmem:s13], [sflag:$0x3] =	stream.indirect_vreg.gather [hbm4b:s5+s2], $0x80, v4, vm0, $0xb8;
	[tilespmem:$0x18180] =	vst v63  }
0x17a: {  	s1 =	simm.s32 $0x13180  }
0x17b: {  	[tilespmem:s1], [sflag:$0x3] =	stream.indirect_vreg.gather [hbm4b:s3+s2], $0x80, v3, vm0, $0xb8;
	[tilespmem:$0x18180] =	vst v63  }
0x17c: {  	s13 =	simm.s32 $0x13980  }
0x17d: {  	[tilespmem:s13], [sflag:$0x3] =	stream.indirect_vreg.gather [hbm4b:s5+s2], $0x80, v3, vm0, $0xb8;
	[tilespmem:$0x18180] =	vst v63  }
0x17e: {  	v3 =	vld [tilespmem:$0x160];
	_ =	sdelay $0x4  }
0x17f: {  	v62 =	vshll.u32 v3, $0x2  }
0x180: {  	v3 =	vand.u32 $0x7, v3;
	v4 =	vand.u32 $0xFFFFFFE0, v62  }
0x181: {  	v3 =	vor.u32 v3, v4  }
0x182: {  	v4 =	vperm.xlane v3, v0;
	_ =	sdelay $0x1  }
0x183: {  	v4 =	vadd.s32 v1, v4;
	_ =	sdelay $0x1  }
0x184: {  	v3 =	vperm.xlane v3, v2;
	_ =	sdelay $0x1  }
0x185: {  	s1 =	simm.s32 $0x14180;
	v3 =	vadd.s32 v1, v3  }
0x186: {  	[tilespmem:s1], [sflag:$0x3] =	stream.indirect_vreg.gather [hbm4b:s3+s2], $0x80, v4, vm0, $0xb8;
	[tilespmem:$0x18180] =	vst v63  }
0x187: {  	s13 =	simm.s32 $0x14980  }
0x188: {  	[tilespmem:s13], [sflag:$0x3] =	stream.indirect_vreg.gather [hbm4b:s5+s2], $0x80, v4, vm0, $0xb8;
	[tilespmem:$0x18180] =	vst v63  }
0x189: {  	s1 =	simm.s32 $0x15180  }
0x18a: {  	[tilespmem:s1], [sflag:$0x3] =	stream.indirect_vreg.gather [hbm4b:s3+s2], $0x80, v3, vm0, $0xb8;
	[tilespmem:$0x18180] =	vst v63  }
0x18b: {  	s13 =	simm.s32 $0x15980  }
0x18c: {  	[tilespmem:s13], [sflag:$0x3] =	stream.indirect_vreg.gather [hbm4b:s5+s2], $0x80, v3, vm0, $0xb8;
	[tilespmem:$0x18180] =	vst v63  }
0x18d: {  	v3 =	vld [tilespmem:$0x170];
	_ =	sdelay $0x4  }
0x18e: {  	v63 =	vshll.u32 v3, $0x2  }
0x18f: {  	v3 =	vand.u32 $0x7, v3;
	v4 =	vand.u32 $0xFFFFFFE0, v63  }
0x190: {  	v3 =	vor.u32 v3, v4  }
0x191: {  	v4 =	vperm.xlane v3, v0;
	_ =	sdelay $0x1  }
0x192: {  	v4 =	vadd.s32 v1, v4;
	_ =	sdelay $0x1  }
0x193: {  	v3 =	vperm.xlane v3, v2;
	_ =	sdelay $0x1  }
0x194: {  	s1 =	simm.s32 $0x16180;
	v3 =	vadd.s32 v1, v3  }
0x195: {  	[tilespmem:s1], [sflag:$0x3] =	stream.indirect_vreg.gather [hbm4b:s3+s2], $0x80, v4, vm0, $0xb8;
	[tilespmem:$0x18180] =	vst v63  }
0x196: {  	s13 =	simm.s32 $0x16980  }
0x197: {  	[tilespmem:s13], [sflag:$0x3] =	stream.indirect_vreg.gather [hbm4b:s5+s2], $0x80, v4, vm0, $0xb8;
	[tilespmem:$0x18180] =	vst v63  }
0x198: {  	s1 =	simm.s32 $0x17180  }
0x199: {  	[tilespmem:s1], [sflag:$0x3] =	stream.indirect_vreg.gather [hbm4b:s3+s2], $0x80, v3, vm0, $0xb8;
	[tilespmem:$0x18180] =	vst v63  }
0x19a: {  	s13 =	simm.s32 $0x17980  }
0x19b: {  	[tilespmem:s13], [sflag:$0x3] =	stream.indirect_vreg.gather [hbm4b:s5+s2], $0x80, v3, vm0, $0xb8;
	[tilespmem:$0x18180] =	vst v63  }
0x19c: {  	_ =	swait.ge [sflag:s7], $0x8000  }
0x19d: {  	[sflag:s7] =	ssyncset.done $0x0  }
0x19e: {  	s0 =	rddreg [dreg:$0x6];
	[sflag:s7] =	ssyncadd.s32 $0xFFFF8000  }
0x19f: {  	[hbm4b:s0+s2] =	stream.linear.scatter [tilespmem:s16], [sflag:$0x5], $0x8000, $0x38;
	[tilespmem:$0x18180] =	vst v63  }
0x1a0: {  	_ =	swait.ge [sflag:s10], $0x8000  }
0x1a1: {  	[sflag:s10] =	ssyncset.done $0x0  }
0x1a2: {  	s1 =	rddreg [dreg:$0x7];
	[sflag:s10] =	ssyncadd.s32 $0xFFFF8000  }
0x1a3: {  	[hbm4b:s1+s2] =	stream.linear.scatter [tilespmem:s4], [sflag:$0x6], $0x8000, $0x38;
	[tilespmem:$0x18180] =	vst v63  }
0x1a4: {  	_ =	swait.ge [sflag:s9], $0x8000  }
0x1a5: {  	[sflag:s9] =	ssyncset.done $0x0  }
0x1a6: {  	[sflag:s9] =	ssyncadd.s32 $0xFFFF8000  }
0x1a7: {  	p0 =	sne.s32 s6, $0x1;
	_ =	swait.ge [sflag:s11], $0x8000  }
.Ltmp0:
0x1a8: {  	[sflag:s11] =	ssyncset.done $0x0;
	(pc) =	sbr.rel @p0 .LBB2_1-.Ltmp0, $4  }
0x1a9: {  	[sflag:s11] =	ssyncadd.s32 $0xFFFF8000  }
0x1aa: {  	_ =	swait.ge [sflag:s12], $0x8000  }
0x1ab: {  	[sflag:s12] =	ssyncset.done $0x0  }
0x1ac: {  	s6 =	sadd.s32 $0xFFFFFFFF, s6;
	[sflag:s12] =	ssyncadd.s32 $0xFFFF8000  }
0x1ad: {  	_ =	sfence.sel $0x180000  }
0x1ae: {  	[bflag:$0x0] =	sbarrier.arrive $0xFFFF  }
0x1af: {  	_ =	strace $0x90000047  }
0x1b0: {  	s0 =	stileid.u32;
	[bflag:$0x2] =	sbarrier.arrive $0xFFFF  }
0x1b1: {  	p0 =	sne.s32 s0, $0x0;
	s0 =	rddreg [dreg:$0x1]  }
0x1b2: {  	s0 =	sadd.s32 @!p0 $0x100000, s0  }
0x1b3: {  	[sflag:s0] =	ssyncadd.tile.s32 @!p0 $0x1;
	_ =	shalt  }
.Lfunc_end2:
_tile_overlayer_lowered:
.L_overlay_start_2:
0x1b4: {  	(tag) =	ssettag $0x2  }
0x1b5: {  	s0 =	rddreg [dreg:$0x0];
	s2 =	stileid.u32  }
0x1b6: {  	s1 =	rddreg [dreg:$0x1];
	p0 =	sne.s32 s2, $0x0  }
0x1b7: {  	s3 =	rddreg [dreg:$0x2];
	[bflag:$0x3] =	sbarrier.arrive $0xFFFF;
	s2 =	simm.s32 @!p0 $0x1C07  }
0x1b8: {  	[timem:s3], [sflag:s2] =	dma.local @!p0 [hbm:s0], s1  }
0x1b9: {  	s0 =	simm.s32 @!p0 $0x7  }
0x1ba: {  	_ =	swait.ge @!p0 [sflag:s0], s1  }
0x1bb: {  	s1 =	ssub.s32 @!p0 $0x0, s1;
	[sflag:s0] =	ssyncset.done @!p0 $0x0  }
0x1bc: {  	[sflag:s0] =	ssyncadd.s32 @!p0 s1  }
0x1bd: {  	[bflag:$0x3] =	sbarrier.arrive $0xFFFF  }
0x1be: {  	_ =	shalt  }

</sc_bundles>
